<compile_context>
chip_gen: v7x
topology: tpu7x:2x2x1
jax: 0.10.2.dev20260603
libtpu: 0.0.44.dev20260713+nightly
codegen_flags: <defaults>
</compile_context>

<pallas_src>
import functools

import jax
import jax.numpy as jnp
from jax import lax
from jax.experimental import pallas as pl
from jax.experimental.pallas import tpu as pltpu
from jax.experimental.pallas import tpu_sc as plsc

_TIME_INTERVAL = 86400.0
_N_TIME_INTERVAL = 100
_LANES = 16
_REP = 8


@functools.partial(jax.jit, static_argnums=(2, 3, 4))
def _sc_lookup(table_rep, ts_flat, n_rows, row_len, emb):
    n = n_rows * row_len
    info = plsc.get_sparse_core_info()
    nc, ns = info.num_cores, info.num_subcores
    nw = nc * ns
    per_w = n // nw
    bs_w = n_rows // nw
    n_groups = per_w // _LANES
    stride = bs_w + 1
    net = emb // 8
    nbc = bs_w // _LANES

    mesh = plsc.VectorSubcoreMesh(core_axis_name="c", subcore_axis_name="s")

    @functools.partial(
        pl.kernel,
        mesh=mesh,
        out_type=jax.ShapeDtypeStruct((row_len, net, nw, 8, bs_w), jnp.float32),
        scratch_types=[
            pltpu.VMEM((8 + per_w + 8,), jnp.int32),
            pltpu.VMEM((table_rep.shape[0],), jnp.float32),
            pltpu.VMEM((row_len * stride + 8,), jnp.int32),
            pltpu.VMEM((2, net, 8, bs_w), jnp.float32),
            pltpu.SemaphoreType.DMA((2,)),
        ],
        compiler_params=pltpu.CompilerParams(
            use_tc_tiling_on_sc=False, needs_layout_passes=False),
    )
    def k(table_hbm, ts_hbm, out_hbm, ts_v, table_v, idx_v, plane_v, ssem):
        wid = lax.axis_index("s") * nc + lax.axis_index("c")
        base = wid * per_w
        pltpu.sync_copy(table_hbm, table_v)
        pltpu.sync_copy(ts_hbm.at[pl.ds(base, per_w)], ts_v.at[pl.ds(8, per_w)])
        iot = lax.iota(jnp.int32, _LANES)
        lane_rep = lax.rem(iot, jnp.int32(_REP))

        @plsc.parallel_loop(0, n_groups, unroll=2)
        def _phase1(g):
            off = g * _LANES
            cur = ts_v[pl.ds(off + 8, _LANES)]
            prev = ts_v[pl.ds(off + 7, _LANES)]
            diff = (cur - prev).astype(jnp.float32)
            t = diff / _TIME_INTERVAL * float(_N_TIME_INTERVAL)
            iv = t.astype(jnp.int32)
            iv = jnp.minimum(jnp.maximum(iv, 0), _N_TIME_INTERVAL)
            pos = off + iot
            rel = lax.rem(pos, jnp.int32(row_len))
            iv = jnp.where(rel == 0, 0, iv)
            brow = ((pos - rel).astype(jnp.float32) /
                    float(row_len)).astype(jnp.int32)
            plsc.store_scatter(idx_v, [rel * stride + brow], iv)

        vstep = (_N_TIME_INTERVAL + 1) * _REP

        def do_plane(l, s):
            ivs = []
            for c in range(nbc):
                raw = idx_v[pl.ds(l * stride + c * _LANES, _LANES)]
                ivs.append(raw * _REP + lane_rep)

            def te_body(te, carry):
                for es in range(8):
                    cbase = te * (8 * vstep) + es * vstep
                    row_ref = plane_v.at[s, te, es]
                    vs = [plsc.load_gather(table_v, [ivs[c] + cbase])
                          for c in range(nbc)]
                    for c in range(nbc):
                        row_ref[pl.ds(c * _LANES, _LANES)] = vs[c]
                pltpu.async_copy(
                    plane_v.at[s, te],
                    out_hbm.at[l, te, wid],
                    ssem.at[s],
                )
                return carry

            lax.fori_loop(0, net, te_body, 0)

        def wait_plane(s):
            for te in range(net):
                pltpu.make_async_copy(
                    plane_v.at[s, te],
                    out_hbm.at[0, te, wid],
                    ssem.at[s],
                ).wait()

        def body(i, carry):
            for s in (0, 1):
                l = i * 2 + s

                @pl.when(l >= 2)
                def _():
                    wait_plane(s)

                do_plane(l, s)
            return carry

        lax.fori_loop(0, row_len // 2, body, 0)
        wait_plane(0)
        wait_plane(1)

    return k(table_rep, ts_flat)


def kernel(inputs, timestamp, W, b):
    batch, max_len = timestamp.shape
    emb = W.shape[0]
    table_e_major = W + b[:, None]
    table_rep = jnp.broadcast_to(
        table_e_major[:, :, None], (emb, W.shape[1], _REP)).reshape(-1)
    out5 = _sc_lookup(table_rep, timestamp.reshape(batch * max_len),
                      batch, max_len, emb)
    return out5.transpose(2, 4, 0, 1, 3).reshape(batch, max_len, emb)

# --- scband reference (transcript-rebuilt; emitter-appended) ---
"""Pipeline reference for scband-interval-time-encoder-46651934769846 (READ-ONLY COPY).

The authoritative reference and input builder live on the scoring server;
editing this copy changes nothing except your own understanding.
"""

import jax, jax.numpy as jnp
import numpy as np

TIME_INTERVAL = 86400
N_TIME_INTERVAL = 100
EMB = 64
B, L = 4096, 200


def setup_inputs(seed: int = 0) -> dict:
    key = jax.random.key(seed)
    k1, k2, k3 = jax.random.split(key, 3)
    inputs = jax.random.normal(k1, (B, L), dtype=jnp.float32)
    timestamp = jnp.sort(jax.random.randint(k2, (B, L), 0, 1000000, dtype=jnp.int32), axis=-1)
    # linear_1: Linear(n_time_interval+1 -> emb_size), xavier_normal_ weight, default bias
    fan_in, fan_out = N_TIME_INTERVAL + 1, EMB
    std = (2.0 / (fan_in + fan_out)) ** 0.5
    W = jax.random.normal(k3, (EMB, N_TIME_INTERVAL + 1), dtype=jnp.float32) * std
    b = jnp.zeros((EMB,), dtype=jnp.float32)
    return {"inputs": inputs, "timestamp": timestamp, "W": W, "b": b}


def reference(inputs, timestamp, W, b):
    batch_size, max_len = inputs.shape
    time_diffs = timestamp[:, 1:] - timestamp[:, :-1]
    first_time = jnp.zeros((batch_size, 1), dtype=timestamp.dtype)
    pass_time = jnp.concatenate([first_time, time_diffs], axis=1)
    pass_time = (pass_time.astype(jnp.float32) / TIME_INTERVAL * N_TIME_INTERVAL).astype(jnp.int32)
    pass_time = jax.nn.relu(pass_time)
    pass_time = jnp.clip(pass_time, 0, N_TIME_INTERVAL)
    pass_time = pass_time.reshape(batch_size * max_len)
    one_hot = jnp.zeros((batch_size * max_len, N_TIME_INTERVAL + 1), dtype=jnp.float32)
    one_hot = one_hot.at[jnp.arange(batch_size * max_len), pass_time].set(1.0)
    time_embedding = one_hot @ W.T + b
    return time_embedding.reshape(batch_size, max_len, EMB)

if __name__ == "__main__":
    import jax
    _d = setup_inputs()
    print(jax.jit(kernel)(*tuple(_d.values())))

</pallas_src>

<mosaic_0001>
#map = affine_map<(d0, d1) -> (0)>
#map1 = affine_map<(d0, d1) -> (0, 0, 0, 0, 0)>
module attributes {stable_mosaic.version = 14 : i64} {
  func.func @k(%arg0: i32, %arg1: i32, %arg2: memref<51712xf32, #tpu.memory_space<hbm>>, %arg3: memref<819200xi32, #tpu.memory_space<hbm>>, %arg4: memref<200x8x32x8x128xf32, #tpu.memory_space<hbm>>, %arg5: memref<25616xi32, #tpu.memory_space<vmem>>, %arg6: memref<51712xf32, #tpu.memory_space<vmem>>, %arg7: memref<25808xi32, #tpu.memory_space<vmem>>, %arg8: memref<2x8x8x128xf32, #tpu.memory_space<vmem>>, %arg9: memref<2x!tpu.dma_semaphore, #tpu.memory_space<semaphore_mem>>) attributes {dimension_semantics = [#tpu.dimension_semantics<core_parallel>, #tpu.dimension_semantics<subcore_parallel>], iteration_bounds = array<i64: 2, 16>, scalar_prefetch = 0 : i64, scratch_operands = 5 : i64, tpu.core_type = #tpu.core_type<sc_vector_subcore>, window_params = [{transform_indices = #map}, {transform_indices = #map}, {transform_indices = #map1}]} {
    %mul3A = arith.constant 2 : i32
    %mul3A_0 = arith.muli %arg1, %mul3A : i32
    %add3A = arith.addi %mul3A_0, %arg0 : i32
    %mul3A_1 = arith.constant 25600 : i32
    %mul3A_2 = arith.muli %add3A, %mul3A_1 : i32
    "tpu.region"() ({
      %run_scoped3A = tpu.sem_alloc : memref<!tpu.dma_semaphore, #tpu.memory_space<semaphore_mem>>
      tpu.enqueue_dma source(%arg2 : memref<51712xf32, #tpu.memory_space<hbm>>) target(%arg6 : memref<51712xf32, #tpu.memory_space<vmem>>) target_semaphore(%run_scoped3A : memref<!tpu.dma_semaphore, #tpu.memory_space<semaphore_mem>>)
      tpu.wait_dma2 semaphore(%run_scoped3A : memref<!tpu.dma_semaphore, #tpu.memory_space<semaphore_mem>>) src(%arg2 : memref<51712xf32, #tpu.memory_space<hbm>>) dst(%arg6 : memref<51712xf32, #tpu.memory_space<vmem>>)
      tpu.yield
    }) : () -> ()
    "tpu.region"() ({
      %run_scoped3A = tpu.sem_alloc : memref<!tpu.dma_semaphore, #tpu.memory_space<semaphore_mem>>
      %dma_start3A = arith.constant 8 : i32
      %dma_start3A_379 = tpu.memref_slice %arg5[%dma_start3A] : memref<25616xi32, #tpu.memory_space<vmem>> -> memref<25600xi32, #tpu.memory_space<vmem>>
      %dma_start3A_380 = tpu.memref_slice %arg3[%mul3A_2] : memref<819200xi32, #tpu.memory_space<hbm>> -> memref<25600xi32, #tpu.memory_space<hbm>>
      %dma_start3A_381 = arith.constant 8 : i32
      %dma_start3A_382 = tpu.memref_slice %arg5[%dma_start3A_381] : memref<25616xi32, #tpu.memory_space<vmem>> -> memref<25600xi32, #tpu.memory_space<vmem>>
      %dma_start3A_383 = tpu.memref_slice %arg3[%mul3A_2] : memref<819200xi32, #tpu.memory_space<hbm>> -> memref<25600xi32, #tpu.memory_space<hbm>>
      tpu.enqueue_dma source(%dma_start3A_383 : memref<25600xi32, #tpu.memory_space<hbm>>) target(%dma_start3A_382 : memref<25600xi32, #tpu.memory_space<vmem>>) target_semaphore(%run_scoped3A : memref<!tpu.dma_semaphore, #tpu.memory_space<semaphore_mem>>)
      %dma_wait3A_384 = arith.constant 8 : i32
      %dma_wait3A_385 = tpu.memref_slice %arg5[%dma_wait3A_384] : memref<25616xi32, #tpu.memory_space<vmem>> -> memref<25600xi32, #tpu.memory_space<vmem>>
      %dma_wait3A_386 = tpu.memref_slice %arg3[%mul3A_2] : memref<819200xi32, #tpu.memory_space<hbm>> -> memref<25600xi32, #tpu.memory_space<hbm>>
      %dma_wait3A_387 = arith.constant 8 : i32
      %dma_wait3A_388 = tpu.memref_slice %arg5[%dma_wait3A_387] : memref<25616xi32, #tpu.memory_space<vmem>> -> memref<25600xi32, #tpu.memory_space<vmem>>
      %dma_wait3A_389 = tpu.memref_slice %arg3[%mul3A_2] : memref<819200xi32, #tpu.memory_space<hbm>> -> memref<25600xi32, #tpu.memory_space<hbm>>
      tpu.wait_dma2 semaphore(%run_scoped3A : memref<!tpu.dma_semaphore, #tpu.memory_space<semaphore_mem>>) src(%dma_wait3A_389 : memref<25600xi32, #tpu.memory_space<hbm>>) dst(%dma_wait3A_388 : memref<25600xi32, #tpu.memory_space<vmem>>)
      tpu.yield
    }) : () -> ()
    %iota3A = tpu.iota {dimensions = array<i32: 0>} : vector<16xi32>
    %rem3A = arith.constant 8 : i32
    %rem3A_3 = vector.broadcast %rem3A : i32 to vector<16xi32>
    %rem3A_4 = arith.remsi %iota3A, %rem3A_3 : vector<16xi32>
    %parallel_loop3A = arith.constant 0 : i32
    %parallel_loop3A_5 = arith.constant 1600 : i32
    %parallel_loop3A_6 = arith.constant 1 : i32
    scf.for %parallel_loop3A_379 = %parallel_loop3A to %parallel_loop3A_5 step %parallel_loop3A_6  : i32 {
      %parallel_loop3A_380 = arith.constant 16 : i32
      %parallel_loop3A_381 = arith.muli %parallel_loop3A_379, %parallel_loop3A_380 : i32
      %parallel_loop3A_382 = arith.constant 8 : i32
      %parallel_loop3A_383 = arith.addi %parallel_loop3A_381, %parallel_loop3A_382 : i32
      %parallel_loop3A_384 = arith.index_cast %parallel_loop3A_383 : i32 to index
      %parallel_loop3A_385 = tpu.vector_load %arg5[%parallel_loop3A_384] {strides = array<i32>} : memref<25616xi32, #tpu.memory_space<vmem>>, vector<16xi32>,
      %parallel_loop3A_386 = arith.constant 7 : i32
      %parallel_loop3A_387 = arith.addi %parallel_loop3A_381, %parallel_loop3A_386 : i32
      %parallel_loop3A_388 = arith.index_cast %parallel_loop3A_387 : i32 to index
      %parallel_loop3A_389 = tpu.vector_load %arg5[%parallel_loop3A_388] {strides = array<i32>} : memref<25616xi32, #tpu.memory_space<vmem>>, vector<16xi32>,
      %parallel_loop3A_390 = arith.subi %parallel_loop3A_385, %parallel_loop3A_389 : vector<16xi32>
      %parallel_loop3A_391 = arith.sitofp %parallel_loop3A_390 : vector<16xi32> to vector<16xf32>
      %parallel_loop3A_392 = arith.constant 8.640000e+04 : f32
      %parallel_loop3A_393 = vector.broadcast %parallel_loop3A_392 : f32 to vector<16xf32>
      %parallel_loop3A_394 = arith.divf %parallel_loop3A_391, %parallel_loop3A_393 : vector<16xf32>
      %parallel_loop3A_395 = arith.constant 1.000000e+02 : f32
      %parallel_loop3A_396 = vector.broadcast %parallel_loop3A_395 : f32 to vector<16xf32>
      %parallel_loop3A_397 = arith.mulf %parallel_loop3A_394, %parallel_loop3A_396 : vector<16xf32>
      %parallel_loop3A_398 = arith.fptosi %parallel_loop3A_397 : vector<16xf32> to vector<16xi32>
      %parallel_loop3A_399 = arith.constant 0 : i32
      %parallel_loop3A_400 = vector.broadcast %parallel_loop3A_399 : i32 to vector<16xi32>
      %parallel_loop3A_401 = arith.maxsi %parallel_loop3A_398, %parallel_loop3A_400 : vector<16xi32>
      %parallel_loop3A_402 = arith.constant 100 : i32
      %parallel_loop3A_403 = vector.broadcast %parallel_loop3A_402 : i32 to vector<16xi32>
      %parallel_loop3A_404 = arith.minsi %parallel_loop3A_401, %parallel_loop3A_403 : vector<16xi32>
      %parallel_loop3A_405 = vector.broadcast %parallel_loop3A_381 : i32 to vector<16xi32>
      %parallel_loop3A_406 = arith.addi %parallel_loop3A_405, %iota3A : vector<16xi32>
      %parallel_loop3A_407 = arith.constant 200 : i32
      %parallel_loop3A_408 = vector.broadcast %parallel_loop3A_407 : i32 to vector<16xi32>
      %parallel_loop3A_409 = arith.remsi %parallel_loop3A_406, %parallel_loop3A_408 : vector<16xi32>
      %parallel_loop3A_410 = arith.constant 0 : i32
      %parallel_loop3A_411 = vector.broadcast %parallel_loop3A_410 : i32 to vector<16xi32>
      %parallel_loop3A_412 = arith.cmpi eq, %parallel_loop3A_409, %parallel_loop3A_411 : vector<16xi32>
      %parallel_loop3A_413 = arith.constant 0 : i32
      %parallel_loop3A_414 = vector.broadcast %parallel_loop3A_413 : i32 to vector<16xi32>
      %parallel_loop3A_415 = arith.select %parallel_loop3A_412, %parallel_loop3A_414, %parallel_loop3A_404 : vector<16xi1>, vector<16xi32>
      %parallel_loop3A_416 = arith.subi %parallel_loop3A_406, %parallel_loop3A_409 : vector<16xi32>
      %parallel_loop3A_417 = arith.sitofp %parallel_loop3A_416 : vector<16xi32> to vector<16xf32>
      %parallel_loop3A_418 = arith.constant 2.000000e+02 : f32
      %parallel_loop3A_419 = vector.broadcast %parallel_loop3A_418 : f32 to vector<16xf32>
      %parallel_loop3A_420 = arith.divf %parallel_loop3A_417, %parallel_loop3A_419 : vector<16xf32>
      %parallel_loop3A_421 = arith.fptosi %parallel_loop3A_420 : vector<16xf32> to vector<16xi32>
      %parallel_loop3A_422 = arith.constant 129 : i32
      %parallel_loop3A_423 = vector.broadcast %parallel_loop3A_422 : i32 to vector<16xi32>
      %parallel_loop3A_424 = arith.muli %parallel_loop3A_409, %parallel_loop3A_423 : vector<16xi32>
      %parallel_loop3A_425 = arith.addi %parallel_loop3A_424, %parallel_loop3A_421 : vector<16xi32>
      tpu.vector_store_idx %arg7[%parallel_loop3A_425], %parallel_loop3A_415 : memref<25808xi32, #tpu.memory_space<vmem>>[vector<16xi32>], vector<16xi32>,
    } {sc.loop_unroll_factor = 2 : i64, sc.parallel_access}
    %scan3A = arith.constant 0 : i32
    %scan3A_7 = arith.constant 0 : i32
    %scan3A_8 = arith.constant 100 : i32
    %scan3A_9 = arith.addi %scan3A_7, %scan3A_8 : i32
    %scan3A_10 = arith.constant 1 : i32
    scf.for %scan3A_379 = %scan3A_7 to %scan3A_9 step %scan3A_10  : i32 {
      %mul3A_380 = arith.constant 2 : i32
      %mul3A_381 = arith.muli %scan3A_379, %mul3A_380 : i32
      %add3A_382 = arith.constant 0 : i32
      %add3A_383 = arith.addi %mul3A_381, %add3A_382 : i32
      %ge3A = arith.constant 2 : i32
      %ge3A_384 = arith.cmpi sge, %add3A_383, %ge3A : i32
      %convert_element_type3A = arith.extui %ge3A_384 : i1 to i32
      %cond3A = arith.constant 0 : i32
      %cond3A_385 = arith.cmpi ne, %convert_element_type3A, %cond3A : i32
      scf.if %cond3A_385 {
        %dma_wait3A_566 = arith.constant 0 : i32
        %dma_wait3A_567 = arith.constant 0 : i32
        %dma_wait3A_568 = arith.constant 0 : i32
        %dma_wait3A_569 = arith.constant 0 : i32
        %dma_wait3A_570 = arith.constant 0 : i32
        %dma_wait3A_571 = arith.constant 0 : i32
        %dma_wait3A_572 = arith.constant 0 : i32
        %dma_wait3A_573 = tpu.memref_slice %arg8[%dma_wait3A_566, %dma_wait3A_567, %dma_wait3A_571, %dma_wait3A_572] : memref<2x8x8x128xf32, #tpu.memory_space<vmem>> -> memref<1x1x8x128xf32, #tpu.memory_space<vmem>>
        %dma_wait3A_574 = tpu.memref_squeeze %dma_wait3A_573 : memref<1x1x8x128xf32, #tpu.memory_space<vmem>> -> memref<8x128xf32, #tpu.memory_space<vmem>>
        %dma_wait3A_575 = arith.constant 0 : i32
        %dma_wait3A_576 = arith.constant 0 : i32
        %dma_wait3A_577 = tpu.memref_slice %arg4[%dma_wait3A_568, %dma_wait3A_569, %add3A, %dma_wait3A_575, %dma_wait3A_576] : memref<200x8x32x8x128xf32, #tpu.memory_space<hbm>> -> memref<1x1x1x8x128xf32, #tpu.memory_space<hbm>>
        %dma_wait3A_578 = tpu.memref_squeeze %dma_wait3A_577 : memref<1x1x1x8x128xf32, #tpu.memory_space<hbm>> -> memref<8x128xf32, #tpu.memory_space<hbm>>
        %dma_wait3A_579 = tpu.memref_slice %arg9[%dma_wait3A_570] : memref<2x!tpu.dma_semaphore, #tpu.memory_space<semaphore_mem>> -> memref<1x!tpu.dma_semaphore, #tpu.memory_space<semaphore_mem>>
        %dma_wait3A_580 = tpu.memref_squeeze %dma_wait3A_579 : memref<1x!tpu.dma_semaphore, #tpu.memory_space<semaphore_mem>> -> memref<!tpu.dma_semaphore, #tpu.memory_space<semaphore_mem>>
        %dma_wait3A_581 = arith.constant 0 : i32
        %dma_wait3A_582 = arith.constant 0 : i32
        %dma_wait3A_583 = tpu.memref_slice %arg4[%dma_wait3A_568, %dma_wait3A_569, %add3A, %dma_wait3A_581, %dma_wait3A_582] : memref<200x8x32x8x128xf32, #tpu.memory_space<hbm>> -> memref<1x1x1x8x128xf32, #tpu.memory_space<hbm>>
        %dma_wait3A_584 = tpu.memref_squeeze %dma_wait3A_583 : memref<1x1x1x8x128xf32, #tpu.memory_space<hbm>> -> memref<8x128xf32, #tpu.memory_space<hbm>>
        %dma_wait3A_585 = arith.constant 0 : i32
        %dma_wait3A_586 = arith.constant 0 : i32
        %dma_wait3A_587 = tpu.memref_slice %arg8[%dma_wait3A_566, %dma_wait3A_567, %dma_wait3A_585, %dma_wait3A_586] : memref<2x8x8x128xf32, #tpu.memory_space<vmem>> -> memref<1x1x8x128xf32, #tpu.memory_space<vmem>>
        %dma_wait3A_588 = tpu.memref_squeeze %dma_wait3A_587 : memref<1x1x8x128xf32, #tpu.memory_space<vmem>> -> memref<8x128xf32, #tpu.memory_space<vmem>>
        tpu.wait_dma2 semaphore(%dma_wait3A_580 : memref<!tpu.dma_semaphore, #tpu.memory_space<semaphore_mem>>) src(%dma_wait3A_588 : memref<8x128xf32, #tpu.memory_space<vmem>>) dst(%dma_wait3A_584 : memref<8x128xf32, #tpu.memory_space<hbm>>)
        %dma_wait3A_589 = arith.constant 0 : i32
        %dma_wait3A_590 = arith.constant 1 : i32
        %dma_wait3A_591 = arith.constant 0 : i32
        %dma_wait3A_592 = arith.constant 1 : i32
        %dma_wait3A_593 = arith.constant 0 : i32
        %dma_wait3A_594 = arith.constant 0 : i32
        %dma_wait3A_595 = arith.constant 0 : i32
        %dma_wait3A_596 = tpu.memref_slice %arg8[%dma_wait3A_589, %dma_wait3A_590, %dma_wait3A_594, %dma_wait3A_595] : memref<2x8x8x128xf32, #tpu.memory_space<vmem>> -> memref<1x1x8x128xf32, #tpu.memory_space<vmem>>
        %dma_wait3A_597 = tpu.memref_squeeze %dma_wait3A_596 : memref<1x1x8x128xf32, #tpu.memory_space<vmem>> -> memref<8x128xf32, #tpu.memory_space<vmem>>
        %dma_wait3A_598 = arith.constant 0 : i32
        %dma_wait3A_599 = arith.constant 0 : i32
        %dma_wait3A_600 = tpu.memref_slice %arg4[%dma_wait3A_591, %dma_wait3A_592, %add3A, %dma_wait3A_598, %dma_wait3A_599] : memref<200x8x32x8x128xf32, #tpu.memory_space<hbm>> -> memref<1x1x1x8x128xf32, #tpu.memory_space<hbm>>
        %dma_wait3A_601 = tpu.memref_squeeze %dma_wait3A_600 : memref<1x1x1x8x128xf32, #tpu.memory_space<hbm>> -> memref<8x128xf32, #tpu.memory_space<hbm>>
        %dma_wait3A_602 = tpu.memref_slice %arg9[%dma_wait3A_593] : memref<2x!tpu.dma_semaphore, #tpu.memory_space<semaphore_mem>> -> memref<1x!tpu.dma_semaphore, #tpu.memory_space<semaphore_mem>>
        %dma_wait3A_603 = tpu.memref_squeeze %dma_wait3A_602 : memref<1x!tpu.dma_semaphore, #tpu.memory_space<semaphore_mem>> -> memref<!tpu.dma_semaphore, #tpu.memory_space<semaphore_mem>>
        %dma_wait3A_604 = arith.constant 0 : i32
        %dma_wait3A_605 = arith.constant 0 : i32
        %dma_wait3A_606 = tpu.memref_slice %arg4[%dma_wait3A_591, %dma_wait3A_592, %add3A, %dma_wait3A_604, %dma_wait3A_605] : memref<200x8x32x8x128xf32, #tpu.memory_space<hbm>> -> memref<1x1x1x8x128xf32, #tpu.memory_space<hbm>>
        %dma_wait3A_607 = tpu.memref_squeeze %dma_wait3A_606 : memref<1x1x1x8x128xf32, #tpu.memory_space<hbm>> -> memref<8x128xf32, #tpu.memory_space<hbm>>
        %dma_wait3A_608 = arith.constant 0 : i32
        %dma_wait3A_609 = arith.constant 0 : i32
        %dma_wait3A_610 = tpu.memref_slice %arg8[%dma_wait3A_589, %dma_wait3A_590, %dma_wait3A_608, %dma_wait3A_609] : memref<2x8x8x128xf32, #tpu.memory_space<vmem>> -> memref<1x1x8x128xf32, #tpu.memory_space<vmem>>
        %dma_wait3A_611 = tpu.memref_squeeze %dma_wait3A_610 : memref<1x1x8x128xf32, #tpu.memory_space<vmem>> -> memref<8x128xf32, #tpu.memory_space<vmem>>
        tpu.wait_dma2 semaphore(%dma_wait3A_603 : memref<!tpu.dma_semaphore, #tpu.memory_space<semaphore_mem>>) src(%dma_wait3A_611 : memref<8x128xf32, #tpu.memory_space<vmem>>) dst(%dma_wait3A_607 : memref<8x128xf32, #tpu.memory_space<hbm>>)
        %dma_wait3A_612 = arith.constant 0 : i32
        %dma_wait3A_613 = arith.constant 2 : i32
        %dma_wait3A_614 = arith.constant 0 : i32
        %dma_wait3A_615 = arith.constant 2 : i32
        %dma_wait3A_616 = arith.constant 0 : i32
        %dma_wait3A_617 = arith.constant 0 : i32
        %dma_wait3A_618 = arith.constant 0 : i32
        %dma_wait3A_619 = tpu.memref_slice %arg8[%dma_wait3A_612, %dma_wait3A_613, %dma_wait3A_617, %dma_wait3A_618] : memref<2x8x8x128xf32, #tpu.memory_space<vmem>> -> memref<1x1x8x128xf32, #tpu.memory_space<vmem>>
        %dma_wait3A_620 = tpu.memref_squeeze %dma_wait3A_619 : memref<1x1x8x128xf32, #tpu.memory_space<vmem>> -> memref<8x128xf32, #tpu.memory_space<vmem>>
        %dma_wait3A_621 = arith.constant 0 : i32
        %dma_wait3A_622 = arith.constant 0 : i32
        %dma_wait3A_623 = tpu.memref_slice %arg4[%dma_wait3A_614, %dma_wait3A_615, %add3A, %dma_wait3A_621, %dma_wait3A_622] : memref<200x8x32x8x128xf32, #tpu.memory_space<hbm>> -> memref<1x1x1x8x128xf32, #tpu.memory_space<hbm>>
        %dma_wait3A_624 = tpu.memref_squeeze %dma_wait3A_623 : memref<1x1x1x8x128xf32, #tpu.memory_space<hbm>> -> memref<8x128xf32, #tpu.memory_space<hbm>>
        %dma_wait3A_625 = tpu.memref_slice %arg9[%dma_wait3A_616] : memref<2x!tpu.dma_semaphore, #tpu.memory_space<semaphore_mem>> -> memref<1x!tpu.dma_semaphore, #tpu.memory_space<semaphore_mem>>
        %dma_wait3A_626 = tpu.memref_squeeze %dma_wait3A_625 : memref<1x!tpu.dma_semaphore, #tpu.memory_space<semaphore_mem>> -> memref<!tpu.dma_semaphore, #tpu.memory_space<semaphore_mem>>
        %dma_wait3A_627 = arith.constant 0 : i32
        %dma_wait3A_628 = arith.constant 0 : i32
        %dma_wait3A_629 = tpu.memref_slice %arg4[%dma_wait3A_614, %dma_wait3A_615, %add3A, %dma_wait3A_627, %dma_wait3A_628] : memref<200x8x32x8x128xf32, #tpu.memory_space<hbm>> -> memref<1x1x1x8x128xf32, #tpu.memory_space<hbm>>
        %dma_wait3A_630 = tpu.memref_squeeze %dma_wait3A_629 : memref<1x1x1x8x128xf32, #tpu.memory_space<hbm>> -> memref<8x128xf32, #tpu.memory_space<hbm>>
        %dma_wait3A_631 = arith.constant 0 : i32
        %dma_wait3A_632 = arith.constant 0 : i32
        %dma_wait3A_633 = tpu.memref_slice %arg8[%dma_wait3A_612, %dma_wait3A_613, %dma_wait3A_631, %dma_wait3A_632] : memref<2x8x8x128xf32, #tpu.memory_space<vmem>> -> memref<1x1x8x128xf32, #tpu.memory_space<vmem>>
        %dma_wait3A_634 = tpu.memref_squeeze %dma_wait3A_633 : memref<1x1x8x128xf32, #tpu.memory_space<vmem>> -> memref<8x128xf32, #tpu.memory_space<vmem>>
        tpu.wait_dma2 semaphore(%dma_wait3A_626 : memref<!tpu.dma_semaphore, #tpu.memory_space<semaphore_mem>>) src(%dma_wait3A_634 : memref<8x128xf32, #tpu.memory_space<vmem>>) dst(%dma_wait3A_630 : memref<8x128xf32, #tpu.memory_space<hbm>>)
        %dma_wait3A_635 = arith.constant 0 : i32
        %dma_wait3A_636 = arith.constant 3 : i32
        %dma_wait3A_637 = arith.constant 0 : i32
        %dma_wait3A_638 = arith.constant 3 : i32
        %dma_wait3A_639 = arith.constant 0 : i32
        %dma_wait3A_640 = arith.constant 0 : i32
        %dma_wait3A_641 = arith.constant 0 : i32
        %dma_wait3A_642 = tpu.memref_slice %arg8[%dma_wait3A_635, %dma_wait3A_636, %dma_wait3A_640, %dma_wait3A_641] : memref<2x8x8x128xf32, #tpu.memory_space<vmem>> -> memref<1x1x8x128xf32, #tpu.memory_space<vmem>>
        %dma_wait3A_643 = tpu.memref_squeeze %dma_wait3A_642 : memref<1x1x8x128xf32, #tpu.memory_space<vmem>> -> memref<8x128xf32, #tpu.memory_space<vmem>>
        %dma_wait3A_644 = arith.constant 0 : i32
        %dma_wait3A_645 = arith.constant 0 : i32
        %dma_wait3A_646 = tpu.memref_slice %arg4[%dma_wait3A_637, %dma_wait3A_638, %add3A, %dma_wait3A_644, %dma_wait3A_645] : memref<200x8x32x8x128xf32, #tpu.memory_space<hbm>> -> memref<1x1x1x8x128xf32, #tpu.memory_space<hbm>>
        %dma_wait3A_647 = tpu.memref_squeeze %dma_wait3A_646 : memref<1x1x1x8x128xf32, #tpu.memory_space<hbm>> -> memref<8x128xf32, #tpu.memory_space<hbm>>
        %dma_wait3A_648 = tpu.memref_slice %arg9[%dma_wait3A_639] : memref<2x!tpu.dma_semaphore, #tpu.memory_space<semaphore_mem>> -> memref<1x!tpu.dma_semaphore, #tpu.memory_space<semaphore_mem>>
        %dma_wait3A_649 = tpu.memref_squeeze %dma_wait3A_648 : memref<1x!tpu.dma_semaphore, #tpu.memory_space<semaphore_mem>> -> memref<!tpu.dma_semaphore, #tpu.memory_space<semaphore_mem>>
        %dma_wait3A_650 = arith.constant 0 : i32
        %dma_wait3A_651 = arith.constant 0 : i32
        %dma_wait3A_652 = tpu.memref_slice %arg4[%dma_wait3A_637, %dma_wait3A_638, %add3A, %dma_wait3A_650, %dma_wait3A_651] : memref<200x8x32x8x128xf32, #tpu.memory_space<hbm>> -> memref<1x1x1x8x128xf32, #tpu.memory_space<hbm>>
        %dma_wait3A_653 = tpu.memref_squeeze %dma_wait3A_652 : memref<1x1x1x8x128xf32, #tpu.memory_space<hbm>> -> memref<8x128xf32, #tpu.memory_space<hbm>>
        %dma_wait3A_654 = arith.constant 0 : i32
        %dma_wait3A_655 = arith.constant 0 : i32
        %dma_wait3A_656 = tpu.memref_slice %arg8[%dma_wait3A_635, %dma_wait3A_636, %dma_wait3A_654, %dma_wait3A_655] : memref<2x8x8x128xf32, #tpu.memory_space<vmem>> -> memref<1x1x8x128xf32, #tpu.memory_space<vmem>>
        %dma_wait3A_657 = tpu.memref_squeeze %dma_wait3A_656 : memref<1x1x8x128xf32, #tpu.memory_space<vmem>> -> memref<8x128xf32, #tpu.memory_space<vmem>>
        tpu.wait_dma2 semaphore(%dma_wait3A_649 : memref<!tpu.dma_semaphore, #tpu.memory_space<semaphore_mem>>) src(%dma_wait3A_657 : memref<8x128xf32, #tpu.memory_space<vmem>>) dst(%dma_wait3A_653 : memref<8x128xf32, #tpu.memory_space<hbm>>)
        %dma_wait3A_658 = arith.constant 0 : i32
        %dma_wait3A_659 = arith.constant 4 : i32
        %dma_wait3A_660 = arith.constant 0 : i32
        %dma_wait3A_661 = arith.constant 4 : i32
        %dma_wait3A_662 = arith.constant 0 : i32
        %dma_wait3A_663 = arith.constant 0 : i32
        %dma_wait3A_664 = arith.constant 0 : i32
        %dma_wait3A_665 = tpu.memref_slice %arg8[%dma_wait3A_658, %dma_wait3A_659, %dma_wait3A_663, %dma_wait3A_664] : memref<2x8x8x128xf32, #tpu.memory_space<vmem>> -> memref<1x1x8x128xf32, #tpu.memory_space<vmem>>
        %dma_wait3A_666 = tpu.memref_squeeze %dma_wait3A_665 : memref<1x1x8x128xf32, #tpu.memory_space<vmem>> -> memref<8x128xf32, #tpu.memory_space<vmem>>
        %dma_wait3A_667 = arith.constant 0 : i32
        %dma_wait3A_668 = arith.constant 0 : i32
        %dma_wait3A_669 = tpu.memref_slice %arg4[%dma_wait3A_660, %dma_wait3A_661, %add3A, %dma_wait3A_667, %dma_wait3A_668] : memref<200x8x32x8x128xf32, #tpu.memory_space<hbm>> -> memref<1x1x1x8x128xf32, #tpu.memory_space<hbm>>
        %dma_wait3A_670 = tpu.memref_squeeze %dma_wait3A_669 : memref<1x1x1x8x128xf32, #tpu.memory_space<hbm>> -> memref<8x128xf32, #tpu.memory_space<hbm>>
        %dma_wait3A_671 = tpu.memref_slice %arg9[%dma_wait3A_662] : memref<2x!tpu.dma_semaphore, #tpu.memory_space<semaphore_mem>> -> memref<1x!tpu.dma_semaphore, #tpu.memory_space<semaphore_mem>>
        %dma_wait3A_672 = tpu.memref_squeeze %dma_wait3A_671 : memref<1x!tpu.dma_semaphore, #tpu.memory_space<semaphore_mem>> -> memref<!tpu.dma_semaphore, #tpu.memory_space<semaphore_mem>>
        %dma_wait3A_673 = arith.constant 0 : i32
        %dma_wait3A_674 = arith.constant 0 : i32
        %dma_wait3A_675 = tpu.memref_slice %arg4[%dma_wait3A_660, %dma_wait3A_661, %add3A, %dma_wait3A_673, %dma_wait3A_674] : memref<200x8x32x8x128xf32, #tpu.memory_space<hbm>> -> memref<1x1x1x8x128xf32, #tpu.memory_space<hbm>>
        %dma_wait3A_676 = tpu.memref_squeeze %dma_wait3A_675 : memref<1x1x1x8x128xf32, #tpu.memory_space<hbm>> -> memref<8x128xf32, #tpu.memory_space<hbm>>
        %dma_wait3A_677 = arith.constant 0 : i32
        %dma_wait3A_678 = arith.constant 0 : i32
        %dma_wait3A_679 = tpu.memref_slice %arg8[%dma_wait3A_658, %dma_wait3A_659, %dma_wait3A_677, %dma_wait3A_678] : memref<2x8x8x128xf32, #tpu.memory_space<vmem>> -> memref<1x1x8x128xf32, #tpu.memory_space<vmem>>
        %dma_wait3A_680 = tpu.memref_squeeze %dma_wait3A_679 : memref<1x1x8x128xf32, #tpu.memory_space<vmem>> -> memref<8x128xf32, #tpu.memory_space<vmem>>
        tpu.wait_dma2 semaphore(%dma_wait3A_672 : memref<!tpu.dma_semaphore, #tpu.memory_space<semaphore_mem>>) src(%dma_wait3A_680 : memref<8x128xf32, #tpu.memory_space<vmem>>) dst(%dma_wait3A_676 : memref<8x128xf32, #tpu.memory_space<hbm>>)
        %dma_wait3A_681 = arith.constant 0 : i32
        %dma_wait3A_682 = arith.constant 5 : i32
        %dma_wait3A_683 = arith.constant 0 : i32
        %dma_wait3A_684 = arith.constant 5 : i32
        %dma_wait3A_685 = arith.constant 0 : i32
        %dma_wait3A_686 = arith.constant 0 : i32
        %dma_wait3A_687 = arith.constant 0 : i32
        %dma_wait3A_688 = tpu.memref_slice %arg8[%dma_wait3A_681, %dma_wait3A_682, %dma_wait3A_686, %dma_wait3A_687] : memref<2x8x8x128xf32, #tpu.memory_space<vmem>> -> memref<1x1x8x128xf32, #tpu.memory_space<vmem>>
        %dma_wait3A_689 = tpu.memref_squeeze %dma_wait3A_688 : memref<1x1x8x128xf32, #tpu.memory_space<vmem>> -> memref<8x128xf32, #tpu.memory_space<vmem>>
        %dma_wait3A_690 = arith.constant 0 : i32
        %dma_wait3A_691 = arith.constant 0 : i32
        %dma_wait3A_692 = tpu.memref_slice %arg4[%dma_wait3A_683, %dma_wait3A_684, %add3A, %dma_wait3A_690, %dma_wait3A_691] : memref<200x8x32x8x128xf32, #tpu.memory_space<hbm>> -> memref<1x1x1x8x128xf32, #tpu.memory_space<hbm>>
        %dma_wait3A_693 = tpu.memref_squeeze %dma_wait3A_692 : memref<1x1x1x8x128xf32, #tpu.memory_space<hbm>> -> memref<8x128xf32, #tpu.memory_space<hbm>>
        %dma_wait3A_694 = tpu.memref_slice %arg9[%dma_wait3A_685] : memref<2x!tpu.dma_semaphore, #tpu.memory_space<semaphore_mem>> -> memref<1x!tpu.dma_semaphore, #tpu.memory_space<semaphore_mem>>
        %dma_wait3A_695 = tpu.memref_squeeze %dma_wait3A_694 : memref<1x!tpu.dma_semaphore, #tpu.memory_space<semaphore_mem>> -> memref<!tpu.dma_semaphore, #tpu.memory_space<semaphore_mem>>
        %dma_wait3A_696 = arith.constant 0 : i32
        %dma_wait3A_697 = arith.constant 0 : i32
        %dma_wait3A_698 = tpu.memref_slice %arg4[%dma_wait3A_683, %dma_wait3A_684, %add3A, %dma_wait3A_696, %dma_wait3A_697] : memref<200x8x32x8x128xf32, #tpu.memory_space<hbm>> -> memref<1x1x1x8x128xf32, #tpu.memory_space<hbm>>
        %dma_wait3A_699 = tpu.memref_squeeze %dma_wait3A_698 : memref<1x1x1x8x128xf32, #tpu.memory_space<hbm>> -> memref<8x128xf32, #tpu.memory_space<hbm>>
        %dma_wait3A_700 = arith.constant 0 : i32
        %dma_wait3A_701 = arith.constant 0 : i32
        %dma_wait3A_702 = tpu.memref_slice %arg8[%dma_wait3A_681, %dma_wait3A_682, %dma_wait3A_700, %dma_wait3A_701] : memref<2x8x8x128xf32, #tpu.memory_space<vmem>> -> memref<1x1x8x128xf32, #tpu.memory_space<vmem>>
        %dma_wait3A_703 = tpu.memref_squeeze %dma_wait3A_702 : memref<1x1x8x128xf32, #tpu.memory_space<vmem>> -> memref<8x128xf32, #tpu.memory_space<vmem>>
        tpu.wait_dma2 semaphore(%dma_wait3A_695 : memref<!tpu.dma_semaphore, #tpu.memory_space<semaphore_mem>>) src(%dma_wait3A_703 : memref<8x128xf32, #tpu.memory_space<vmem>>) dst(%dma_wait3A_699 : memref<8x128xf32, #tpu.memory_space<hbm>>)
        %dma_wait3A_704 = arith.constant 0 : i32
        %dma_wait3A_705 = arith.constant 6 : i32
        %dma_wait3A_706 = arith.constant 0 : i32
        %dma_wait3A_707 = arith.constant 6 : i32
        %dma_wait3A_708 = arith.constant 0 : i32
        %dma_wait3A_709 = arith.constant 0 : i32
        %dma_wait3A_710 = arith.constant 0 : i32
        %dma_wait3A_711 = tpu.memref_slice %arg8[%dma_wait3A_704, %dma_wait3A_705, %dma_wait3A_709, %dma_wait3A_710] : memref<2x8x8x128xf32, #tpu.memory_space<vmem>> -> memref<1x1x8x128xf32, #tpu.memory_space<vmem>>
        %dma_wait3A_712 = tpu.memref_squeeze %dma_wait3A_711 : memref<1x1x8x128xf32, #tpu.memory_space<vmem>> -> memref<8x128xf32, #tpu.memory_space<vmem>>
        %dma_wait3A_713 = arith.constant 0 : i32
        %dma_wait3A_714 = arith.constant 0 : i32
        %dma_wait3A_715 = tpu.memref_slice %arg4[%dma_wait3A_706, %dma_wait3A_707, %add3A, %dma_wait3A_713, %dma_wait3A_714] : memref<200x8x32x8x128xf32, #tpu.memory_space<hbm>> -> memref<1x1x1x8x128xf32, #tpu.memory_space<hbm>>
        %dma_wait3A_716 = tpu.memref_squeeze %dma_wait3A_715 : memref<1x1x1x8x128xf32, #tpu.memory_space<hbm>> -> memref<8x128xf32, #tpu.memory_space<hbm>>
        %dma_wait3A_717 = tpu.memref_slice %arg9[%dma_wait3A_708] : memref<2x!tpu.dma_semaphore, #tpu.memory_space<semaphore_mem>> -> memref<1x!tpu.dma_semaphore, #tpu.memory_space<semaphore_mem>>
        %dma_wait3A_718 = tpu.memref_squeeze %dma_wait3A_717 : memref<1x!tpu.dma_semaphore, #tpu.memory_space<semaphore_mem>> -> memref<!tpu.dma_semaphore, #tpu.memory_space<semaphore_mem>>
        %dma_wait3A_719 = arith.constant 0 : i32
        %dma_wait3A_720 = arith.constant 0 : i32
        %dma_wait3A_721 = tpu.memref_slice %arg4[%dma_wait3A_706, %dma_wait3A_707, %add3A, %dma_wait3A_719, %dma_wait3A_720] : memref<200x8x32x8x128xf32, #tpu.memory_space<hbm>> -> memref<1x1x1x8x128xf32, #tpu.memory_space<hbm>>
        %dma_wait3A_722 = tpu.memref_squeeze %dma_wait3A_721 : memref<1x1x1x8x128xf32, #tpu.memory_space<hbm>> -> memref<8x128xf32, #tpu.memory_space<hbm>>
        %dma_wait3A_723 = arith.constant 0 : i32
        %dma_wait3A_724 = arith.constant 0 : i32
        %dma_wait3A_725 = tpu.memref_slice %arg8[%dma_wait3A_704, %dma_wait3A_705, %dma_wait3A_723, %dma_wait3A_724] : memref<2x8x8x128xf32, #tpu.memory_space<vmem>> -> memref<1x1x8x128xf32, #tpu.memory_space<vmem>>
        %dma_wait3A_726 = tpu.memref_squeeze %dma_wait3A_725 : memref<1x1x8x128xf32, #tpu.memory_space<vmem>> -> memref<8x128xf32, #tpu.memory_space<vmem>>
        tpu.wait_dma2 semaphore(%dma_wait3A_718 : memref<!tpu.dma_semaphore, #tpu.memory_space<semaphore_mem>>) src(%dma_wait3A_726 : memref<8x128xf32, #tpu.memory_space<vmem>>) dst(%dma_wait3A_722 : memref<8x128xf32, #tpu.memory_space<hbm>>)
        %dma_wait3A_727 = arith.constant 0 : i32
        %dma_wait3A_728 = arith.constant 7 : i32
        %dma_wait3A_729 = arith.constant 0 : i32
        %dma_wait3A_730 = arith.constant 7 : i32
        %dma_wait3A_731 = arith.constant 0 : i32
        %dma_wait3A_732 = arith.constant 0 : i32
        %dma_wait3A_733 = arith.constant 0 : i32
        %dma_wait3A_734 = tpu.memref_slice %arg8[%dma_wait3A_727, %dma_wait3A_728, %dma_wait3A_732, %dma_wait3A_733] : memref<2x8x8x128xf32, #tpu.memory_space<vmem>> -> memref<1x1x8x128xf32, #tpu.memory_space<vmem>>
        %dma_wait3A_735 = tpu.memref_squeeze %dma_wait3A_734 : memref<1x1x8x128xf32, #tpu.memory_space<vmem>> -> memref<8x128xf32, #tpu.memory_space<vmem>>
        %dma_wait3A_736 = arith.constant 0 : i32
        %dma_wait3A_737 = arith.constant 0 : i32
        %dma_wait3A_738 = tpu.memref_slice %arg4[%dma_wait3A_729, %dma_wait3A_730, %add3A, %dma_wait3A_736, %dma_wait3A_737] : memref<200x8x32x8x128xf32, #tpu.memory_space<hbm>> -> memref<1x1x1x8x128xf32, #tpu.memory_space<hbm>>
        %dma_wait3A_739 = tpu.memref_squeeze %dma_wait3A_738 : memref<1x1x1x8x128xf32, #tpu.memory_space<hbm>> -> memref<8x128xf32, #tpu.memory_space<hbm>>
        %dma_wait3A_740 = tpu.memref_slice %arg9[%dma_wait3A_731] : memref<2x!tpu.dma_semaphore, #tpu.memory_space<semaphore_mem>> -> memref<1x!tpu.dma_semaphore, #tpu.memory_space<semaphore_mem>>
        %dma_wait3A_741 = tpu.memref_squeeze %dma_wait3A_740 : memref<1x!tpu.dma_semaphore, #tpu.memory_space<semaphore_mem>> -> memref<!tpu.dma_semaphore, #tpu.memory_space<semaphore_mem>>
        %dma_wait3A_742 = arith.constant 0 : i32
        %dma_wait3A_743 = arith.constant 0 : i32
        %dma_wait3A_744 = tpu.memref_slice %arg4[%dma_wait3A_729, %dma_wait3A_730, %add3A, %dma_wait3A_742, %dma_wait3A_743] : memref<200x8x32x8x128xf32, #tpu.memory_space<hbm>> -> memref<1x1x1x8x128xf32, #tpu.memory_space<hbm>>
        %dma_wait3A_745 = tpu.memref_squeeze %dma_wait3A_744 : memref<1x1x1x8x128xf32, #tpu.memory_space<hbm>> -> memref<8x128xf32, #tpu.memory_space<hbm>>
        %dma_wait3A_746 = arith.constant 0 : i32
        %dma_wait3A_747 = arith.constant 0 : i32
        %dma_wait3A_748 = tpu.memref_slice %arg8[%dma_wait3A_727, %dma_wait3A_728, %dma_wait3A_746, %dma_wait3A_747] : memref<2x8x8x128xf32, #tpu.memory_space<vmem>> -> memref<1x1x8x128xf32, #tpu.memory_space<vmem>>
        %dma_wait3A_749 = tpu.memref_squeeze %dma_wait3A_748 : memref<1x1x8x128xf32, #tpu.memory_space<vmem>> -> memref<8x128xf32, #tpu.memory_space<vmem>>
        tpu.wait_dma2 semaphore(%dma_wait3A_741 : memref<!tpu.dma_semaphore, #tpu.memory_space<semaphore_mem>>) src(%dma_wait3A_749 : memref<8x128xf32, #tpu.memory_space<vmem>>) dst(%dma_wait3A_745 : memref<8x128xf32, #tpu.memory_space<hbm>>)
      } else {
      }
      %mul3A_386 = arith.constant 129 : i32
      %mul3A_387 = arith.muli %add3A_383, %mul3A_386 : i32
      %add3A_388 = arith.constant 0 : i32
      %add3A_389 = arith.addi %mul3A_387, %add3A_388 : i32
      %get3A = arith.index_cast %add3A_389 : i32 to index
      %get3A_390 = tpu.vector_load %arg7[%get3A] {strides = array<i32>} : memref<25808xi32, #tpu.memory_space<vmem>>, vector<16xi32>,
      %mul3A_391 = arith.constant 8 : i32
      %mul3A_392 = vector.broadcast %mul3A_391 : i32 to vector<16xi32>
      %mul3A_393 = arith.muli %get3A_390, %mul3A_392 : vector<16xi32>
      %add3A_394 = arith.addi %mul3A_393, %rem3A_4 : vector<16xi32>
      %mul3A_395 = arith.constant 129 : i32
      %mul3A_396 = arith.muli %add3A_383, %mul3A_395 : i32
      %add3A_397 = arith.constant 16 : i32
      %add3A_398 = arith.addi %mul3A_396, %add3A_397 : i32
      %get3A_399 = arith.index_cast %add3A_398 : i32 to index
      %get3A_400 = tpu.vector_load %arg7[%get3A_399] {strides = array<i32>} : memref<25808xi32, #tpu.memory_space<vmem>>, vector<16xi32>,
      %mul3A_401 = arith.constant 8 : i32
      %mul3A_402 = vector.broadcast %mul3A_401 : i32 to vector<16xi32>
      %mul3A_403 = arith.muli %get3A_400, %mul3A_402 : vector<16xi32>
      %add3A_404 = arith.addi %mul3A_403, %rem3A_4 : vector<16xi32>
      %mul3A_405 = arith.constant 129 : i32
      %mul3A_406 = arith.muli %add3A_383, %mul3A_405 : i32
      %add3A_407 = arith.constant 32 : i32
      %add3A_408 = arith.addi %mul3A_406, %add3A_407 : i32
      %get3A_409 = arith.index_cast %add3A_408 : i32 to index
      %get3A_410 = tpu.vector_load %arg7[%get3A_409] {strides = array<i32>} : memref<25808xi32, #tpu.memory_space<vmem>>, vector<16xi32>,
      %mul3A_411 = arith.constant 8 : i32
      %mul3A_412 = vector.broadcast %mul3A_411 : i32 to vector<16xi32>
      %mul3A_413 = arith.muli %get3A_410, %mul3A_412 : vector<16xi32>
      %add3A_414 = arith.addi %mul3A_413, %rem3A_4 : vector<16xi32>
      %mul3A_415 = arith.constant 129 : i32
      %mul3A_416 = arith.muli %add3A_383, %mul3A_415 : i32
      %add3A_417 = arith.constant 48 : i32
      %add3A_418 = arith.addi %mul3A_416, %add3A_417 : i32
      %get3A_419 = arith.index_cast %add3A_418 : i32 to index
      %get3A_420 = tpu.vector_load %arg7[%get3A_419] {strides = array<i32>} : memref<25808xi32, #tpu.memory_space<vmem>>, vector<16xi32>,
      %mul3A_421 = arith.constant 8 : i32
      %mul3A_422 = vector.broadcast %mul3A_421 : i32 to vector<16xi32>
      %mul3A_423 = arith.muli %get3A_420, %mul3A_422 : vector<16xi32>
      %add3A_424 = arith.addi %mul3A_423, %rem3A_4 : vector<16xi32>
      %mul3A_425 = arith.constant 129 : i32
      %mul3A_426 = arith.muli %add3A_383, %mul3A_425 : i32
      %add3A_427 = arith.constant 64 : i32
      %add3A_428 = arith.addi %mul3A_426, %add3A_427 : i32
      %get3A_429 = arith.index_cast %add3A_428 : i32 to index
      %get3A_430 = tpu.vector_load %arg7[%get3A_429] {strides = array<i32>} : memref<25808xi32, #tpu.memory_space<vmem>>, vector<16xi32>,
      %mul3A_431 = arith.constant 8 : i32
      %mul3A_432 = vector.broadcast %mul3A_431 : i32 to vector<16xi32>
      %mul3A_433 = arith.muli %get3A_430, %mul3A_432 : vector<16xi32>
      %add3A_434 = arith.addi %mul3A_433, %rem3A_4 : vector<16xi32>
      %mul3A_435 = arith.constant 129 : i32
      %mul3A_436 = arith.muli %add3A_383, %mul3A_435 : i32
      %add3A_437 = arith.constant 80 : i32
      %add3A_438 = arith.addi %mul3A_436, %add3A_437 : i32
      %get3A_439 = arith.index_cast %add3A_438 : i32 to index
      %get3A_440 = tpu.vector_load %arg7[%get3A_439] {strides = array<i32>} : memref<25808xi32, #tpu.memory_space<vmem>>, vector<16xi32>,
      %mul3A_441 = arith.constant 8 : i32
      %mul3A_442 = vector.broadcast %mul3A_441 : i32 to vector<16xi32>
      %mul3A_443 = arith.muli %get3A_440, %mul3A_442 : vector<16xi32>
      %add3A_444 = arith.addi %mul3A_443, %rem3A_4 : vector<16xi32>
      %mul3A_445 = arith.constant 129 : i32
      %mul3A_446 = arith.muli %add3A_383, %mul3A_445 : i32
      %add3A_447 = arith.constant 96 : i32
      %add3A_448 = arith.addi %mul3A_446, %add3A_447 : i32
      %get3A_449 = arith.index_cast %add3A_448 : i32 to index
      %get3A_450 = tpu.vector_load %arg7[%get3A_449] {strides = array<i32>} : memref<25808xi32, #tpu.memory_space<vmem>>, vector<16xi32>,
      %mul3A_451 = arith.constant 8 : i32
      %mul3A_452 = vector.broadcast %mul3A_451 : i32 to vector<16xi32>
      %mul3A_453 = arith.muli %get3A_450, %mul3A_452 : vector<16xi32>
      %add3A_454 = arith.addi %mul3A_453, %rem3A_4 : vector<16xi32>
      %mul3A_455 = arith.constant 129 : i32
      %mul3A_456 = arith.muli %add3A_383, %mul3A_455 : i32
      %add3A_457 = arith.constant 112 : i32
      %add3A_458 = arith.addi %mul3A_456, %add3A_457 : i32
      %get3A_459 = arith.index_cast %add3A_458 : i32 to index
      %get3A_460 = tpu.vector_load %arg7[%get3A_459] {strides = array<i32>} : memref<25808xi32, #tpu.memory_space<vmem>>, vector<16xi32>,
      %mul3A_461 = arith.constant 8 : i32
      %mul3A_462 = vector.broadcast %mul3A_461 : i32 to vector<16xi32>
      %mul3A_463 = arith.muli %get3A_460, %mul3A_462 : vector<16xi32>
      %add3A_464 = arith.addi %mul3A_463, %rem3A_4 : vector<16xi32>
      %scan3A_465 = arith.constant 0 : i32
      %scan3A_466 = arith.constant 0 : i32
      %scan3A_467 = arith.constant 8 : i32
      %scan3A_468 = arith.addi %scan3A_466, %scan3A_467 : i32
      %scan3A_469 = arith.constant 1 : i32
      scf.for %scan3A_566 = %scan3A_466 to %scan3A_468 step %scan3A_469  : i32 {
        %mul3A_567 = arith.constant 6464 : i32
        %mul3A_568 = arith.muli %scan3A_566, %mul3A_567 : i32
        %add3A_569 = arith.constant 0 : i32
        %add3A_570 = arith.addi %mul3A_568, %add3A_569 : i32
        %add3A_571 = vector.broadcast %add3A_570 : i32 to vector<16xi32>
        %add3A_572 = arith.addi %add3A_394, %add3A_571 : vector<16xi32>
        %gather3A = tpu.vector_load_idx %arg6[%add3A_572] : memref<51712xf32, #tpu.memory_space<vmem>>[vector<16xi32>], vector<16xf32>,
        %add3A_573 = vector.broadcast %add3A_570 : i32 to vector<16xi32>
        %add3A_574 = arith.addi %add3A_404, %add3A_573 : vector<16xi32>
        %gather3A_575 = tpu.vector_load_idx %arg6[%add3A_574] : memref<51712xf32, #tpu.memory_space<vmem>>[vector<16xi32>], vector<16xf32>,
        %add3A_576 = vector.broadcast %add3A_570 : i32 to vector<16xi32>
        %add3A_577 = arith.addi %add3A_414, %add3A_576 : vector<16xi32>
        %gather3A_578 = tpu.vector_load_idx %arg6[%add3A_577] : memref<51712xf32, #tpu.memory_space<vmem>>[vector<16xi32>], vector<16xf32>,
        %add3A_579 = vector.broadcast %add3A_570 : i32 to vector<16xi32>
        %add3A_580 = arith.addi %add3A_424, %add3A_579 : vector<16xi32>
        %gather3A_581 = tpu.vector_load_idx %arg6[%add3A_580] : memref<51712xf32, #tpu.memory_space<vmem>>[vector<16xi32>], vector<16xf32>,
        %add3A_582 = vector.broadcast %add3A_570 : i32 to vector<16xi32>
        %add3A_583 = arith.addi %add3A_434, %add3A_582 : vector<16xi32>
        %gather3A_584 = tpu.vector_load_idx %arg6[%add3A_583] : memref<51712xf32, #tpu.memory_space<vmem>>[vector<16xi32>], vector<16xf32>,
        %add3A_585 = vector.broadcast %add3A_570 : i32 to vector<16xi32>
        %add3A_586 = arith.addi %add3A_444, %add3A_585 : vector<16xi32>
        %gather3A_587 = tpu.vector_load_idx %arg6[%add3A_586] : memref<51712xf32, #tpu.memory_space<vmem>>[vector<16xi32>], vector<16xf32>,
        %add3A_588 = vector.broadcast %add3A_570 : i32 to vector<16xi32>
        %add3A_589 = arith.addi %add3A_454, %add3A_588 : vector<16xi32>
        %gather3A_590 = tpu.vector_load_idx %arg6[%add3A_589] : memref<51712xf32, #tpu.memory_space<vmem>>[vector<16xi32>], vector<16xf32>,
        %add3A_591 = vector.broadcast %add3A_570 : i32 to vector<16xi32>
        %add3A_592 = arith.addi %add3A_464, %add3A_591 : vector<16xi32>
        %gather3A_593 = tpu.vector_load_idx %arg6[%add3A_592] : memref<51712xf32, #tpu.memory_space<vmem>>[vector<16xi32>], vector<16xf32>,
        %swap3A = arith.constant 0 : i32
        %swap3A_594 = arith.constant 0 : i32
        %swap3A_595 = arith.constant 0 : i32
        %swap3A_596 = tpu.memref_slice %arg8[%swap3A, %scan3A_566, %swap3A_594, %swap3A_595] : memref<2x8x8x128xf32, #tpu.memory_space<vmem>> -> memref<1x1x1x128xf32, #tpu.memory_space<vmem>>
        %swap3A_597 = tpu.memref_squeeze %swap3A_596 : memref<1x1x1x128xf32, #tpu.memory_space<vmem>> -> memref<128xf32, #tpu.memory_space<vmem>>
        %swap3A_598 = arith.constant 0 : index
        %swap3A_599 = tpu.vector_load %swap3A_597[%swap3A_598] {strides = array<i32>} : memref<128xf32, #tpu.memory_space<vmem>>, vector<16xf32>,
        tpu.vector_store %swap3A_597[%swap3A_598], %gather3A {strides = array<i32>} : memref<128xf32, #tpu.memory_space<vmem>>, vector<16xf32>,
        %swap3A_600 = arith.constant 0 : i32
        %swap3A_601 = arith.constant 0 : i32
        %swap3A_602 = arith.constant 0 : i32
        %swap3A_603 = tpu.memref_slice %arg8[%swap3A_600, %scan3A_566, %swap3A_601, %swap3A_602] : memref<2x8x8x128xf32, #tpu.memory_space<vmem>> -> memref<1x1x1x128xf32, #tpu.memory_space<vmem>>
        %swap3A_604 = tpu.memref_squeeze %swap3A_603 : memref<1x1x1x128xf32, #tpu.memory_space<vmem>> -> memref<128xf32, #tpu.memory_space<vmem>>
        %swap3A_605 = arith.constant 16 : index
        %swap3A_606 = tpu.vector_load %swap3A_604[%swap3A_605] {strides = array<i32>} : memref<128xf32, #tpu.memory_space<vmem>>, vector<16xf32>,
        tpu.vector_store %swap3A_604[%swap3A_605], %gather3A_575 {strides = array<i32>} : memref<128xf32, #tpu.memory_space<vmem>>, vector<16xf32>,
        %swap3A_607 = arith.constant 0 : i32
        %swap3A_608 = arith.constant 0 : i32
        %swap3A_609 = arith.constant 0 : i32
        %swap3A_610 = tpu.memref_slice %arg8[%swap3A_607, %scan3A_566, %swap3A_608, %swap3A_609] : memref<2x8x8x128xf32, #tpu.memory_space<vmem>> -> memref<1x1x1x128xf32, #tpu.memory_space<vmem>>
        %swap3A_611 = tpu.memref_squeeze %swap3A_610 : memref<1x1x1x128xf32, #tpu.memory_space<vmem>> -> memref<128xf32, #tpu.memory_space<vmem>>
        %swap3A_612 = arith.constant 32 : index
        %swap3A_613 = tpu.vector_load %swap3A_611[%swap3A_612] {strides = array<i32>} : memref<128xf32, #tpu.memory_space<vmem>>, vector<16xf32>,
        tpu.vector_store %swap3A_611[%swap3A_612], %gather3A_578 {strides = array<i32>} : memref<128xf32, #tpu.memory_space<vmem>>, vector<16xf32>,
        %swap3A_614 = arith.constant 0 : i32
        %swap3A_615 = arith.constant 0 : i32
        %swap3A_616 = arith.constant 0 : i32
        %swap3A_617 = tpu.memref_slice %arg8[%swap3A_614, %scan3A_566, %swap3A_615, %swap3A_616] : memref<2x8x8x128xf32, #tpu.memory_space<vmem>> -> memref<1x1x1x128xf32, #tpu.memory_space<vmem>>
        %swap3A_618 = tpu.memref_squeeze %swap3A_617 : memref<1x1x1x128xf32, #tpu.memory_space<vmem>> -> memref<128xf32, #tpu.memory_space<vmem>>
        %swap3A_619 = arith.constant 48 : index
        %swap3A_620 = tpu.vector_load %swap3A_618[%swap3A_619] {strides = array<i32>} : memref<128xf32, #tpu.memory_space<vmem>>, vector<16xf32>,
        tpu.vector_store %swap3A_618[%swap3A_619], %gather3A_581 {strides = array<i32>} : memref<128xf32, #tpu.memory_space<vmem>>, vector<16xf32>,
        %swap3A_621 = arith.constant 0 : i32
        %swap3A_622 = arith.constant 0 : i32
        %swap3A_623 = arith.constant 0 : i32
        %swap3A_624 = tpu.memref_slice %arg8[%swap3A_621, %scan3A_566, %swap3A_622, %swap3A_623] : memref<2x8x8x128xf32, #tpu.memory_space<vmem>> -> memref<1x1x1x128xf32, #tpu.memory_space<vmem>>
        %swap3A_625 = tpu.memref_squeeze %swap3A_624 : memref<1x1x1x128xf32, #tpu.memory_space<vmem>> -> memref<128xf32, #tpu.memory_space<vmem>>
        %swap3A_626 = arith.constant 64 : index
        %swap3A_627 = tpu.vector_load %swap3A_625[%swap3A_626] {strides = array<i32>} : memref<128xf32, #tpu.memory_space<vmem>>, vector<16xf32>,
        tpu.vector_store %swap3A_625[%swap3A_626], %gather3A_584 {strides = array<i32>} : memref<128xf32, #tpu.memory_space<vmem>>, vector<16xf32>,
        %swap3A_628 = arith.constant 0 : i32
        %swap3A_629 = arith.constant 0 : i32
        %swap3A_630 = arith.constant 0 : i32
        %swap3A_631 = tpu.memref_slice %arg8[%swap3A_628, %scan3A_566, %swap3A_629, %swap3A_630] : memref<2x8x8x128xf32, #tpu.memory_space<vmem>> -> memref<1x1x1x128xf32, #tpu.memory_space<vmem>>
        %swap3A_632 = tpu.memref_squeeze %swap3A_631 : memref<1x1x1x128xf32, #tpu.memory_space<vmem>> -> memref<128xf32, #tpu.memory_space<vmem>>
        %swap3A_633 = arith.constant 80 : index
        %swap3A_634 = tpu.vector_load %swap3A_632[%swap3A_633] {strides = array<i32>} : memref<128xf32, #tpu.memory_space<vmem>>, vector<16xf32>,
        tpu.vector_store %swap3A_632[%swap3A_633], %gather3A_587 {strides = array<i32>} : memref<128xf32, #tpu.memory_space<vmem>>, vector<16xf32>,
        %swap3A_635 = arith.constant 0 : i32
        %swap3A_636 = arith.constant 0 : i32
        %swap3A_637 = arith.constant 0 : i32
        %swap3A_638 = tpu.memref_slice %arg8[%swap3A_635, %scan3A_566, %swap3A_636, %swap3A_637] : memref<2x8x8x128xf32, #tpu.memory_space<vmem>> -> memref<1x1x1x128xf32, #tpu.memory_space<vmem>>
        %swap3A_639 = tpu.memref_squeeze %swap3A_638 : memref<1x1x1x128xf32, #tpu.memory_space<vmem>> -> memref<128xf32, #tpu.memory_space<vmem>>
        %swap3A_640 = arith.constant 96 : index
        %swap3A_641 = tpu.vector_load %swap3A_639[%swap3A_640] {strides = array<i32>} : memref<128xf32, #tpu.memory_space<vmem>>, vector<16xf32>,
        tpu.vector_store %swap3A_639[%swap3A_640], %gather3A_590 {strides = array<i32>} : memref<128xf32, #tpu.memory_space<vmem>>, vector<16xf32>,
        %swap3A_642 = arith.constant 0 : i32
        %swap3A_643 = arith.constant 0 : i32
        %swap3A_644 = arith.constant 0 : i32
        %swap3A_645 = tpu.memref_slice %arg8[%swap3A_642, %scan3A_566, %swap3A_643, %swap3A_644] : memref<2x8x8x128xf32, #tpu.memory_space<vmem>> -> memref<1x1x1x128xf32, #tpu.memory_space<vmem>>
        %swap3A_646 = tpu.memref_squeeze %swap3A_645 : memref<1x1x1x128xf32, #tpu.memory_space<vmem>> -> memref<128xf32, #tpu.memory_space<vmem>>
        %swap3A_647 = arith.constant 112 : index
        %swap3A_648 = tpu.vector_load %swap3A_646[%swap3A_647] {strides = array<i32>} : memref<128xf32, #tpu.memory_space<vmem>>, vector<16xf32>,
        tpu.vector_store %swap3A_646[%swap3A_647], %gather3A_593 {strides = array<i32>} : memref<128xf32, #tpu.memory_space<vmem>>, vector<16xf32>,
        %mul3A_649 = arith.constant 6464 : i32
        %mul3A_650 = arith.muli %scan3A_566, %mul3A_649 : i32
        %add3A_651 = arith.constant 808 : i32
        %add3A_652 = arith.addi %mul3A_650, %add3A_651 : i32
        %add3A_653 = vector.broadcast %add3A_652 : i32 to vector<16xi32>
        %add3A_654 = arith.addi %add3A_394, %add3A_653 : vector<16xi32>
        %gather3A_655 = tpu.vector_load_idx %arg6[%add3A_654] : memref<51712xf32, #tpu.memory_space<vmem>>[vector<16xi32>], vector<16xf32>,
        %add3A_656 = vector.broadcast %add3A_652 : i32 to vector<16xi32>
        %add3A_657 = arith.addi %add3A_404, %add3A_656 : vector<16xi32>
        %gather3A_658 = tpu.vector_load_idx %arg6[%add3A_657] : memref<51712xf32, #tpu.memory_space<vmem>>[vector<16xi32>], vector<16xf32>,
        %add3A_659 = vector.broadcast %add3A_652 : i32 to vector<16xi32>
        %add3A_660 = arith.addi %add3A_414, %add3A_659 : vector<16xi32>
        %gather3A_661 = tpu.vector_load_idx %arg6[%add3A_660] : memref<51712xf32, #tpu.memory_space<vmem>>[vector<16xi32>], vector<16xf32>,
        %add3A_662 = vector.broadcast %add3A_652 : i32 to vector<16xi32>
        %add3A_663 = arith.addi %add3A_424, %add3A_662 : vector<16xi32>
        %gather3A_664 = tpu.vector_load_idx %arg6[%add3A_663] : memref<51712xf32, #tpu.memory_space<vmem>>[vector<16xi32>], vector<16xf32>,
        %add3A_665 = vector.broadcast %add3A_652 : i32 to vector<16xi32>
        %add3A_666 = arith.addi %add3A_434, %add3A_665 : vector<16xi32>
        %gather3A_667 = tpu.vector_load_idx %arg6[%add3A_666] : memref<51712xf32, #tpu.memory_space<vmem>>[vector<16xi32>], vector<16xf32>,
        %add3A_668 = vector.broadcast %add3A_652 : i32 to vector<16xi32>
        %add3A_669 = arith.addi %add3A_444, %add3A_668 : vector<16xi32>
        %gather3A_670 = tpu.vector_load_idx %arg6[%add3A_669] : memref<51712xf32, #tpu.memory_space<vmem>>[vector<16xi32>], vector<16xf32>,
        %add3A_671 = vector.broadcast %add3A_652 : i32 to vector<16xi32>
        %add3A_672 = arith.addi %add3A_454, %add3A_671 : vector<16xi32>
        %gather3A_673 = tpu.vector_load_idx %arg6[%add3A_672] : memref<51712xf32, #tpu.memory_space<vmem>>[vector<16xi32>], vector<16xf32>,
        %add3A_674 = vector.broadcast %add3A_652 : i32 to vector<16xi32>
        %add3A_675 = arith.addi %add3A_464, %add3A_674 : vector<16xi32>
        %gather3A_676 = tpu.vector_load_idx %arg6[%add3A_675] : memref<51712xf32, #tpu.memory_space<vmem>>[vector<16xi32>], vector<16xf32>,
        %swap3A_677 = arith.constant 0 : i32
        %swap3A_678 = arith.constant 1 : i32
        %swap3A_679 = arith.constant 0 : i32
        %swap3A_680 = tpu.memref_slice %arg8[%swap3A_677, %scan3A_566, %swap3A_678, %swap3A_679] : memref<2x8x8x128xf32, #tpu.memory_space<vmem>> -> memref<1x1x1x128xf32, #tpu.memory_space<vmem>>
        %swap3A_681 = tpu.memref_squeeze %swap3A_680 : memref<1x1x1x128xf32, #tpu.memory_space<vmem>> -> memref<128xf32, #tpu.memory_space<vmem>>
        %swap3A_682 = arith.constant 0 : index
        %swap3A_683 = tpu.vector_load %swap3A_681[%swap3A_682] {strides = array<i32>} : memref<128xf32, #tpu.memory_space<vmem>>, vector<16xf32>,
        tpu.vector_store %swap3A_681[%swap3A_682], %gather3A_655 {strides = array<i32>} : memref<128xf32, #tpu.memory_space<vmem>>, vector<16xf32>,
        %swap3A_684 = arith.constant 0 : i32
        %swap3A_685 = arith.constant 1 : i32
        %swap3A_686 = arith.constant 0 : i32
        %swap3A_687 = tpu.memref_slice %arg8[%swap3A_684, %scan3A_566, %swap3A_685, %swap3A_686] : memref<2x8x8x128xf32, #tpu.memory_space<vmem>> -> memref<1x1x1x128xf32, #tpu.memory_space<vmem>>
        %swap3A_688 = tpu.memref_squeeze %swap3A_687 : memref<1x1x1x128xf32, #tpu.memory_space<vmem>> -> memref<128xf32, #tpu.memory_space<vmem>>
        %swap3A_689 = arith.constant 16 : index
        %swap3A_690 = tpu.vector_load %swap3A_688[%swap3A_689] {strides = array<i32>} : memref<128xf32, #tpu.memory_space<vmem>>, vector<16xf32>,
        tpu.vector_store %swap3A_688[%swap3A_689], %gather3A_658 {strides = array<i32>} : memref<128xf32, #tpu.memory_space<vmem>>, vector<16xf32>,
        %swap3A_691 = arith.constant 0 : i32
        %swap3A_692 = arith.constant 1 : i32
        %swap3A_693 = arith.constant 0 : i32
        %swap3A_694 = tpu.memref_slice %arg8[%swap3A_691, %scan3A_566, %swap3A_692, %swap3A_693] : memref<2x8x8x128xf32, #tpu.memory_space<vmem>> -> memref<1x1x1x128xf32, #tpu.memory_space<vmem>>
        %swap3A_695 = tpu.memref_squeeze %swap3A_694 : memref<1x1x1x128xf32, #tpu.memory_space<vmem>> -> memref<128xf32, #tpu.memory_space<vmem>>
        %swap3A_696 = arith.constant 32 : index
        %swap3A_697 = tpu.vector_load %swap3A_695[%swap3A_696] {strides = array<i32>} : memref<128xf32, #tpu.memory_space<vmem>>, vector<16xf32>,
        tpu.vector_store %swap3A_695[%swap3A_696], %gather3A_661 {strides = array<i32>} : memref<128xf32, #tpu.memory_space<vmem>>, vector<16xf32>,
        %swap3A_698 = arith.constant 0 : i32
        %swap3A_699 = arith.constant 1 : i32
        %swap3A_700 = arith.constant 0 : i32
        %swap3A_701 = tpu.memref_slice %arg8[%swap3A_698, %scan3A_566, %swap3A_699, %swap3A_700] : memref<2x8x8x128xf32, #tpu.memory_space<vmem>> -> memref<1x1x1x128xf32, #tpu.memory_space<vmem>>
        %swap3A_702 = tpu.memref_squeeze %swap3A_701 : memref<1x1x1x128xf32, #tpu.memory_space<vmem>> -> memref<128xf32, #tpu.memory_space<vmem>>
        %swap3A_703 = arith.constant 48 : index
        %swap3A_704 = tpu.vector_load %swap3A_702[%swap3A_703] {strides = array<i32>} : memref<128xf32, #tpu.memory_space<vmem>>, vector<16xf32>,
        tpu.vector_store %swap3A_702[%swap3A_703], %gather3A_664 {strides = array<i32>} : memref<128xf32, #tpu.memory_space<vmem>>, vector<16xf32>,
        %swap3A_705 = arith.constant 0 : i32
        %swap3A_706 = arith.constant 1 : i32
        %swap3A_707 = arith.constant 0 : i32
        %swap3A_708 = tpu.memref_slice %arg8[%swap3A_705, %scan3A_566, %swap3A_706, %swap3A_707] : memref<2x8x8x128xf32, #tpu.memory_space<vmem>> -> memref<1x1x1x128xf32, #tpu.memory_space<vmem>>
        %swap3A_709 = tpu.memref_squeeze %swap3A_708 : memref<1x1x1x128xf32, #tpu.memory_space<vmem>> -> memref<128xf32, #tpu.memory_space<vmem>>
        %swap3A_710 = arith.constant 64 : index
        %swap3A_711 = tpu.vector_load %swap3A_709[%swap3A_710] {strides = array<i32>} : memref<128xf32, #tpu.memory_space<vmem>>, vector<16xf32>,
        tpu.vector_store %swap3A_709[%swap3A_710], %gather3A_667 {strides = array<i32>} : memref<128xf32, #tpu.memory_space<vmem>>, vector<16xf32>,
        %swap3A_712 = arith.constant 0 : i32
        %swap3A_713 = arith.constant 1 : i32
        %swap3A_714 = arith.constant 0 : i32
        %swap3A_715 = tpu.memref_slice %arg8[%swap3A_712, %scan3A_566, %swap3A_713, %swap3A_714] : memref<2x8x8x128xf32, #tpu.memory_space<vmem>> -> memref<1x1x1x128xf32, #tpu.memory_space<vmem>>
        %swap3A_716 = tpu.memref_squeeze %swap3A_715 : memref<1x1x1x128xf32, #tpu.memory_space<vmem>> -> memref<128xf32, #tpu.memory_space<vmem>>
        %swap3A_717 = arith.constant 80 : index
        %swap3A_718 = tpu.vector_load %swap3A_716[%swap3A_717] {strides = array<i32>} : memref<128xf32, #tpu.memory_space<vmem>>, vector<16xf32>,
        tpu.vector_store %swap3A_716[%swap3A_717], %gather3A_670 {strides = array<i32>} : memref<128xf32, #tpu.memory_space<vmem>>, vector<16xf32>,
        %swap3A_719 = arith.constant 0 : i32
        %swap3A_720 = arith.constant 1 : i32
        %swap3A_721 = arith.constant 0 : i32
        %swap3A_722 = tpu.memref_slice %arg8[%swap3A_719, %scan3A_566, %swap3A_720, %swap3A_721] : memref<2x8x8x128xf32, #tpu.memory_space<vmem>> -> memref<1x1x1x128xf32, #tpu.memory_space<vmem>>
        %swap3A_723 = tpu.memref_squeeze %swap3A_722 : memref<1x1x1x128xf32, #tpu.memory_space<vmem>> -> memref<128xf32, #tpu.memory_space<vmem>>
        %swap3A_724 = arith.constant 96 : index
        %swap3A_725 = tpu.vector_load %swap3A_723[%swap3A_724] {strides = array<i32>} : memref<128xf32, #tpu.memory_space<vmem>>, vector<16xf32>,
        tpu.vector_store %swap3A_723[%swap3A_724], %gather3A_673 {strides = array<i32>} : memref<128xf32, #tpu.memory_space<vmem>>, vector<16xf32>,
        %swap3A_726 = arith.constant 0 : i32
        %swap3A_727 = arith.constant 1 : i32
        %swap3A_728 = arith.constant 0 : i32
        %swap3A_729 = tpu.memref_slice %arg8[%swap3A_726, %scan3A_566, %swap3A_727, %swap3A_728] : memref<2x8x8x128xf32, #tpu.memory_space<vmem>> -> memref<1x1x1x128xf32, #tpu.memory_space<vmem>>
        %swap3A_730 = tpu.memref_squeeze %swap3A_729 : memref<1x1x1x128xf32, #tpu.memory_space<vmem>> -> memref<128xf32, #tpu.memory_space<vmem>>
        %swap3A_731 = arith.constant 112 : index
        %swap3A_732 = tpu.vector_load %swap3A_730[%swap3A_731] {strides = array<i32>} : memref<128xf32, #tpu.memory_space<vmem>>, vector<16xf32>,
        tpu.vector_store %swap3A_730[%swap3A_731], %gather3A_676 {strides = array<i32>} : memref<128xf32, #tpu.memory_space<vmem>>, vector<16xf32>,
        %mul3A_733 = arith.constant 6464 : i32
        %mul3A_734 = arith.muli %scan3A_566, %mul3A_733 : i32
        %add3A_735 = arith.constant 1616 : i32
        %add3A_736 = arith.addi %mul3A_734, %add3A_735 : i32
        %add3A_737 = vector.broadcast %add3A_736 : i32 to vector<16xi32>
        %add3A_738 = arith.addi %add3A_394, %add3A_737 : vector<16xi32>
        %gather3A_739 = tpu.vector_load_idx %arg6[%add3A_738] : memref<51712xf32, #tpu.memory_space<vmem>>[vector<16xi32>], vector<16xf32>,
        %add3A_740 = vector.broadcast %add3A_736 : i32 to vector<16xi32>
        %add3A_741 = arith.addi %add3A_404, %add3A_740 : vector<16xi32>
        %gather3A_742 = tpu.vector_load_idx %arg6[%add3A_741] : memref<51712xf32, #tpu.memory_space<vmem>>[vector<16xi32>], vector<16xf32>,
        %add3A_743 = vector.broadcast %add3A_736 : i32 to vector<16xi32>
        %add3A_744 = arith.addi %add3A_414, %add3A_743 : vector<16xi32>
        %gather3A_745 = tpu.vector_load_idx %arg6[%add3A_744] : memref<51712xf32, #tpu.memory_space<vmem>>[vector<16xi32>], vector<16xf32>,
        %add3A_746 = vector.broadcast %add3A_736 : i32 to vector<16xi32>
        %add3A_747 = arith.addi %add3A_424, %add3A_746 : vector<16xi32>
        %gather3A_748 = tpu.vector_load_idx %arg6[%add3A_747] : memref<51712xf32, #tpu.memory_space<vmem>>[vector<16xi32>], vector<16xf32>,
        %add3A_749 = vector.broadcast %add3A_736 : i32 to vector<16xi32>
        %add3A_750 = arith.addi %add3A_434, %add3A_749 : vector<16xi32>
        %gather3A_751 = tpu.vector_load_idx %arg6[%add3A_750] : memref<51712xf32, #tpu.memory_space<vmem>>[vector<16xi32>], vector<16xf32>,
        %add3A_752 = vector.broadcast %add3A_736 : i32 to vector<16xi32>
        %add3A_753 = arith.addi %add3A_444, %add3A_752 : vector<16xi32>
        %gather3A_754 = tpu.vector_load_idx %arg6[%add3A_753] : memref<51712xf32, #tpu.memory_space<vmem>>[vector<16xi32>], vector<16xf32>,
        %add3A_755 = vector.broadcast %add3A_736 : i32 to vector<16xi32>
        %add3A_756 = arith.addi %add3A_454, %add3A_755 : vector<16xi32>
        %gather3A_757 = tpu.vector_load_idx %arg6[%add3A_756] : memref<51712xf32, #tpu.memory_space<vmem>>[vector<16xi32>], vector<16xf32>,
        %add3A_758 = vector.broadcast %add3A_736 : i32 to vector<16xi32>
        %add3A_759 = arith.addi %add3A_464, %add3A_758 : vector<16xi32>
        %gather3A_760 = tpu.vector_load_idx %arg6[%add3A_759] : memref<51712xf32, #tpu.memory_space<vmem>>[vector<16xi32>], vector<16xf32>,
        %swap3A_761 = arith.constant 0 : i32
        %swap3A_762 = arith.constant 2 : i32
        %swap3A_763 = arith.constant 0 : i32
        %swap3A_764 = tpu.memref_slice %arg8[%swap3A_761, %scan3A_566, %swap3A_762, %swap3A_763] : memref<2x8x8x128xf32, #tpu.memory_space<vmem>> -> memref<1x1x1x128xf32, #tpu.memory_space<vmem>>
        %swap3A_765 = tpu.memref_squeeze %swap3A_764 : memref<1x1x1x128xf32, #tpu.memory_space<vmem>> -> memref<128xf32, #tpu.memory_space<vmem>>
        %swap3A_766 = arith.constant 0 : index
        %swap3A_767 = tpu.vector_load %swap3A_765[%swap3A_766] {strides = array<i32>} : memref<128xf32, #tpu.memory_space<vmem>>, vector<16xf32>,
        tpu.vector_store %swap3A_765[%swap3A_766], %gather3A_739 {strides = array<i32>} : memref<128xf32, #tpu.memory_space<vmem>>, vector<16xf32>,
        %swap3A_768 = arith.constant 0 : i32
        %swap3A_769 = arith.constant 2 : i32
        %swap3A_770 = arith.constant 0 : i32
        %swap3A_771 = tpu.memref_slice %arg8[%swap3A_768, %scan3A_566, %swap3A_769, %swap3A_770] : memref<2x8x8x128xf32, #tpu.memory_space<vmem>> -> memref<1x1x1x128xf32, #tpu.memory_space<vmem>>
        %swap3A_772 = tpu.memref_squeeze %swap3A_771 : memref<1x1x1x128xf32, #tpu.memory_space<vmem>> -> memref<128xf32, #tpu.memory_space<vmem>>
        %swap3A_773 = arith.constant 16 : index
        %swap3A_774 = tpu.vector_load %swap3A_772[%swap3A_773] {strides = array<i32>} : memref<128xf32, #tpu.memory_space<vmem>>, vector<16xf32>,
        tpu.vector_store %swap3A_772[%swap3A_773], %gather3A_742 {strides = array<i32>} : memref<128xf32, #tpu.memory_space<vmem>>, vector<16xf32>,
        %swap3A_775 = arith.constant 0 : i32
        %swap3A_776 = arith.constant 2 : i32
        %swap3A_777 = arith.constant 0 : i32
        %swap3A_778 = tpu.memref_slice %arg8[%swap3A_775, %scan3A_566, %swap3A_776, %swap3A_777] : memref<2x8x8x128xf32, #tpu.memory_space<vmem>> -> memref<1x1x1x128xf32, #tpu.memory_space<vmem>>
        %swap3A_779 = tpu.memref_squeeze %swap3A_778 : memref<1x1x1x128xf32, #tpu.memory_space<vmem>> -> memref<128xf32, #tpu.memory_space<vmem>>
        %swap3A_780 = arith.constant 32 : index
        %swap3A_781 = tpu.vector_load %swap3A_779[%swap3A_780] {strides = array<i32>} : memref<128xf32, #tpu.memory_space<vmem>>, vector<16xf32>,
        tpu.vector_store %swap3A_779[%swap3A_780], %gather3A_745 {strides = array<i32>} : memref<128xf32, #tpu.memory_space<vmem>>, vector<16xf32>,
        %swap3A_782 = arith.constant 0 : i32
        %swap3A_783 = arith.constant 2 : i32
        %swap3A_784 = arith.constant 0 : i32
        %swap3A_785 = tpu.memref_slice %arg8[%swap3A_782, %scan3A_566, %swap3A_783, %swap3A_784] : memref<2x8x8x128xf32, #tpu.memory_space<vmem>> -> memref<1x1x1x128xf32, #tpu.memory_space<vmem>>
        %swap3A_786 = tpu.memref_squeeze %swap3A_785 : memref<1x1x1x128xf32, #tpu.memory_space<vmem>> -> memref<128xf32, #tpu.memory_space<vmem>>
        %swap3A_787 = arith.constant 48 : index
        %swap3A_788 = tpu.vector_load %swap3A_786[%swap3A_787] {strides = array<i32>} : memref<128xf32, #tpu.memory_space<vmem>>, vector<16xf32>,
        tpu.vector_store %swap3A_786[%swap3A_787], %gather3A_748 {strides = array<i32>} : memref<128xf32, #tpu.memory_space<vmem>>, vector<16xf32>,
        %swap3A_789 = arith.constant 0 : i32
        %swap3A_790 = arith.constant 2 : i32
        %swap3A_791 = arith.constant 0 : i32
        %swap3A_792 = tpu.memref_slice %arg8[%swap3A_789, %scan3A_566, %swap3A_790, %swap3A_791] : memref<2x8x8x128xf32, #tpu.memory_space<vmem>> -> memref<1x1x1x128xf32, #tpu.memory_space<vmem>>
        %swap3A_793 = tpu.memref_squeeze %swap3A_792 : memref<1x1x1x128xf32, #tpu.memory_space<vmem>> -> memref<128xf32, #tpu.memory_space<vmem>>
        %swap3A_794 = arith.constant 64 : index
        %swap3A_795 = tpu.vector_load %swap3A_793[%swap3A_794] {strides = array<i32>} : memref<128xf32, #tpu.memory_space<vmem>>, vector<16xf32>,
        tpu.vector_store %swap3A_793[%swap3A_794], %gather3A_751 {strides = array<i32>} : memref<128xf32, #tpu.memory_space<vmem>>, vector<16xf32>,
        %swap3A_796 = arith.constant 0 : i32
        %swap3A_797 = arith.constant 2 : i32
        %swap3A_798 = arith.constant 0 : i32
        %swap3A_799 = tpu.memref_slice %arg8[%swap3A_796, %scan3A_566, %swap3A_797, %swap3A_798] : memref<2x8x8x128xf32, #tpu.memory_space<vmem>> -> memref<1x1x1x128xf32, #tpu.memory_space<vmem>>
        %swap3A_800 = tpu.memref_squeeze %swap3A_799 : memref<1x1x1x128xf32, #tpu.memory_space<vmem>> -> memref<128xf32, #tpu.memory_space<vmem>>
        %swap3A_801 = arith.constant 80 : index
        %swap3A_802 = tpu.vector_load %swap3A_800[%swap3A_801] {strides = array<i32>} : memref<128xf32, #tpu.memory_space<vmem>>, vector<16xf32>,
        tpu.vector_store %swap3A_800[%swap3A_801], %gather3A_754 {strides = array<i32>} : memref<128xf32, #tpu.memory_space<vmem>>, vector<16xf32>,
        %swap3A_803 = arith.constant 0 : i32
        %swap3A_804 = arith.constant 2 : i32
        %swap3A_805 = arith.constant 0 : i32
        %swap3A_806 = tpu.memref_slice %arg8[%swap3A_803, %scan3A_566, %swap3A_804, %swap3A_805] : memref<2x8x8x128xf32, #tpu.memory_space<vmem>> -> memref<1x1x1x128xf32, #tpu.memory_space<vmem>>
        %swap3A_807 = tpu.memref_squeeze %swap3A_806 : memref<1x1x1x128xf32, #tpu.memory_space<vmem>> -> memref<128xf32, #tpu.memory_space<vmem>>
        %swap3A_808 = arith.constant 96 : index
        %swap3A_809 = tpu.vector_load %swap3A_807[%swap3A_808] {strides = array<i32>} : memref<128xf32, #tpu.memory_space<vmem>>, vector<16xf32>,
        tpu.vector_store %swap3A_807[%swap3A_808], %gather3A_757 {strides = array<i32>} : memref<128xf32, #tpu.memory_space<vmem>>, vector<16xf32>,
        %swap3A_810 = arith.constant 0 : i32
        %swap3A_811 = arith.constant 2 : i32
        %swap3A_812 = arith.constant 0 : i32
        %swap3A_813 = tpu.memref_slice %arg8[%swap3A_810, %scan3A_566, %swap3A_811, %swap3A_812] : memref<2x8x8x128xf32, #tpu.memory_space<vmem>> -> memref<1x1x1x128xf32, #tpu.memory_space<vmem>>
        %swap3A_814 = tpu.memref_squeeze %swap3A_813 : memref<1x1x1x128xf32, #tpu.memory_space<vmem>> -> memref<128xf32, #tpu.memory_space<vmem>>
        %swap3A_815 = arith.constant 112 : index
        %swap3A_816 = tpu.vector_load %swap3A_814[%swap3A_815] {strides = array<i32>} : memref<128xf32, #tpu.memory_space<vmem>>, vector<16xf32>,
        tpu.vector_store %swap3A_814[%swap3A_815], %gather3A_760 {strides = array<i32>} : memref<128xf32, #tpu.memory_space<vmem>>, vector<16xf32>,
        %mul3A_817 = arith.constant 6464 : i32
        %mul3A_818 = arith.muli %scan3A_566, %mul3A_817 : i32
        %add3A_819 = arith.constant 2424 : i32
        %add3A_820 = arith.addi %mul3A_818, %add3A_819 : i32
        %add3A_821 = vector.broadcast %add3A_820 : i32 to vector<16xi32>
        %add3A_822 = arith.addi %add3A_394, %add3A_821 : vector<16xi32>
        %gather3A_823 = tpu.vector_load_idx %arg6[%add3A_822] : memref<51712xf32, #tpu.memory_space<vmem>>[vector<16xi32>], vector<16xf32>,
        %add3A_824 = vector.broadcast %add3A_820 : i32 to vector<16xi32>
        %add3A_825 = arith.addi %add3A_404, %add3A_824 : vector<16xi32>
        %gather3A_826 = tpu.vector_load_idx %arg6[%add3A_825] : memref<51712xf32, #tpu.memory_space<vmem>>[vector<16xi32>], vector<16xf32>,
        %add3A_827 = vector.broadcast %add3A_820 : i32 to vector<16xi32>
        %add3A_828 = arith.addi %add3A_414, %add3A_827 : vector<16xi32>
        %gather3A_829 = tpu.vector_load_idx %arg6[%add3A_828] : memref<51712xf32, #tpu.memory_space<vmem>>[vector<16xi32>], vector<16xf32>,
        %add3A_830 = vector.broadcast %add3A_820 : i32 to vector<16xi32>
        %add3A_831 = arith.addi %add3A_424, %add3A_830 : vector<16xi32>
        %gather3A_832 = tpu.vector_load_idx %arg6[%add3A_831] : memref<51712xf32, #tpu.memory_space<vmem>>[vector<16xi32>], vector<16xf32>,
        %add3A_833 = vector.broadcast %add3A_820 : i32 to vector<16xi32>
        %add3A_834 = arith.addi %add3A_434, %add3A_833 : vector<16xi32>
        %gather3A_835 = tpu.vector_load_idx %arg6[%add3A_834] : memref<51712xf32, #tpu.memory_space<vmem>>[vector<16xi32>], vector<16xf32>,
        %add3A_836 = vector.broadcast %add3A_820 : i32 to vector<16xi32>
        %add3A_837 = arith.addi %add3A_444, %add3A_836 : vector<16xi32>
        %gather3A_838 = tpu.vector_load_idx %arg6[%add3A_837] : memref<51712xf32, #tpu.memory_space<vmem>>[vector<16xi32>], vector<16xf32>,
        %add3A_839 = vector.broadcast %add3A_820 : i32 to vector<16xi32>
        %add3A_840 = arith.addi %add3A_454, %add3A_839 : vector<16xi32>
        %gather3A_841 = tpu.vector_load_idx %arg6[%add3A_840] : memref<51712xf32, #tpu.memory_space<vmem>>[vector<16xi32>], vector<16xf32>,
        %add3A_842 = vector.broadcast %add3A_820 : i32 to vector<16xi32>
        %add3A_843 = arith.addi %add3A_464, %add3A_842 : vector<16xi32>
        %gather3A_844 = tpu.vector_load_idx %arg6[%add3A_843] : memref<51712xf32, #tpu.memory_space<vmem>>[vector<16xi32>], vector<16xf32>,
        %swap3A_845 = arith.constant 0 : i32
        %swap3A_846 = arith.constant 3 : i32
        %swap3A_847 = arith.constant 0 : i32
        %swap3A_848 = tpu.memref_slice %arg8[%swap3A_845, %scan3A_566, %swap3A_846, %swap3A_847] : memref<2x8x8x128xf32, #tpu.memory_space<vmem>> -> memref<1x1x1x128xf32, #tpu.memory_space<vmem>>
        %swap3A_849 = tpu.memref_squeeze %swap3A_848 : memref<1x1x1x128xf32, #tpu.memory_space<vmem>> -> memref<128xf32, #tpu.memory_space<vmem>>
        %swap3A_850 = arith.constant 0 : index
        %swap3A_851 = tpu.vector_load %swap3A_849[%swap3A_850] {strides = array<i32>} : memref<128xf32, #tpu.memory_space<vmem>>, vector<16xf32>,
        tpu.vector_store %swap3A_849[%swap3A_850], %gather3A_823 {strides = array<i32>} : memref<128xf32, #tpu.memory_space<vmem>>, vector<16xf32>,
        %swap3A_852 = arith.constant 0 : i32
        %swap3A_853 = arith.constant 3 : i32
        %swap3A_854 = arith.constant 0 : i32
        %swap3A_855 = tpu.memref_slice %arg8[%swap3A_852, %scan3A_566, %swap3A_853, %swap3A_854] : memref<2x8x8x128xf32, #tpu.memory_space<vmem>> -> memref<1x1x1x128xf32, #tpu.memory_space<vmem>>
        %swap3A_856 = tpu.memref_squeeze %swap3A_855 : memref<1x1x1x128xf32, #tpu.memory_space<vmem>> -> memref<128xf32, #tpu.memory_space<vmem>>
        %swap3A_857 = arith.constant 16 : index
        %swap3A_858 = tpu.vector_load %swap3A_856[%swap3A_857] {strides = array<i32>} : memref<128xf32, #tpu.memory_space<vmem>>, vector<16xf32>,
        tpu.vector_store %swap3A_856[%swap3A_857], %gather3A_826 {strides = array<i32>} : memref<128xf32, #tpu.memory_space<vmem>>, vector<16xf32>,
        %swap3A_859 = arith.constant 0 : i32
        %swap3A_860 = arith.constant 3 : i32
        %swap3A_861 = arith.constant 0 : i32
        %swap3A_862 = tpu.memref_slice %arg8[%swap3A_859, %scan3A_566, %swap3A_860, %swap3A_861] : memref<2x8x8x128xf32, #tpu.memory_space<vmem>> -> memref<1x1x1x128xf32, #tpu.memory_space<vmem>>
        %swap3A_863 = tpu.memref_squeeze %swap3A_862 : memref<1x1x1x128xf32, #tpu.memory_space<vmem>> -> memref<128xf32, #tpu.memory_space<vmem>>
        %swap3A_864 = arith.constant 32 : index
        %swap3A_865 = tpu.vector_load %swap3A_863[%swap3A_864] {strides = array<i32>} : memref<128xf32, #tpu.memory_space<vmem>>, vector<16xf32>,
        tpu.vector_store %swap3A_863[%swap3A_864], %gather3A_829 {strides = array<i32>} : memref<128xf32, #tpu.memory_space<vmem>>, vector<16xf32>,
        %swap3A_866 = arith.constant 0 : i32
        %swap3A_867 = arith.constant 3 : i32
        %swap3A_868 = arith.constant 0 : i32
        %swap3A_869 = tpu.memref_slice %arg8[%swap3A_866, %scan3A_566, %swap3A_867, %swap3A_868] : memref<2x8x8x128xf32, #tpu.memory_space<vmem>> -> memref<1x1x1x128xf32, #tpu.memory_space<vmem>>
        %swap3A_870 = tpu.memref_squeeze %swap3A_869 : memref<1x1x1x128xf32, #tpu.memory_space<vmem>> -> memref<128xf32, #tpu.memory_space<vmem>>
        %swap3A_871 = arith.constant 48 : index
        %swap3A_872 = tpu.vector_load %swap3A_870[%swap3A_871] {strides = array<i32>} : memref<128xf32, #tpu.memory_space<vmem>>, vector<16xf32>,
        tpu.vector_store %swap3A_870[%swap3A_871], %gather3A_832 {strides = array<i32>} : memref<128xf32, #tpu.memory_space<vmem>>, vector<16xf32>,
        %swap3A_873 = arith.constant 0 : i32
        %swap3A_874 = arith.constant 3 : i32
        %swap3A_875 = arith.constant 0 : i32
        %swap3A_876 = tpu.memref_slice %arg8[%swap3A_873, %scan3A_566, %swap3A_874, %swap3A_875] : memref<2x8x8x128xf32, #tpu.memory_space<vmem>> -> memref<1x1x1x128xf32, #tpu.memory_space<vmem>>
        %swap3A_877 = tpu.memref_squeeze %swap3A_876 : memref<1x1x1x128xf32, #tpu.memory_space<vmem>> -> memref<128xf32, #tpu.memory_space<vmem>>
        %swap3A_878 = arith.constant 64 : index
        %swap3A_879 = tpu.vector_load %swap3A_877[%swap3A_878] {strides = array<i32>} : memref<128xf32, #tpu.memory_space<vmem>>, vector<16xf32>,
        tpu.vector_store %swap3A_877[%swap3A_878], %gather3A_835 {strides = array<i32>} : memref<128xf32, #tpu.memory_space<vmem>>, vector<16xf32>,
        %swap3A_880 = arith.constant 0 : i32
        %swap3A_881 = arith.constant 3 : i32
        %swap3A_882 = arith.constant 0 : i32
        %swap3A_883 = tpu.memref_slice %arg8[%swap3A_880, %scan3A_566, %swap3A_881, %swap3A_882] : memref<2x8x8x128xf32, #tpu.memory_space<vmem>> -> memref<1x1x1x128xf32, #tpu.memory_space<vmem>>
        %swap3A_884 = tpu.memref_squeeze %swap3A_883 : memref<1x1x1x128xf32, #tpu.memory_space<vmem>> -> memref<128xf32, #tpu.memory_space<vmem>>
        %swap3A_885 = arith.constant 80 : index
        %swap3A_886 = tpu.vector_load %swap3A_884[%swap3A_885] {strides = array<i32>} : memref<128xf32, #tpu.memory_space<vmem>>, vector<16xf32>,
        tpu.vector_store %swap3A_884[%swap3A_885], %gather3A_838 {strides = array<i32>} : memref<128xf32, #tpu.memory_space<vmem>>, vector<16xf32>,
        %swap3A_887 = arith.constant 0 : i32
        %swap3A_888 = arith.constant 3 : i32
        %swap3A_889 = arith.constant 0 : i32
        %swap3A_890 = tpu.memref_slice %arg8[%swap3A_887, %scan3A_566, %swap3A_888, %swap3A_889] : memref<2x8x8x128xf32, #tpu.memory_space<vmem>> -> memref<1x1x1x128xf32, #tpu.memory_space<vmem>>
        %swap3A_891 = tpu.memref_squeeze %swap3A_890 : memref<1x1x1x128xf32, #tpu.memory_space<vmem>> -> memref<128xf32, #tpu.memory_space<vmem>>
        %swap3A_892 = arith.constant 96 : index
        %swap3A_893 = tpu.vector_load %swap3A_891[%swap3A_892] {strides = array<i32>} : memref<128xf32, #tpu.memory_space<vmem>>, vector<16xf32>,
        tpu.vector_store %swap3A_891[%swap3A_892], %gather3A_841 {strides = array<i32>} : memref<128xf32, #tpu.memory_space<vmem>>, vector<16xf32>,
        %swap3A_894 = arith.constant 0 : i32
        %swap3A_895 = arith.constant 3 : i32
        %swap3A_896 = arith.constant 0 : i32
        %swap3A_897 = tpu.memref_slice %arg8[%swap3A_894, %scan3A_566, %swap3A_895, %swap3A_896] : memref<2x8x8x128xf32, #tpu.memory_space<vmem>> -> memref<1x1x1x128xf32, #tpu.memory_space<vmem>>
        %swap3A_898 = tpu.memref_squeeze %swap3A_897 : memref<1x1x1x128xf32, #tpu.memory_space<vmem>> -> memref<128xf32, #tpu.memory_space<vmem>>
        %swap3A_899 = arith.constant 112 : index
        %swap3A_900 = tpu.vector_load %swap3A_898[%swap3A_899] {strides = array<i32>} : memref<128xf32, #tpu.memory_space<vmem>>, vector<16xf32>,
        tpu.vector_store %swap3A_898[%swap3A_899], %gather3A_844 {strides = array<i32>} : memref<128xf32, #tpu.memory_space<vmem>>, vector<16xf32>,
        %mul3A_901 = arith.constant 6464 : i32
        %mul3A_902 = arith.muli %scan3A_566, %mul3A_901 : i32
        %add3A_903 = arith.constant 3232 : i32
        %add3A_904 = arith.addi %mul3A_902, %add3A_903 : i32
        %add3A_905 = vector.broadcast %add3A_904 : i32 to vector<16xi32>
        %add3A_906 = arith.addi %add3A_394, %add3A_905 : vector<16xi32>
        %gather3A_907 = tpu.vector_load_idx %arg6[%add3A_906] : memref<51712xf32, #tpu.memory_space<vmem>>[vector<16xi32>], vector<16xf32>,
        %add3A_908 = vector.broadcast %add3A_904 : i32 to vector<16xi32>
        %add3A_909 = arith.addi %add3A_404, %add3A_908 : vector<16xi32>
        %gather3A_910 = tpu.vector_load_idx %arg6[%add3A_909] : memref<51712xf32, #tpu.memory_space<vmem>>[vector<16xi32>], vector<16xf32>,
        %add3A_911 = vector.broadcast %add3A_904 : i32 to vector<16xi32>
        %add3A_912 = arith.addi %add3A_414, %add3A_911 : vector<16xi32>
        %gather3A_913 = tpu.vector_load_idx %arg6[%add3A_912] : memref<51712xf32, #tpu.memory_space<vmem>>[vector<16xi32>], vector<16xf32>,
        %add3A_914 = vector.broadcast %add3A_904 : i32 to vector<16xi32>
        %add3A_915 = arith.addi %add3A_424, %add3A_914 : vector<16xi32>
        %gather3A_916 = tpu.vector_load_idx %arg6[%add3A_915] : memref<51712xf32, #tpu.memory_space<vmem>>[vector<16xi32>], vector<16xf32>,
        %add3A_917 = vector.broadcast %add3A_904 : i32 to vector<16xi32>
        %add3A_918 = arith.addi %add3A_434, %add3A_917 : vector<16xi32>
        %gather3A_919 = tpu.vector_load_idx %arg6[%add3A_918] : memref<51712xf32, #tpu.memory_space<vmem>>[vector<16xi32>], vector<16xf32>,
        %add3A_920 = vector.broadcast %add3A_904 : i32 to vector<16xi32>
        %add3A_921 = arith.addi %add3A_444, %add3A_920 : vector<16xi32>
        %gather3A_922 = tpu.vector_load_idx %arg6[%add3A_921] : memref<51712xf32, #tpu.memory_space<vmem>>[vector<16xi32>], vector<16xf32>,
        %add3A_923 = vector.broadcast %add3A_904 : i32 to vector<16xi32>
        %add3A_924 = arith.addi %add3A_454, %add3A_923 : vector<16xi32>
        %gather3A_925 = tpu.vector_load_idx %arg6[%add3A_924] : memref<51712xf32, #tpu.memory_space<vmem>>[vector<16xi32>], vector<16xf32>,
        %add3A_926 = vector.broadcast %add3A_904 : i32 to vector<16xi32>
        %add3A_927 = arith.addi %add3A_464, %add3A_926 : vector<16xi32>
        %gather3A_928 = tpu.vector_load_idx %arg6[%add3A_927] : memref<51712xf32, #tpu.memory_space<vmem>>[vector<16xi32>], vector<16xf32>,
        %swap3A_929 = arith.constant 0 : i32
        %swap3A_930 = arith.constant 4 : i32
        %swap3A_931 = arith.constant 0 : i32
        %swap3A_932 = tpu.memref_slice %arg8[%swap3A_929, %scan3A_566, %swap3A_930, %swap3A_931] : memref<2x8x8x128xf32, #tpu.memory_space<vmem>> -> memref<1x1x1x128xf32, #tpu.memory_space<vmem>>
        %swap3A_933 = tpu.memref_squeeze %swap3A_932 : memref<1x1x1x128xf32, #tpu.memory_space<vmem>> -> memref<128xf32, #tpu.memory_space<vmem>>
        %swap3A_934 = arith.constant 0 : index
        %swap3A_935 = tpu.vector_load %swap3A_933[%swap3A_934] {strides = array<i32>} : memref<128xf32, #tpu.memory_space<vmem>>, vector<16xf32>,
        tpu.vector_store %swap3A_933[%swap3A_934], %gather3A_907 {strides = array<i32>} : memref<128xf32, #tpu.memory_space<vmem>>, vector<16xf32>,
        %swap3A_936 = arith.constant 0 : i32
        %swap3A_937 = arith.constant 4 : i32
        %swap3A_938 = arith.constant 0 : i32
        %swap3A_939 = tpu.memref_slice %arg8[%swap3A_936, %scan3A_566, %swap3A_937, %swap3A_938] : memref<2x8x8x128xf32, #tpu.memory_space<vmem>> -> memref<1x1x1x128xf32, #tpu.memory_space<vmem>>
        %swap3A_940 = tpu.memref_squeeze %swap3A_939 : memref<1x1x1x128xf32, #tpu.memory_space<vmem>> -> memref<128xf32, #tpu.memory_space<vmem>>
        %swap3A_941 = arith.constant 16 : index
        %swap3A_942 = tpu.vector_load %swap3A_940[%swap3A_941] {strides = array<i32>} : memref<128xf32, #tpu.memory_space<vmem>>, vector<16xf32>,
        tpu.vector_store %swap3A_940[%swap3A_941], %gather3A_910 {strides = array<i32>} : memref<128xf32, #tpu.memory_space<vmem>>, vector<16xf32>,
        %swap3A_943 = arith.constant 0 : i32
        %swap3A_944 = arith.constant 4 : i32
        %swap3A_945 = arith.constant 0 : i32
        %swap3A_946 = tpu.memref_slice %arg8[%swap3A_943, %scan3A_566, %swap3A_944, %swap3A_945] : memref<2x8x8x128xf32, #tpu.memory_space<vmem>> -> memref<1x1x1x128xf32, #tpu.memory_space<vmem>>
        %swap3A_947 = tpu.memref_squeeze %swap3A_946 : memref<1x1x1x128xf32, #tpu.memory_space<vmem>> -> memref<128xf32, #tpu.memory_space<vmem>>
        %swap3A_948 = arith.constant 32 : index
        %swap3A_949 = tpu.vector_load %swap3A_947[%swap3A_948] {strides = array<i32>} : memref<128xf32, #tpu.memory_space<vmem>>, vector<16xf32>,
        tpu.vector_store %swap3A_947[%swap3A_948], %gather3A_913 {strides = array<i32>} : memref<128xf32, #tpu.memory_space<vmem>>, vector<16xf32>,
        %swap3A_950 = arith.constant 0 : i32
        %swap3A_951 = arith.constant 4 : i32
        %swap3A_952 = arith.constant 0 : i32
        %swap3A_953 = tpu.memref_slice %arg8[%swap3A_950, %scan3A_566, %swap3A_951, %swap3A_952] : memref<2x8x8x128xf32, #tpu.memory_space<vmem>> -> memref<1x1x1x128xf32, #tpu.memory_space<vmem>>
        %swap3A_954 = tpu.memref_squeeze %swap3A_953 : memref<1x1x1x128xf32, #tpu.memory_space<vmem>> -> memref<128xf32, #tpu.memory_space<vmem>>
        %swap3A_955 = arith.constant 48 : index
        %swap3A_956 = tpu.vector_load %swap3A_954[%swap3A_955] {strides = array<i32>} : memref<128xf32, #tpu.memory_space<vmem>>, vector<16xf32>,
        tpu.vector_store %swap3A_954[%swap3A_955], %gather3A_916 {strides = array<i32>} : memref<128xf32, #tpu.memory_space<vmem>>, vector<16xf32>,
        %swap3A_957 = arith.constant 0 : i32
        %swap3A_958 = arith.constant 4 : i32
        %swap3A_959 = arith.constant 0 : i32
        %swap3A_960 = tpu.memref_slice %arg8[%swap3A_957, %scan3A_566, %swap3A_958, %swap3A_959] : memref<2x8x8x128xf32, #tpu.memory_space<vmem>> -> memref<1x1x1x128xf32, #tpu.memory_space<vmem>>
        %swap3A_961 = tpu.memref_squeeze %swap3A_960 : memref<1x1x1x128xf32, #tpu.memory_space<vmem>> -> memref<128xf32, #tpu.memory_space<vmem>>
        %swap3A_962 = arith.constant 64 : index
        %swap3A_963 = tpu.vector_load %swap3A_961[%swap3A_962] {strides = array<i32>} : memref<128xf32, #tpu.memory_space<vmem>>, vector<16xf32>,
        tpu.vector_store %swap3A_961[%swap3A_962], %gather3A_919 {strides = array<i32>} : memref<128xf32, #tpu.memory_space<vmem>>, vector<16xf32>,
        %swap3A_964 = arith.constant 0 : i32
        %swap3A_965 = arith.constant 4 : i32
        %swap3A_966 = arith.constant 0 : i32
        %swap3A_967 = tpu.memref_slice %arg8[%swap3A_964, %scan3A_566, %swap3A_965, %swap3A_966] : memref<2x8x8x128xf32, #tpu.memory_space<vmem>> -> memref<1x1x1x128xf32, #tpu.memory_space<vmem>>
        %swap3A_968 = tpu.memref_squeeze %swap3A_967 : memref<1x1x1x128xf32, #tpu.memory_space<vmem>> -> memref<128xf32, #tpu.memory_space<vmem>>
        %swap3A_969 = arith.constant 80 : index
        %swap3A_970 = tpu.vector_load %swap3A_968[%swap3A_969] {strides = array<i32>} : memref<128xf32, #tpu.memory_space<vmem>>, vector<16xf32>,
        tpu.vector_store %swap3A_968[%swap3A_969], %gather3A_922 {strides = array<i32>} : memref<128xf32, #tpu.memory_space<vmem>>, vector<16xf32>,
        %swap3A_971 = arith.constant 0 : i32
        %swap3A_972 = arith.constant 4 : i32
        %swap3A_973 = arith.constant 0 : i32
        %swap3A_974 = tpu.memref_slice %arg8[%swap3A_971, %scan3A_566, %swap3A_972, %swap3A_973] : memref<2x8x8x128xf32, #tpu.memory_space<vmem>> -> memref<1x1x1x128xf32, #tpu.memory_space<vmem>>
        %swap3A_975 = tpu.memref_squeeze %swap3A_974 : memref<1x1x1x128xf32, #tpu.memory_space<vmem>> -> memref<128xf32, #tpu.memory_space<vmem>>
        %swap3A_976 = arith.constant 96 : index
        %swap3A_977 = tpu.vector_load %swap3A_975[%swap3A_976] {strides = array<i32>} : memref<128xf32, #tpu.memory_space<vmem>>, vector<16xf32>,
        tpu.vector_store %swap3A_975[%swap3A_976], %gather3A_925 {strides = array<i32>} : memref<128xf32, #tpu.memory_space<vmem>>, vector<16xf32>,
        %swap3A_978 = arith.constant 0 : i32
        %swap3A_979 = arith.constant 4 : i32
        %swap3A_980 = arith.constant 0 : i32
        %swap3A_981 = tpu.memref_slice %arg8[%swap3A_978, %scan3A_566, %swap3A_979, %swap3A_980] : memref<2x8x8x128xf32, #tpu.memory_space<vmem>> -> memref<1x1x1x128xf32, #tpu.memory_space<vmem>>
        %swap3A_982 = tpu.memref_squeeze %swap3A_981 : memref<1x1x1x128xf32, #tpu.memory_space<vmem>> -> memref<128xf32, #tpu.memory_space<vmem>>
        %swap3A_983 = arith.constant 112 : index
        %swap3A_984 = tpu.vector_load %swap3A_982[%swap3A_983] {strides = array<i32>} : memref<128xf32, #tpu.memory_space<vmem>>, vector<16xf32>,
        tpu.vector_store %swap3A_982[%swap3A_983], %gather3A_928 {strides = array<i32>} : memref<128xf32, #tpu.memory_space<vmem>>, vector<16xf32>,
        %mul3A_985 = arith.constant 6464 : i32
        %mul3A_986 = arith.muli %scan3A_566, %mul3A_985 : i32
        %add3A_987 = arith.constant 4040 : i32
        %add3A_988 = arith.addi %mul3A_986, %add3A_987 : i32
        %add3A_989 = vector.broadcast %add3A_988 : i32 to vector<16xi32>
        %add3A_990 = arith.addi %add3A_394, %add3A_989 : vector<16xi32>
        %gather3A_991 = tpu.vector_load_idx %arg6[%add3A_990] : memref<51712xf32, #tpu.memory_space<vmem>>[vector<16xi32>], vector<16xf32>,
        %add3A_992 = vector.broadcast %add3A_988 : i32 to vector<16xi32>
        %add3A_993 = arith.addi %add3A_404, %add3A_992 : vector<16xi32>
        %gather3A_994 = tpu.vector_load_idx %arg6[%add3A_993] : memref<51712xf32, #tpu.memory_space<vmem>>[vector<16xi32>], vector<16xf32>,
        %add3A_995 = vector.broadcast %add3A_988 : i32 to vector<16xi32>
        %add3A_996 = arith.addi %add3A_414, %add3A_995 : vector<16xi32>
        %gather3A_997 = tpu.vector_load_idx %arg6[%add3A_996] : memref<51712xf32, #tpu.memory_space<vmem>>[vector<16xi32>], vector<16xf32>,
        %add3A_998 = vector.broadcast %add3A_988 : i32 to vector<16xi32>
        %add3A_999 = arith.addi %add3A_424, %add3A_998 : vector<16xi32>
        %gather3A_1000 = tpu.vector_load_idx %arg6[%add3A_999] : memref<51712xf32, #tpu.memory_space<vmem>>[vector<16xi32>], vector<16xf32>,
        %add3A_1001 = vector.broadcast %add3A_988 : i32 to vector<16xi32>
        %add3A_1002 = arith.addi %add3A_434, %add3A_1001 : vector<16xi32>
        %gather3A_1003 = tpu.vector_load_idx %arg6[%add3A_1002] : memref<51712xf32, #tpu.memory_space<vmem>>[vector<16xi32>], vector<16xf32>,
        %add3A_1004 = vector.broadcast %add3A_988 : i32 to vector<16xi32>
        %add3A_1005 = arith.addi %add3A_444, %add3A_1004 : vector<16xi32>
        %gather3A_1006 = tpu.vector_load_idx %arg6[%add3A_1005] : memref<51712xf32, #tpu.memory_space<vmem>>[vector<16xi32>], vector<16xf32>,
        %add3A_1007 = vector.broadcast %add3A_988 : i32 to vector<16xi32>
        %add3A_1008 = arith.addi %add3A_454, %add3A_1007 : vector<16xi32>
        %gather3A_1009 = tpu.vector_load_idx %arg6[%add3A_1008] : memref<51712xf32, #tpu.memory_space<vmem>>[vector<16xi32>], vector<16xf32>,
        %add3A_1010 = vector.broadcast %add3A_988 : i32 to vector<16xi32>
        %add3A_1011 = arith.addi %add3A_464, %add3A_1010 : vector<16xi32>
        %gather3A_1012 = tpu.vector_load_idx %arg6[%add3A_1011] : memref<51712xf32, #tpu.memory_space<vmem>>[vector<16xi32>], vector<16xf32>,
        %swap3A_1013 = arith.constant 0 : i32
        %swap3A_1014 = arith.constant 5 : i32
        %swap3A_1015 = arith.constant 0 : i32
        %swap3A_1016 = tpu.memref_slice %arg8[%swap3A_1013, %scan3A_566, %swap3A_1014, %swap3A_1015] : memref<2x8x8x128xf32, #tpu.memory_space<vmem>> -> memref<1x1x1x128xf32, #tpu.memory_space<vmem>>
        %swap3A_1017 = tpu.memref_squeeze %swap3A_1016 : memref<1x1x1x128xf32, #tpu.memory_space<vmem>> -> memref<128xf32, #tpu.memory_space<vmem>>
        %swap3A_1018 = arith.constant 0 : index
        %swap3A_1019 = tpu.vector_load %swap3A_1017[%swap3A_1018] {strides = array<i32>} : memref<128xf32, #tpu.memory_space<vmem>>, vector<16xf32>,
        tpu.vector_store %swap3A_1017[%swap3A_1018], %gather3A_991 {strides = array<i32>} : memref<128xf32, #tpu.memory_space<vmem>>, vector<16xf32>,
        %swap3A_1020 = arith.constant 0 : i32
        %swap3A_1021 = arith.constant 5 : i32
        %swap3A_1022 = arith.constant 0 : i32
        %swap3A_1023 = tpu.memref_slice %arg8[%swap3A_1020, %scan3A_566, %swap3A_1021, %swap3A_1022] : memref<2x8x8x128xf32, #tpu.memory_space<vmem>> -> memref<1x1x1x128xf32, #tpu.memory_space<vmem>>
        %swap3A_1024 = tpu.memref_squeeze %swap3A_1023 : memref<1x1x1x128xf32, #tpu.memory_space<vmem>> -> memref<128xf32, #tpu.memory_space<vmem>>
        %swap3A_1025 = arith.constant 16 : index
        %swap3A_1026 = tpu.vector_load %swap3A_1024[%swap3A_1025] {strides = array<i32>} : memref<128xf32, #tpu.memory_space<vmem>>, vector<16xf32>,
        tpu.vector_store %swap3A_1024[%swap3A_1025], %gather3A_994 {strides = array<i32>} : memref<128xf32, #tpu.memory_space<vmem>>, vector<16xf32>,
        %swap3A_1027 = arith.constant 0 : i32
        %swap3A_1028 = arith.constant 5 : i32
        %swap3A_1029 = arith.constant 0 : i32
        %swap3A_1030 = tpu.memref_slice %arg8[%swap3A_1027, %scan3A_566, %swap3A_1028, %swap3A_1029] : memref<2x8x8x128xf32, #tpu.memory_space<vmem>> -> memref<1x1x1x128xf32, #tpu.memory_space<vmem>>
        %swap3A_1031 = tpu.memref_squeeze %swap3A_1030 : memref<1x1x1x128xf32, #tpu.memory_space<vmem>> -> memref<128xf32, #tpu.memory_space<vmem>>
        %swap3A_1032 = arith.constant 32 : index
        %swap3A_1033 = tpu.vector_load %swap3A_1031[%swap3A_1032] {strides = array<i32>} : memref<128xf32, #tpu.memory_space<vmem>>, vector<16xf32>,
        tpu.vector_store %swap3A_1031[%swap3A_1032], %gather3A_997 {strides = array<i32>} : memref<128xf32, #tpu.memory_space<vmem>>, vector<16xf32>,
        %swap3A_1034 = arith.constant 0 : i32
        %swap3A_1035 = arith.constant 5 : i32
        %swap3A_1036 = arith.constant 0 : i32
        %swap3A_1037 = tpu.memref_slice %arg8[%swap3A_1034, %scan3A_566, %swap3A_1035, %swap3A_1036] : memref<2x8x8x128xf32, #tpu.memory_space<vmem>> -> memref<1x1x1x128xf32, #tpu.memory_space<vmem>>
        %swap3A_1038 = tpu.memref_squeeze %swap3A_1037 : memref<1x1x1x128xf32, #tpu.memory_space<vmem>> -> memref<128xf32, #tpu.memory_space<vmem>>
        %swap3A_1039 = arith.constant 48 : index
        %swap3A_1040 = tpu.vector_load %swap3A_1038[%swap3A_1039] {strides = array<i32>} : memref<128xf32, #tpu.memory_space<vmem>>, vector<16xf32>,
        tpu.vector_store %swap3A_1038[%swap3A_1039], %gather3A_1000 {strides = array<i32>} : memref<128xf32, #tpu.memory_space<vmem>>, vector<16xf32>,
        %swap3A_1041 = arith.constant 0 : i32
        %swap3A_1042 = arith.constant 5 : i32
        %swap3A_1043 = arith.constant 0 : i32
        %swap3A_1044 = tpu.memref_slice %arg8[%swap3A_1041, %scan3A_566, %swap3A_1042, %swap3A_1043] : memref<2x8x8x128xf32, #tpu.memory_space<vmem>> -> memref<1x1x1x128xf32, #tpu.memory_space<vmem>>
        %swap3A_1045 = tpu.memref_squeeze %swap3A_1044 : memref<1x1x1x128xf32, #tpu.memory_space<vmem>> -> memref<128xf32, #tpu.memory_space<vmem>>
        %swap3A_1046 = arith.constant 64 : index
        %swap3A_1047 = tpu.vector_load %swap3A_1045[%swap3A_1046] {strides = array<i32>} : memref<128xf32, #tpu.memory_space<vmem>>, vector<16xf32>,
        tpu.vector_store %swap3A_1045[%swap3A_1046], %gather3A_1003 {strides = array<i32>} : memref<128xf32, #tpu.memory_space<vmem>>, vector<16xf32>,
        %swap3A_1048 = arith.constant 0 : i32
        %swap3A_1049 = arith.constant 5 : i32
        %swap3A_1050 = arith.constant 0 : i32
        %swap3A_1051 = tpu.memref_slice %arg8[%swap3A_1048, %scan3A_566, %swap3A_1049, %swap3A_1050] : memref<2x8x8x128xf32, #tpu.memory_space<vmem>> -> memref<1x1x1x128xf32, #tpu.memory_space<vmem>>
        %swap3A_1052 = tpu.memref_squeeze %swap3A_1051 : memref<1x1x1x128xf32, #tpu.memory_space<vmem>> -> memref<128xf32, #tpu.memory_space<vmem>>
        %swap3A_1053 = arith.constant 80 : index
        %swap3A_1054 = tpu.vector_load %swap3A_1052[%swap3A_1053] {strides = array<i32>} : memref<128xf32, #tpu.memory_space<vmem>>, vector<16xf32>,
        tpu.vector_store %swap3A_1052[%swap3A_1053], %gather3A_1006 {strides = array<i32>} : memref<128xf32, #tpu.memory_space<vmem>>, vector<16xf32>,
        %swap3A_1055 = arith.constant 0 : i32
        %swap3A_1056 = arith.constant 5 : i32
        %swap3A_1057 = arith.constant 0 : i32
        %swap3A_1058 = tpu.memref_slice %arg8[%swap3A_1055, %scan3A_566, %swap3A_1056, %swap3A_1057] : memref<2x8x8x128xf32, #tpu.memory_space<vmem>> -> memref<1x1x1x128xf32, #tpu.memory_space<vmem>>
        %swap3A_1059 = tpu.memref_squeeze %swap3A_1058 : memref<1x1x1x128xf32, #tpu.memory_space<vmem>> -> memref<128xf32, #tpu.memory_space<vmem>>
        %swap3A_1060 = arith.constant 96 : index
        %swap3A_1061 = tpu.vector_load %swap3A_1059[%swap3A_1060] {strides = array<i32>} : memref<128xf32, #tpu.memory_space<vmem>>, vector<16xf32>,
        tpu.vector_store %swap3A_1059[%swap3A_1060], %gather3A_1009 {strides = array<i32>} : memref<128xf32, #tpu.memory_space<vmem>>, vector<16xf32>,
        %swap3A_1062 = arith.constant 0 : i32
        %swap3A_1063 = arith.constant 5 : i32
        %swap3A_1064 = arith.constant 0 : i32
        %swap3A_1065 = tpu.memref_slice %arg8[%swap3A_1062, %scan3A_566, %swap3A_1063, %swap3A_1064] : memref<2x8x8x128xf32, #tpu.memory_space<vmem>> -> memref<1x1x1x128xf32, #tpu.memory_space<vmem>>
        %swap3A_1066 = tpu.memref_squeeze %swap3A_1065 : memref<1x1x1x128xf32, #tpu.memory_space<vmem>> -> memref<128xf32, #tpu.memory_space<vmem>>
        %swap3A_1067 = arith.constant 112 : index
        %swap3A_1068 = tpu.vector_load %swap3A_1066[%swap3A_1067] {strides = array<i32>} : memref<128xf32, #tpu.memory_space<vmem>>, vector<16xf32>,
        tpu.vector_store %swap3A_1066[%swap3A_1067], %gather3A_1012 {strides = array<i32>} : memref<128xf32, #tpu.memory_space<vmem>>, vector<16xf32>,
        %mul3A_1069 = arith.constant 6464 : i32
        %mul3A_1070 = arith.muli %scan3A_566, %mul3A_1069 : i32
        %add3A_1071 = arith.constant 4848 : i32
        %add3A_1072 = arith.addi %mul3A_1070, %add3A_1071 : i32
        %add3A_1073 = vector.broadcast %add3A_1072 : i32 to vector<16xi32>
        %add3A_1074 = arith.addi %add3A_394, %add3A_1073 : vector<16xi32>
        %gather3A_1075 = tpu.vector_load_idx %arg6[%add3A_1074] : memref<51712xf32, #tpu.memory_space<vmem>>[vector<16xi32>], vector<16xf32>,
        %add3A_1076 = vector.broadcast %add3A_1072 : i32 to vector<16xi32>
        %add3A_1077 = arith.addi %add3A_404, %add3A_1076 : vector<16xi32>
        %gather3A_1078 = tpu.vector_load_idx %arg6[%add3A_1077] : memref<51712xf32, #tpu.memory_space<vmem>>[vector<16xi32>], vector<16xf32>,
        %add3A_1079 = vector.broadcast %add3A_1072 : i32 to vector<16xi32>
        %add3A_1080 = arith.addi %add3A_414, %add3A_1079 : vector<16xi32>
        %gather3A_1081 = tpu.vector_load_idx %arg6[%add3A_1080] : memref<51712xf32, #tpu.memory_space<vmem>>[vector<16xi32>], vector<16xf32>,
        %add3A_1082 = vector.broadcast %add3A_1072 : i32 to vector<16xi32>
        %add3A_1083 = arith.addi %add3A_424, %add3A_1082 : vector<16xi32>
        %gather3A_1084 = tpu.vector_load_idx %arg6[%add3A_1083] : memref<51712xf32, #tpu.memory_space<vmem>>[vector<16xi32>], vector<16xf32>,
        %add3A_1085 = vector.broadcast %add3A_1072 : i32 to vector<16xi32>
        %add3A_1086 = arith.addi %add3A_434, %add3A_1085 : vector<16xi32>
        %gather3A_1087 = tpu.vector_load_idx %arg6[%add3A_1086] : memref<51712xf32, #tpu.memory_space<vmem>>[vector<16xi32>], vector<16xf32>,
        %add3A_1088 = vector.broadcast %add3A_1072 : i32 to vector<16xi32>
        %add3A_1089 = arith.addi %add3A_444, %add3A_1088 : vector<16xi32>
        %gather3A_1090 = tpu.vector_load_idx %arg6[%add3A_1089] : memref<51712xf32, #tpu.memory_space<vmem>>[vector<16xi32>], vector<16xf32>,
        %add3A_1091 = vector.broadcast %add3A_1072 : i32 to vector<16xi32>
        %add3A_1092 = arith.addi %add3A_454, %add3A_1091 : vector<16xi32>
        %gather3A_1093 = tpu.vector_load_idx %arg6[%add3A_1092] : memref<51712xf32, #tpu.memory_space<vmem>>[vector<16xi32>], vector<16xf32>,
        %add3A_1094 = vector.broadcast %add3A_1072 : i32 to vector<16xi32>
        %add3A_1095 = arith.addi %add3A_464, %add3A_1094 : vector<16xi32>
        %gather3A_1096 = tpu.vector_load_idx %arg6[%add3A_1095] : memref<51712xf32, #tpu.memory_space<vmem>>[vector<16xi32>], vector<16xf32>,
        %swap3A_1097 = arith.constant 0 : i32
        %swap3A_1098 = arith.constant 6 : i32
        %swap3A_1099 = arith.constant 0 : i32
        %swap3A_1100 = tpu.memref_slice %arg8[%swap3A_1097, %scan3A_566, %swap3A_1098, %swap3A_1099] : memref<2x8x8x128xf32, #tpu.memory_space<vmem>> -> memref<1x1x1x128xf32, #tpu.memory_space<vmem>>
        %swap3A_1101 = tpu.memref_squeeze %swap3A_1100 : memref<1x1x1x128xf32, #tpu.memory_space<vmem>> -> memref<128xf32, #tpu.memory_space<vmem>>
        %swap3A_1102 = arith.constant 0 : index
        %swap3A_1103 = tpu.vector_load %swap3A_1101[%swap3A_1102] {strides = array<i32>} : memref<128xf32, #tpu.memory_space<vmem>>, vector<16xf32>,
        tpu.vector_store %swap3A_1101[%swap3A_1102], %gather3A_1075 {strides = array<i32>} : memref<128xf32, #tpu.memory_space<vmem>>, vector<16xf32>,
        %swap3A_1104 = arith.constant 0 : i32
        %swap3A_1105 = arith.constant 6 : i32
        %swap3A_1106 = arith.constant 0 : i32
        %swap3A_1107 = tpu.memref_slice %arg8[%swap3A_1104, %scan3A_566, %swap3A_1105, %swap3A_1106] : memref<2x8x8x128xf32, #tpu.memory_space<vmem>> -> memref<1x1x1x128xf32, #tpu.memory_space<vmem>>
        %swap3A_1108 = tpu.memref_squeeze %swap3A_1107 : memref<1x1x1x128xf32, #tpu.memory_space<vmem>> -> memref<128xf32, #tpu.memory_space<vmem>>
        %swap3A_1109 = arith.constant 16 : index
        %swap3A_1110 = tpu.vector_load %swap3A_1108[%swap3A_1109] {strides = array<i32>} : memref<128xf32, #tpu.memory_space<vmem>>, vector<16xf32>,
        tpu.vector_store %swap3A_1108[%swap3A_1109], %gather3A_1078 {strides = array<i32>} : memref<128xf32, #tpu.memory_space<vmem>>, vector<16xf32>,
        %swap3A_1111 = arith.constant 0 : i32
        %swap3A_1112 = arith.constant 6 : i32
        %swap3A_1113 = arith.constant 0 : i32
        %swap3A_1114 = tpu.memref_slice %arg8[%swap3A_1111, %scan3A_566, %swap3A_1112, %swap3A_1113] : memref<2x8x8x128xf32, #tpu.memory_space<vmem>> -> memref<1x1x1x128xf32, #tpu.memory_space<vmem>>
        %swap3A_1115 = tpu.memref_squeeze %swap3A_1114 : memref<1x1x1x128xf32, #tpu.memory_space<vmem>> -> memref<128xf32, #tpu.memory_space<vmem>>
        %swap3A_1116 = arith.constant 32 : index
        %swap3A_1117 = tpu.vector_load %swap3A_1115[%swap3A_1116] {strides = array<i32>} : memref<128xf32, #tpu.memory_space<vmem>>, vector<16xf32>,
        tpu.vector_store %swap3A_1115[%swap3A_1116], %gather3A_1081 {strides = array<i32>} : memref<128xf32, #tpu.memory_space<vmem>>, vector<16xf32>,
        %swap3A_1118 = arith.constant 0 : i32
        %swap3A_1119 = arith.constant 6 : i32
        %swap3A_1120 = arith.constant 0 : i32
        %swap3A_1121 = tpu.memref_slice %arg8[%swap3A_1118, %scan3A_566, %swap3A_1119, %swap3A_1120] : memref<2x8x8x128xf32, #tpu.memory_space<vmem>> -> memref<1x1x1x128xf32, #tpu.memory_space<vmem>>
        %swap3A_1122 = tpu.memref_squeeze %swap3A_1121 : memref<1x1x1x128xf32, #tpu.memory_space<vmem>> -> memref<128xf32, #tpu.memory_space<vmem>>
        %swap3A_1123 = arith.constant 48 : index
        %swap3A_1124 = tpu.vector_load %swap3A_1122[%swap3A_1123] {strides = array<i32>} : memref<128xf32, #tpu.memory_space<vmem>>, vector<16xf32>,
        tpu.vector_store %swap3A_1122[%swap3A_1123], %gather3A_1084 {strides = array<i32>} : memref<128xf32, #tpu.memory_space<vmem>>, vector<16xf32>,
        %swap3A_1125 = arith.constant 0 : i32
        %swap3A_1126 = arith.constant 6 : i32
        %swap3A_1127 = arith.constant 0 : i32
        %swap3A_1128 = tpu.memref_slice %arg8[%swap3A_1125, %scan3A_566, %swap3A_1126, %swap3A_1127] : memref<2x8x8x128xf32, #tpu.memory_space<vmem>> -> memref<1x1x1x128xf32, #tpu.memory_space<vmem>>
        %swap3A_1129 = tpu.memref_squeeze %swap3A_1128 : memref<1x1x1x128xf32, #tpu.memory_space<vmem>> -> memref<128xf32, #tpu.memory_space<vmem>>
        %swap3A_1130 = arith.constant 64 : index
        %swap3A_1131 = tpu.vector_load %swap3A_1129[%swap3A_1130] {strides = array<i32>} : memref<128xf32, #tpu.memory_space<vmem>>, vector<16xf32>,
        tpu.vector_store %swap3A_1129[%swap3A_1130], %gather3A_1087 {strides = array<i32>} : memref<128xf32, #tpu.memory_space<vmem>>, vector<16xf32>,
        %swap3A_1132 = arith.constant 0 : i32
        %swap3A_1133 = arith.constant 6 : i32
        %swap3A_1134 = arith.constant 0 : i32
        %swap3A_1135 = tpu.memref_slice %arg8[%swap3A_1132, %scan3A_566, %swap3A_1133, %swap3A_1134] : memref<2x8x8x128xf32, #tpu.memory_space<vmem>> -> memref<1x1x1x128xf32, #tpu.memory_space<vmem>>
        %swap3A_1136 = tpu.memref_squeeze %swap3A_1135 : memref<1x1x1x128xf32, #tpu.memory_space<vmem>> -> memref<128xf32, #tpu.memory_space<vmem>>
        %swap3A_1137 = arith.constant 80 : index
        %swap3A_1138 = tpu.vector_load %swap3A_1136[%swap3A_1137] {strides = array<i32>} : memref<128xf32, #tpu.memory_space<vmem>>, vector<16xf32>,
        tpu.vector_store %swap3A_1136[%swap3A_1137], %gather3A_1090 {strides = array<i32>} : memref<128xf32, #tpu.memory_space<vmem>>, vector<16xf32>,
        %swap3A_1139 = arith.constant 0 : i32
        %swap3A_1140 = arith.constant 6 : i32
        %swap3A_1141 = arith.constant 0 : i32
        %swap3A_1142 = tpu.memref_slice %arg8[%swap3A_1139, %scan3A_566, %swap3A_1140, %swap3A_1141] : memref<2x8x8x128xf32, #tpu.memory_space<vmem>> -> memref<1x1x1x128xf32, #tpu.memory_space<vmem>>
        %swap3A_1143 = tpu.memref_squeeze %swap3A_1142 : memref<1x1x1x128xf32, #tpu.memory_space<vmem>> -> memref<128xf32, #tpu.memory_space<vmem>>
        %swap3A_1144 = arith.constant 96 : index
        %swap3A_1145 = tpu.vector_load %swap3A_1143[%swap3A_1144] {strides = array<i32>} : memref<128xf32, #tpu.memory_space<vmem>>, vector<16xf32>,
        tpu.vector_store %swap3A_1143[%swap3A_1144], %gather3A_1093 {strides = array<i32>} : memref<128xf32, #tpu.memory_space<vmem>>, vector<16xf32>,
        %swap3A_1146 = arith.constant 0 : i32
        %swap3A_1147 = arith.constant 6 : i32
        %swap3A_1148 = arith.constant 0 : i32
        %swap3A_1149 = tpu.memref_slice %arg8[%swap3A_1146, %scan3A_566, %swap3A_1147, %swap3A_1148] : memref<2x8x8x128xf32, #tpu.memory_space<vmem>> -> memref<1x1x1x128xf32, #tpu.memory_space<vmem>>
        %swap3A_1150 = tpu.memref_squeeze %swap3A_1149 : memref<1x1x1x128xf32, #tpu.memory_space<vmem>> -> memref<128xf32, #tpu.memory_space<vmem>>
        %swap3A_1151 = arith.constant 112 : index
        %swap3A_1152 = tpu.vector_load %swap3A_1150[%swap3A_1151] {strides = array<i32>} : memref<128xf32, #tpu.memory_space<vmem>>, vector<16xf32>,
        tpu.vector_store %swap3A_1150[%swap3A_1151], %gather3A_1096 {strides = array<i32>} : memref<128xf32, #tpu.memory_space<vmem>>, vector<16xf32>,
        %mul3A_1153 = arith.constant 6464 : i32
        %mul3A_1154 = arith.muli %scan3A_566, %mul3A_1153 : i32
        %add3A_1155 = arith.constant 5656 : i32
        %add3A_1156 = arith.addi %mul3A_1154, %add3A_1155 : i32
        %add3A_1157 = vector.broadcast %add3A_1156 : i32 to vector<16xi32>
        %add3A_1158 = arith.addi %add3A_394, %add3A_1157 : vector<16xi32>
        %gather3A_1159 = tpu.vector_load_idx %arg6[%add3A_1158] : memref<51712xf32, #tpu.memory_space<vmem>>[vector<16xi32>], vector<16xf32>,
        %add3A_1160 = vector.broadcast %add3A_1156 : i32 to vector<16xi32>
        %add3A_1161 = arith.addi %add3A_404, %add3A_1160 : vector<16xi32>
        %gather3A_1162 = tpu.vector_load_idx %arg6[%add3A_1161] : memref<51712xf32, #tpu.memory_space<vmem>>[vector<16xi32>], vector<16xf32>,
        %add3A_1163 = vector.broadcast %add3A_1156 : i32 to vector<16xi32>
        %add3A_1164 = arith.addi %add3A_414, %add3A_1163 : vector<16xi32>
        %gather3A_1165 = tpu.vector_load_idx %arg6[%add3A_1164] : memref<51712xf32, #tpu.memory_space<vmem>>[vector<16xi32>], vector<16xf32>,
        %add3A_1166 = vector.broadcast %add3A_1156 : i32 to vector<16xi32>
        %add3A_1167 = arith.addi %add3A_424, %add3A_1166 : vector<16xi32>
        %gather3A_1168 = tpu.vector_load_idx %arg6[%add3A_1167] : memref<51712xf32, #tpu.memory_space<vmem>>[vector<16xi32>], vector<16xf32>,
        %add3A_1169 = vector.broadcast %add3A_1156 : i32 to vector<16xi32>
        %add3A_1170 = arith.addi %add3A_434, %add3A_1169 : vector<16xi32>
        %gather3A_1171 = tpu.vector_load_idx %arg6[%add3A_1170] : memref<51712xf32, #tpu.memory_space<vmem>>[vector<16xi32>], vector<16xf32>,
        %add3A_1172 = vector.broadcast %add3A_1156 : i32 to vector<16xi32>
        %add3A_1173 = arith.addi %add3A_444, %add3A_1172 : vector<16xi32>
        %gather3A_1174 = tpu.vector_load_idx %arg6[%add3A_1173] : memref<51712xf32, #tpu.memory_space<vmem>>[vector<16xi32>], vector<16xf32>,
        %add3A_1175 = vector.broadcast %add3A_1156 : i32 to vector<16xi32>
        %add3A_1176 = arith.addi %add3A_454, %add3A_1175 : vector<16xi32>
        %gather3A_1177 = tpu.vector_load_idx %arg6[%add3A_1176] : memref<51712xf32, #tpu.memory_space<vmem>>[vector<16xi32>], vector<16xf32>,
        %add3A_1178 = vector.broadcast %add3A_1156 : i32 to vector<16xi32>
        %add3A_1179 = arith.addi %add3A_464, %add3A_1178 : vector<16xi32>
        %gather3A_1180 = tpu.vector_load_idx %arg6[%add3A_1179] : memref<51712xf32, #tpu.memory_space<vmem>>[vector<16xi32>], vector<16xf32>,
        %swap3A_1181 = arith.constant 0 : i32
        %swap3A_1182 = arith.constant 7 : i32
        %swap3A_1183 = arith.constant 0 : i32
        %swap3A_1184 = tpu.memref_slice %arg8[%swap3A_1181, %scan3A_566, %swap3A_1182, %swap3A_1183] : memref<2x8x8x128xf32, #tpu.memory_space<vmem>> -> memref<1x1x1x128xf32, #tpu.memory_space<vmem>>
        %swap3A_1185 = tpu.memref_squeeze %swap3A_1184 : memref<1x1x1x128xf32, #tpu.memory_space<vmem>> -> memref<128xf32, #tpu.memory_space<vmem>>
        %swap3A_1186 = arith.constant 0 : index
        %swap3A_1187 = tpu.vector_load %swap3A_1185[%swap3A_1186] {strides = array<i32>} : memref<128xf32, #tpu.memory_space<vmem>>, vector<16xf32>,
        tpu.vector_store %swap3A_1185[%swap3A_1186], %gather3A_1159 {strides = array<i32>} : memref<128xf32, #tpu.memory_space<vmem>>, vector<16xf32>,
        %swap3A_1188 = arith.constant 0 : i32
        %swap3A_1189 = arith.constant 7 : i32
        %swap3A_1190 = arith.constant 0 : i32
        %swap3A_1191 = tpu.memref_slice %arg8[%swap3A_1188, %scan3A_566, %swap3A_1189, %swap3A_1190] : memref<2x8x8x128xf32, #tpu.memory_space<vmem>> -> memref<1x1x1x128xf32, #tpu.memory_space<vmem>>
        %swap3A_1192 = tpu.memref_squeeze %swap3A_1191 : memref<1x1x1x128xf32, #tpu.memory_space<vmem>> -> memref<128xf32, #tpu.memory_space<vmem>>
        %swap3A_1193 = arith.constant 16 : index
        %swap3A_1194 = tpu.vector_load %swap3A_1192[%swap3A_1193] {strides = array<i32>} : memref<128xf32, #tpu.memory_space<vmem>>, vector<16xf32>,
        tpu.vector_store %swap3A_1192[%swap3A_1193], %gather3A_1162 {strides = array<i32>} : memref<128xf32, #tpu.memory_space<vmem>>, vector<16xf32>,
        %swap3A_1195 = arith.constant 0 : i32
        %swap3A_1196 = arith.constant 7 : i32
        %swap3A_1197 = arith.constant 0 : i32
        %swap3A_1198 = tpu.memref_slice %arg8[%swap3A_1195, %scan3A_566, %swap3A_1196, %swap3A_1197] : memref<2x8x8x128xf32, #tpu.memory_space<vmem>> -> memref<1x1x1x128xf32, #tpu.memory_space<vmem>>
        %swap3A_1199 = tpu.memref_squeeze %swap3A_1198 : memref<1x1x1x128xf32, #tpu.memory_space<vmem>> -> memref<128xf32, #tpu.memory_space<vmem>>
        %swap3A_1200 = arith.constant 32 : index
        %swap3A_1201 = tpu.vector_load %swap3A_1199[%swap3A_1200] {strides = array<i32>} : memref<128xf32, #tpu.memory_space<vmem>>, vector<16xf32>,
        tpu.vector_store %swap3A_1199[%swap3A_1200], %gather3A_1165 {strides = array<i32>} : memref<128xf32, #tpu.memory_space<vmem>>, vector<16xf32>,
        %swap3A_1202 = arith.constant 0 : i32
        %swap3A_1203 = arith.constant 7 : i32
        %swap3A_1204 = arith.constant 0 : i32
        %swap3A_1205 = tpu.memref_slice %arg8[%swap3A_1202, %scan3A_566, %swap3A_1203, %swap3A_1204] : memref<2x8x8x128xf32, #tpu.memory_space<vmem>> -> memref<1x1x1x128xf32, #tpu.memory_space<vmem>>
        %swap3A_1206 = tpu.memref_squeeze %swap3A_1205 : memref<1x1x1x128xf32, #tpu.memory_space<vmem>> -> memref<128xf32, #tpu.memory_space<vmem>>
        %swap3A_1207 = arith.constant 48 : index
        %swap3A_1208 = tpu.vector_load %swap3A_1206[%swap3A_1207] {strides = array<i32>} : memref<128xf32, #tpu.memory_space<vmem>>, vector<16xf32>,
        tpu.vector_store %swap3A_1206[%swap3A_1207], %gather3A_1168 {strides = array<i32>} : memref<128xf32, #tpu.memory_space<vmem>>, vector<16xf32>,
        %swap3A_1209 = arith.constant 0 : i32
        %swap3A_1210 = arith.constant 7 : i32
        %swap3A_1211 = arith.constant 0 : i32
        %swap3A_1212 = tpu.memref_slice %arg8[%swap3A_1209, %scan3A_566, %swap3A_1210, %swap3A_1211] : memref<2x8x8x128xf32, #tpu.memory_space<vmem>> -> memref<1x1x1x128xf32, #tpu.memory_space<vmem>>
        %swap3A_1213 = tpu.memref_squeeze %swap3A_1212 : memref<1x1x1x128xf32, #tpu.memory_space<vmem>> -> memref<128xf32, #tpu.memory_space<vmem>>
        %swap3A_1214 = arith.constant 64 : index
        %swap3A_1215 = tpu.vector_load %swap3A_1213[%swap3A_1214] {strides = array<i32>} : memref<128xf32, #tpu.memory_space<vmem>>, vector<16xf32>,
        tpu.vector_store %swap3A_1213[%swap3A_1214], %gather3A_1171 {strides = array<i32>} : memref<128xf32, #tpu.memory_space<vmem>>, vector<16xf32>,
        %swap3A_1216 = arith.constant 0 : i32
        %swap3A_1217 = arith.constant 7 : i32
        %swap3A_1218 = arith.constant 0 : i32
        %swap3A_1219 = tpu.memref_slice %arg8[%swap3A_1216, %scan3A_566, %swap3A_1217, %swap3A_1218] : memref<2x8x8x128xf32, #tpu.memory_space<vmem>> -> memref<1x1x1x128xf32, #tpu.memory_space<vmem>>
        %swap3A_1220 = tpu.memref_squeeze %swap3A_1219 : memref<1x1x1x128xf32, #tpu.memory_space<vmem>> -> memref<128xf32, #tpu.memory_space<vmem>>
        %swap3A_1221 = arith.constant 80 : index
        %swap3A_1222 = tpu.vector_load %swap3A_1220[%swap3A_1221] {strides = array<i32>} : memref<128xf32, #tpu.memory_space<vmem>>, vector<16xf32>,
        tpu.vector_store %swap3A_1220[%swap3A_1221], %gather3A_1174 {strides = array<i32>} : memref<128xf32, #tpu.memory_space<vmem>>, vector<16xf32>,
        %swap3A_1223 = arith.constant 0 : i32
        %swap3A_1224 = arith.constant 7 : i32
        %swap3A_1225 = arith.constant 0 : i32
        %swap3A_1226 = tpu.memref_slice %arg8[%swap3A_1223, %scan3A_566, %swap3A_1224, %swap3A_1225] : memref<2x8x8x128xf32, #tpu.memory_space<vmem>> -> memref<1x1x1x128xf32, #tpu.memory_space<vmem>>
        %swap3A_1227 = tpu.memref_squeeze %swap3A_1226 : memref<1x1x1x128xf32, #tpu.memory_space<vmem>> -> memref<128xf32, #tpu.memory_space<vmem>>
        %swap3A_1228 = arith.constant 96 : index
        %swap3A_1229 = tpu.vector_load %swap3A_1227[%swap3A_1228] {strides = array<i32>} : memref<128xf32, #tpu.memory_space<vmem>>, vector<16xf32>,
        tpu.vector_store %swap3A_1227[%swap3A_1228], %gather3A_1177 {strides = array<i32>} : memref<128xf32, #tpu.memory_space<vmem>>, vector<16xf32>,
        %swap3A_1230 = arith.constant 0 : i32
        %swap3A_1231 = arith.constant 7 : i32
        %swap3A_1232 = arith.constant 0 : i32
        %swap3A_1233 = tpu.memref_slice %arg8[%swap3A_1230, %scan3A_566, %swap3A_1231, %swap3A_1232] : memref<2x8x8x128xf32, #tpu.memory_space<vmem>> -> memref<1x1x1x128xf32, #tpu.memory_space<vmem>>
        %swap3A_1234 = tpu.memref_squeeze %swap3A_1233 : memref<1x1x1x128xf32, #tpu.memory_space<vmem>> -> memref<128xf32, #tpu.memory_space<vmem>>
        %swap3A_1235 = arith.constant 112 : index
        %swap3A_1236 = tpu.vector_load %swap3A_1234[%swap3A_1235] {strides = array<i32>} : memref<128xf32, #tpu.memory_space<vmem>>, vector<16xf32>,
        tpu.vector_store %swap3A_1234[%swap3A_1235], %gather3A_1180 {strides = array<i32>} : memref<128xf32, #tpu.memory_space<vmem>>, vector<16xf32>,
        %dma_start3A = arith.constant 0 : i32
        %dma_start3A_1237 = arith.constant 0 : i32
        %dma_start3A_1238 = arith.constant 0 : i32
        %dma_start3A_1239 = arith.constant 0 : i32
        %dma_start3A_1240 = tpu.memref_slice %arg8[%dma_start3A, %scan3A_566, %dma_start3A_1238, %dma_start3A_1239] : memref<2x8x8x128xf32, #tpu.memory_space<vmem>> -> memref<1x1x8x128xf32, #tpu.memory_space<vmem>>
        %dma_start3A_1241 = tpu.memref_squeeze %dma_start3A_1240 : memref<1x1x8x128xf32, #tpu.memory_space<vmem>> -> memref<8x128xf32, #tpu.memory_space<vmem>>
        %dma_start3A_1242 = arith.constant 0 : i32
        %dma_start3A_1243 = arith.constant 0 : i32
        %dma_start3A_1244 = tpu.memref_slice %arg4[%add3A_383, %scan3A_566, %add3A, %dma_start3A_1242, %dma_start3A_1243] : memref<200x8x32x8x128xf32, #tpu.memory_space<hbm>> -> memref<1x1x1x8x128xf32, #tpu.memory_space<hbm>>
        %dma_start3A_1245 = tpu.memref_squeeze %dma_start3A_1244 : memref<1x1x1x8x128xf32, #tpu.memory_space<hbm>> -> memref<8x128xf32, #tpu.memory_space<hbm>>
        %dma_start3A_1246 = tpu.memref_slice %arg9[%dma_start3A_1237] : memref<2x!tpu.dma_semaphore, #tpu.memory_space<semaphore_mem>> -> memref<1x!tpu.dma_semaphore, #tpu.memory_space<semaphore_mem>>
        %dma_start3A_1247 = tpu.memref_squeeze %dma_start3A_1246 : memref<1x!tpu.dma_semaphore, #tpu.memory_space<semaphore_mem>> -> memref<!tpu.dma_semaphore, #tpu.memory_space<semaphore_mem>>
        %dma_start3A_1248 = arith.constant 0 : i32
        %dma_start3A_1249 = arith.constant 0 : i32
        %dma_start3A_1250 = tpu.memref_slice %arg4[%add3A_383, %scan3A_566, %add3A, %dma_start3A_1248, %dma_start3A_1249] : memref<200x8x32x8x128xf32, #tpu.memory_space<hbm>> -> memref<1x1x1x8x128xf32, #tpu.memory_space<hbm>>
        %dma_start3A_1251 = tpu.memref_squeeze %dma_start3A_1250 : memref<1x1x1x8x128xf32, #tpu.memory_space<hbm>> -> memref<8x128xf32, #tpu.memory_space<hbm>>
        %dma_start3A_1252 = arith.constant 0 : i32
        %dma_start3A_1253 = arith.constant 0 : i32
        %dma_start3A_1254 = tpu.memref_slice %arg8[%dma_start3A, %scan3A_566, %dma_start3A_1252, %dma_start3A_1253] : memref<2x8x8x128xf32, #tpu.memory_space<vmem>> -> memref<1x1x8x128xf32, #tpu.memory_space<vmem>>
        %dma_start3A_1255 = tpu.memref_squeeze %dma_start3A_1254 : memref<1x1x8x128xf32, #tpu.memory_space<vmem>> -> memref<8x128xf32, #tpu.memory_space<vmem>>
        tpu.enqueue_dma source(%dma_start3A_1255 : memref<8x128xf32, #tpu.memory_space<vmem>>) target(%dma_start3A_1251 : memref<8x128xf32, #tpu.memory_space<hbm>>) target_semaphore(%dma_start3A_1247 : memref<!tpu.dma_semaphore, #tpu.memory_space<semaphore_mem>>)
      }
      %scan3A_470 = arith.constant 8 : i32
      %mul3A_471 = arith.constant 2 : i32
      %mul3A_472 = arith.muli %scan3A_379, %mul3A_471 : i32
      %add3A_473 = arith.constant 1 : i32
      %add3A_474 = arith.addi %mul3A_472, %add3A_473 : i32
      %ge3A_475 = arith.constant 2 : i32
      %ge3A_476 = arith.cmpi sge, %add3A_474, %ge3A_475 : i32
      %convert_element_type3A_477 = arith.extui %ge3A_476 : i1 to i32
      %cond3A_478 = arith.constant 0 : i32
      %cond3A_479 = arith.cmpi ne, %convert_element_type3A_477, %cond3A_478 : i32
      scf.if %cond3A_479 {
        %dma_wait3A_566 = arith.constant 1 : i32
        %dma_wait3A_567 = arith.constant 0 : i32
        %dma_wait3A_568 = arith.constant 0 : i32
        %dma_wait3A_569 = arith.constant 0 : i32
        %dma_wait3A_570 = arith.constant 1 : i32
        %dma_wait3A_571 = arith.constant 0 : i32
        %dma_wait3A_572 = arith.constant 0 : i32
        %dma_wait3A_573 = tpu.memref_slice %arg8[%dma_wait3A_566, %dma_wait3A_567, %dma_wait3A_571, %dma_wait3A_572] : memref<2x8x8x128xf32, #tpu.memory_space<vmem>> -> memref<1x1x8x128xf32, #tpu.memory_space<vmem>>
        %dma_wait3A_574 = tpu.memref_squeeze %dma_wait3A_573 : memref<1x1x8x128xf32, #tpu.memory_space<vmem>> -> memref<8x128xf32, #tpu.memory_space<vmem>>
        %dma_wait3A_575 = arith.constant 0 : i32
        %dma_wait3A_576 = arith.constant 0 : i32
        %dma_wait3A_577 = tpu.memref_slice %arg4[%dma_wait3A_568, %dma_wait3A_569, %add3A, %dma_wait3A_575, %dma_wait3A_576] : memref<200x8x32x8x128xf32, #tpu.memory_space<hbm>> -> memref<1x1x1x8x128xf32, #tpu.memory_space<hbm>>
        %dma_wait3A_578 = tpu.memref_squeeze %dma_wait3A_577 : memref<1x1x1x8x128xf32, #tpu.memory_space<hbm>> -> memref<8x128xf32, #tpu.memory_space<hbm>>
        %dma_wait3A_579 = tpu.memref_slice %arg9[%dma_wait3A_570] : memref<2x!tpu.dma_semaphore, #tpu.memory_space<semaphore_mem>> -> memref<1x!tpu.dma_semaphore, #tpu.memory_space<semaphore_mem>>
        %dma_wait3A_580 = tpu.memref_squeeze %dma_wait3A_579 : memref<1x!tpu.dma_semaphore, #tpu.memory_space<semaphore_mem>> -> memref<!tpu.dma_semaphore, #tpu.memory_space<semaphore_mem>>
        %dma_wait3A_581 = arith.constant 0 : i32
        %dma_wait3A_582 = arith.constant 0 : i32
        %dma_wait3A_583 = tpu.memref_slice %arg4[%dma_wait3A_568, %dma_wait3A_569, %add3A, %dma_wait3A_581, %dma_wait3A_582] : memref<200x8x32x8x128xf32, #tpu.memory_space<hbm>> -> memref<1x1x1x8x128xf32, #tpu.memory_space<hbm>>
        %dma_wait3A_584 = tpu.memref_squeeze %dma_wait3A_583 : memref<1x1x1x8x128xf32, #tpu.memory_space<hbm>> -> memref<8x128xf32, #tpu.memory_space<hbm>>
        %dma_wait3A_585 = arith.constant 0 : i32
        %dma_wait3A_586 = arith.constant 0 : i32
        %dma_wait3A_587 = tpu.memref_slice %arg8[%dma_wait3A_566, %dma_wait3A_567, %dma_wait3A_585, %dma_wait3A_586] : memref<2x8x8x128xf32, #tpu.memory_space<vmem>> -> memref<1x1x8x128xf32, #tpu.memory_space<vmem>>
        %dma_wait3A_588 = tpu.memref_squeeze %dma_wait3A_587 : memref<1x1x8x128xf32, #tpu.memory_space<vmem>> -> memref<8x128xf32, #tpu.memory_space<vmem>>
        tpu.wait_dma2 semaphore(%dma_wait3A_580 : memref<!tpu.dma_semaphore, #tpu.memory_space<semaphore_mem>>) src(%dma_wait3A_588 : memref<8x128xf32, #tpu.memory_space<vmem>>) dst(%dma_wait3A_584 : memref<8x128xf32, #tpu.memory_space<hbm>>)
        %dma_wait3A_589 = arith.constant 1 : i32
        %dma_wait3A_590 = arith.constant 1 : i32
        %dma_wait3A_591 = arith.constant 0 : i32
        %dma_wait3A_592 = arith.constant 1 : i32
        %dma_wait3A_593 = arith.constant 1 : i32
        %dma_wait3A_594 = arith.constant 0 : i32
        %dma_wait3A_595 = arith.constant 0 : i32
        %dma_wait3A_596 = tpu.memref_slice %arg8[%dma_wait3A_589, %dma_wait3A_590, %dma_wait3A_594, %dma_wait3A_595] : memref<2x8x8x128xf32, #tpu.memory_space<vmem>> -> memref<1x1x8x128xf32, #tpu.memory_space<vmem>>
        %dma_wait3A_597 = tpu.memref_squeeze %dma_wait3A_596 : memref<1x1x8x128xf32, #tpu.memory_space<vmem>> -> memref<8x128xf32, #tpu.memory_space<vmem>>
        %dma_wait3A_598 = arith.constant 0 : i32
        %dma_wait3A_599 = arith.constant 0 : i32
        %dma_wait3A_600 = tpu.memref_slice %arg4[%dma_wait3A_591, %dma_wait3A_592, %add3A, %dma_wait3A_598, %dma_wait3A_599] : memref<200x8x32x8x128xf32, #tpu.memory_space<hbm>> -> memref<1x1x1x8x128xf32, #tpu.memory_space<hbm>>
        %dma_wait3A_601 = tpu.memref_squeeze %dma_wait3A_600 : memref<1x1x1x8x128xf32, #tpu.memory_space<hbm>> -> memref<8x128xf32, #tpu.memory_space<hbm>>
        %dma_wait3A_602 = tpu.memref_slice %arg9[%dma_wait3A_593] : memref<2x!tpu.dma_semaphore, #tpu.memory_space<semaphore_mem>> -> memref<1x!tpu.dma_semaphore, #tpu.memory_space<semaphore_mem>>
        %dma_wait3A_603 = tpu.memref_squeeze %dma_wait3A_602 : memref<1x!tpu.dma_semaphore, #tpu.memory_space<semaphore_mem>> -> memref<!tpu.dma_semaphore, #tpu.memory_space<semaphore_mem>>
        %dma_wait3A_604 = arith.constant 0 : i32
        %dma_wait3A_605 = arith.constant 0 : i32
        %dma_wait3A_606 = tpu.memref_slice %arg4[%dma_wait3A_591, %dma_wait3A_592, %add3A, %dma_wait3A_604, %dma_wait3A_605] : memref<200x8x32x8x128xf32, #tpu.memory_space<hbm>> -> memref<1x1x1x8x128xf32, #tpu.memory_space<hbm>>
        %dma_wait3A_607 = tpu.memref_squeeze %dma_wait3A_606 : memref<1x1x1x8x128xf32, #tpu.memory_space<hbm>> -> memref<8x128xf32, #tpu.memory_space<hbm>>
        %dma_wait3A_608 = arith.constant 0 : i32
        %dma_wait3A_609 = arith.constant 0 : i32
        %dma_wait3A_610 = tpu.memref_slice %arg8[%dma_wait3A_589, %dma_wait3A_590, %dma_wait3A_608, %dma_wait3A_609] : memref<2x8x8x128xf32, #tpu.memory_space<vmem>> -> memref<1x1x8x128xf32, #tpu.memory_space<vmem>>
        %dma_wait3A_611 = tpu.memref_squeeze %dma_wait3A_610 : memref<1x1x8x128xf32, #tpu.memory_space<vmem>> -> memref<8x128xf32, #tpu.memory_space<vmem>>
        tpu.wait_dma2 semaphore(%dma_wait3A_603 : memref<!tpu.dma_semaphore, #tpu.memory_space<semaphore_mem>>) src(%dma_wait3A_611 : memref<8x128xf32, #tpu.memory_space<vmem>>) dst(%dma_wait3A_607 : memref<8x128xf32, #tpu.memory_space<hbm>>)
        %dma_wait3A_612 = arith.constant 1 : i32
        %dma_wait3A_613 = arith.constant 2 : i32
        %dma_wait3A_614 = arith.constant 0 : i32
        %dma_wait3A_615 = arith.constant 2 : i32
        %dma_wait3A_616 = arith.constant 1 : i32
        %dma_wait3A_617 = arith.constant 0 : i32
        %dma_wait3A_618 = arith.constant 0 : i32
        %dma_wait3A_619 = tpu.memref_slice %arg8[%dma_wait3A_612, %dma_wait3A_613, %dma_wait3A_617, %dma_wait3A_618] : memref<2x8x8x128xf32, #tpu.memory_space<vmem>> -> memref<1x1x8x128xf32, #tpu.memory_space<vmem>>
        %dma_wait3A_620 = tpu.memref_squeeze %dma_wait3A_619 : memref<1x1x8x128xf32, #tpu.memory_space<vmem>> -> memref<8x128xf32, #tpu.memory_space<vmem>>
        %dma_wait3A_621 = arith.constant 0 : i32
        %dma_wait3A_622 = arith.constant 0 : i32
        %dma_wait3A_623 = tpu.memref_slice %arg4[%dma_wait3A_614, %dma_wait3A_615, %add3A, %dma_wait3A_621, %dma_wait3A_622] : memref<200x8x32x8x128xf32, #tpu.memory_space<hbm>> -> memref<1x1x1x8x128xf32, #tpu.memory_space<hbm>>
        %dma_wait3A_624 = tpu.memref_squeeze %dma_wait3A_623 : memref<1x1x1x8x128xf32, #tpu.memory_space<hbm>> -> memref<8x128xf32, #tpu.memory_space<hbm>>
        %dma_wait3A_625 = tpu.memref_slice %arg9[%dma_wait3A_616] : memref<2x!tpu.dma_semaphore, #tpu.memory_space<semaphore_mem>> -> memref<1x!tpu.dma_semaphore, #tpu.memory_space<semaphore_mem>>
        %dma_wait3A_626 = tpu.memref_squeeze %dma_wait3A_625 : memref<1x!tpu.dma_semaphore, #tpu.memory_space<semaphore_mem>> -> memref<!tpu.dma_semaphore, #tpu.memory_space<semaphore_mem>>
        %dma_wait3A_627 = arith.constant 0 : i32
        %dma_wait3A_628 = arith.constant 0 : i32
        %dma_wait3A_629 = tpu.memref_slice %arg4[%dma_wait3A_614, %dma_wait3A_615, %add3A, %dma_wait3A_627, %dma_wait3A_628] : memref<200x8x32x8x128xf32, #tpu.memory_space<hbm>> -> memref<1x1x1x8x128xf32, #tpu.memory_space<hbm>>
        %dma_wait3A_630 = tpu.memref_squeeze %dma_wait3A_629 : memref<1x1x1x8x128xf32, #tpu.memory_space<hbm>> -> memref<8x128xf32, #tpu.memory_space<hbm>>
        %dma_wait3A_631 = arith.constant 0 : i32
        %dma_wait3A_632 = arith.constant 0 : i32
        %dma_wait3A_633 = tpu.memref_slice %arg8[%dma_wait3A_612, %dma_wait3A_613, %dma_wait3A_631, %dma_wait3A_632] : memref<2x8x8x128xf32, #tpu.memory_space<vmem>> -> memref<1x1x8x128xf32, #tpu.memory_space<vmem>>
        %dma_wait3A_634 = tpu.memref_squeeze %dma_wait3A_633 : memref<1x1x8x128xf32, #tpu.memory_space<vmem>> -> memref<8x128xf32, #tpu.memory_space<vmem>>
        tpu.wait_dma2 semaphore(%dma_wait3A_626 : memref<!tpu.dma_semaphore, #tpu.memory_space<semaphore_mem>>) src(%dma_wait3A_634 : memref<8x128xf32, #tpu.memory_space<vmem>>) dst(%dma_wait3A_630 : memref<8x128xf32, #tpu.memory_space<hbm>>)
        %dma_wait3A_635 = arith.constant 1 : i32
        %dma_wait3A_636 = arith.constant 3 : i32
        %dma_wait3A_637 = arith.constant 0 : i32
        %dma_wait3A_638 = arith.constant 3 : i32
        %dma_wait3A_639 = arith.constant 1 : i32
        %dma_wait3A_640 = arith.constant 0 : i32
        %dma_wait3A_641 = arith.constant 0 : i32
        %dma_wait3A_642 = tpu.memref_slice %arg8[%dma_wait3A_635, %dma_wait3A_636, %dma_wait3A_640, %dma_wait3A_641] : memref<2x8x8x128xf32, #tpu.memory_space<vmem>> -> memref<1x1x8x128xf32, #tpu.memory_space<vmem>>
        %dma_wait3A_643 = tpu.memref_squeeze %dma_wait3A_642 : memref<1x1x8x128xf32, #tpu.memory_space<vmem>> -> memref<8x128xf32, #tpu.memory_space<vmem>>
        %dma_wait3A_644 = arith.constant 0 : i32
        %dma_wait3A_645 = arith.constant 0 : i32
        %dma_wait3A_646 = tpu.memref_slice %arg4[%dma_wait3A_637, %dma_wait3A_638, %add3A, %dma_wait3A_644, %dma_wait3A_645] : memref<200x8x32x8x128xf32, #tpu.memory_space<hbm>> -> memref<1x1x1x8x128xf32, #tpu.memory_space<hbm>>
        %dma_wait3A_647 = tpu.memref_squeeze %dma_wait3A_646 : memref<1x1x1x8x128xf32, #tpu.memory_space<hbm>> -> memref<8x128xf32, #tpu.memory_space<hbm>>
        %dma_wait3A_648 = tpu.memref_slice %arg9[%dma_wait3A_639] : memref<2x!tpu.dma_semaphore, #tpu.memory_space<semaphore_mem>> -> memref<1x!tpu.dma_semaphore, #tpu.memory_space<semaphore_mem>>
        %dma_wait3A_649 = tpu.memref_squeeze %dma_wait3A_648 : memref<1x!tpu.dma_semaphore, #tpu.memory_space<semaphore_mem>> -> memref<!tpu.dma_semaphore, #tpu.memory_space<semaphore_mem>>
        %dma_wait3A_650 = arith.constant 0 : i32
        %dma_wait3A_651 = arith.constant 0 : i32
        %dma_wait3A_652 = tpu.memref_slice %arg4[%dma_wait3A_637, %dma_wait3A_638, %add3A, %dma_wait3A_650, %dma_wait3A_651] : memref<200x8x32x8x128xf32, #tpu.memory_space<hbm>> -> memref<1x1x1x8x128xf32, #tpu.memory_space<hbm>>
        %dma_wait3A_653 = tpu.memref_squeeze %dma_wait3A_652 : memref<1x1x1x8x128xf32, #tpu.memory_space<hbm>> -> memref<8x128xf32, #tpu.memory_space<hbm>>
        %dma_wait3A_654 = arith.constant 0 : i32
        %dma_wait3A_655 = arith.constant 0 : i32
        %dma_wait3A_656 = tpu.memref_slice %arg8[%dma_wait3A_635, %dma_wait3A_636, %dma_wait3A_654, %dma_wait3A_655] : memref<2x8x8x128xf32, #tpu.memory_space<vmem>> -> memref<1x1x8x128xf32, #tpu.memory_space<vmem>>
        %dma_wait3A_657 = tpu.memref_squeeze %dma_wait3A_656 : memref<1x1x8x128xf32, #tpu.memory_space<vmem>> -> memref<8x128xf32, #tpu.memory_space<vmem>>
        tpu.wait_dma2 semaphore(%dma_wait3A_649 : memref<!tpu.dma_semaphore, #tpu.memory_space<semaphore_mem>>) src(%dma_wait3A_657 : memref<8x128xf32, #tpu.memory_space<vmem>>) dst(%dma_wait3A_653 : memref<8x128xf32, #tpu.memory_space<hbm>>)
        %dma_wait3A_658 = arith.constant 1 : i32
        %dma_wait3A_659 = arith.constant 4 : i32
        %dma_wait3A_660 = arith.constant 0 : i32
        %dma_wait3A_661 = arith.constant 4 : i32
        %dma_wait3A_662 = arith.constant 1 : i32
        %dma_wait3A_663 = arith.constant 0 : i32
        %dma_wait3A_664 = arith.constant 0 : i32
        %dma_wait3A_665 = tpu.memref_slice %arg8[%dma_wait3A_658, %dma_wait3A_659, %dma_wait3A_663, %dma_wait3A_664] : memref<2x8x8x128xf32, #tpu.memory_space<vmem>> -> memref<1x1x8x128xf32, #tpu.memory_space<vmem>>
        %dma_wait3A_666 = tpu.memref_squeeze %dma_wait3A_665 : memref<1x1x8x128xf32, #tpu.memory_space<vmem>> -> memref<8x128xf32, #tpu.memory_space<vmem>>
        %dma_wait3A_667 = arith.constant 0 : i32
        %dma_wait3A_668 = arith.constant 0 : i32
        %dma_wait3A_669 = tpu.memref_slice %arg4[%dma_wait3A_660, %dma_wait3A_661, %add3A, %dma_wait3A_667, %dma_wait3A_668] : memref<200x8x32x8x128xf32, #tpu.memory_space<hbm>> -> memref<1x1x1x8x128xf32, #tpu.memory_space<hbm>>
        %dma_wait3A_670 = tpu.memref_squeeze %dma_wait3A_669 : memref<1x1x1x8x128xf32, #tpu.memory_space<hbm>> -> memref<8x128xf32, #tpu.memory_space<hbm>>
        %dma_wait3A_671 = tpu.memref_slice %arg9[%dma_wait3A_662] : memref<2x!tpu.dma_semaphore, #tpu.memory_space<semaphore_mem>> -> memref<1x!tpu.dma_semaphore, #tpu.memory_space<semaphore_mem>>
        %dma_wait3A_672 = tpu.memref_squeeze %dma_wait3A_671 : memref<1x!tpu.dma_semaphore, #tpu.memory_space<semaphore_mem>> -> memref<!tpu.dma_semaphore, #tpu.memory_space<semaphore_mem>>
        %dma_wait3A_673 = arith.constant 0 : i32
        %dma_wait3A_674 = arith.constant 0 : i32
        %dma_wait3A_675 = tpu.memref_slice %arg4[%dma_wait3A_660, %dma_wait3A_661, %add3A, %dma_wait3A_673, %dma_wait3A_674] : memref<200x8x32x8x128xf32, #tpu.memory_space<hbm>> -> memref<1x1x1x8x128xf32, #tpu.memory_space<hbm>>
        %dma_wait3A_676 = tpu.memref_squeeze %dma_wait3A_675 : memref<1x1x1x8x128xf32, #tpu.memory_space<hbm>> -> memref<8x128xf32, #tpu.memory_space<hbm>>
        %dma_wait3A_677 = arith.constant 0 : i32
        %dma_wait3A_678 = arith.constant 0 : i32
        %dma_wait3A_679 = tpu.memref_slice %arg8[%dma_wait3A_658, %dma_wait3A_659, %dma_wait3A_677, %dma_wait3A_678] : memref<2x8x8x128xf32, #tpu.memory_space<vmem>> -> memref<1x1x8x128xf32, #tpu.memory_space<vmem>>
        %dma_wait3A_680 = tpu.memref_squeeze %dma_wait3A_679 : memref<1x1x8x128xf32, #tpu.memory_space<vmem>> -> memref<8x128xf32, #tpu.memory_space<vmem>>
        tpu.wait_dma2 semaphore(%dma_wait3A_672 : memref<!tpu.dma_semaphore, #tpu.memory_space<semaphore_mem>>) src(%dma_wait3A_680 : memref<8x128xf32, #tpu.memory_space<vmem>>) dst(%dma_wait3A_676 : memref<8x128xf32, #tpu.memory_space<hbm>>)
        %dma_wait3A_681 = arith.constant 1 : i32
        %dma_wait3A_682 = arith.constant 5 : i32
        %dma_wait3A_683 = arith.constant 0 : i32
        %dma_wait3A_684 = arith.constant 5 : i32
        %dma_wait3A_685 = arith.constant 1 : i32
        %dma_wait3A_686 = arith.constant 0 : i32
        %dma_wait3A_687 = arith.constant 0 : i32
        %dma_wait3A_688 = tpu.memref_slice %arg8[%dma_wait3A_681, %dma_wait3A_682, %dma_wait3A_686, %dma_wait3A_687] : memref<2x8x8x128xf32, #tpu.memory_space<vmem>> -> memref<1x1x8x128xf32, #tpu.memory_space<vmem>>
        %dma_wait3A_689 = tpu.memref_squeeze %dma_wait3A_688 : memref<1x1x8x128xf32, #tpu.memory_space<vmem>> -> memref<8x128xf32, #tpu.memory_space<vmem>>
        %dma_wait3A_690 = arith.constant 0 : i32
        %dma_wait3A_691 = arith.constant 0 : i32
        %dma_wait3A_692 = tpu.memref_slice %arg4[%dma_wait3A_683, %dma_wait3A_684, %add3A, %dma_wait3A_690, %dma_wait3A_691] : memref<200x8x32x8x128xf32, #tpu.memory_space<hbm>> -> memref<1x1x1x8x128xf32, #tpu.memory_space<hbm>>
        %dma_wait3A_693 = tpu.memref_squeeze %dma_wait3A_692 : memref<1x1x1x8x128xf32, #tpu.memory_space<hbm>> -> memref<8x128xf32, #tpu.memory_space<hbm>>
        %dma_wait3A_694 = tpu.memref_slice %arg9[%dma_wait3A_685] : memref<2x!tpu.dma_semaphore, #tpu.memory_space<semaphore_mem>> -> memref<1x!tpu.dma_semaphore, #tpu.memory_space<semaphore_mem>>
        %dma_wait3A_695 = tpu.memref_squeeze %dma_wait3A_694 : memref<1x!tpu.dma_semaphore, #tpu.memory_space<semaphore_mem>> -> memref<!tpu.dma_semaphore, #tpu.memory_space<semaphore_mem>>
        %dma_wait3A_696 = arith.constant 0 : i32
        %dma_wait3A_697 = arith.constant 0 : i32
        %dma_wait3A_698 = tpu.memref_slice %arg4[%dma_wait3A_683, %dma_wait3A_684, %add3A, %dma_wait3A_696, %dma_wait3A_697] : memref<200x8x32x8x128xf32, #tpu.memory_space<hbm>> -> memref<1x1x1x8x128xf32, #tpu.memory_space<hbm>>
        %dma_wait3A_699 = tpu.memref_squeeze %dma_wait3A_698 : memref<1x1x1x8x128xf32, #tpu.memory_space<hbm>> -> memref<8x128xf32, #tpu.memory_space<hbm>>
        %dma_wait3A_700 = arith.constant 0 : i32
        %dma_wait3A_701 = arith.constant 0 : i32
        %dma_wait3A_702 = tpu.memref_slice %arg8[%dma_wait3A_681, %dma_wait3A_682, %dma_wait3A_700, %dma_wait3A_701] : memref<2x8x8x128xf32, #tpu.memory_space<vmem>> -> memref<1x1x8x128xf32, #tpu.memory_space<vmem>>
        %dma_wait3A_703 = tpu.memref_squeeze %dma_wait3A_702 : memref<1x1x8x128xf32, #tpu.memory_space<vmem>> -> memref<8x128xf32, #tpu.memory_space<vmem>>
        tpu.wait_dma2 semaphore(%dma_wait3A_695 : memref<!tpu.dma_semaphore, #tpu.memory_space<semaphore_mem>>) src(%dma_wait3A_703 : memref<8x128xf32, #tpu.memory_space<vmem>>) dst(%dma_wait3A_699 : memref<8x128xf32, #tpu.memory_space<hbm>>)
        %dma_wait3A_704 = arith.constant 1 : i32
        %dma_wait3A_705 = arith.constant 6 : i32
        %dma_wait3A_706 = arith.constant 0 : i32
        %dma_wait3A_707 = arith.constant 6 : i32
        %dma_wait3A_708 = arith.constant 1 : i32
        %dma_wait3A_709 = arith.constant 0 : i32
        %dma_wait3A_710 = arith.constant 0 : i32
        %dma_wait3A_711 = tpu.memref_slice %arg8[%dma_wait3A_704, %dma_wait3A_705, %dma_wait3A_709, %dma_wait3A_710] : memref<2x8x8x128xf32, #tpu.memory_space<vmem>> -> memref<1x1x8x128xf32, #tpu.memory_space<vmem>>
        %dma_wait3A_712 = tpu.memref_squeeze %dma_wait3A_711 : memref<1x1x8x128xf32, #tpu.memory_space<vmem>> -> memref<8x128xf32, #tpu.memory_space<vmem>>
        %dma_wait3A_713 = arith.constant 0 : i32
        %dma_wait3A_714 = arith.constant 0 : i32
        %dma_wait3A_715 = tpu.memref_slice %arg4[%dma_wait3A_706, %dma_wait3A_707, %add3A, %dma_wait3A_713, %dma_wait3A_714] : memref<200x8x32x8x128xf32, #tpu.memory_space<hbm>> -> memref<1x1x1x8x128xf32, #tpu.memory_space<hbm>>
        %dma_wait3A_716 = tpu.memref_squeeze %dma_wait3A_715 : memref<1x1x1x8x128xf32, #tpu.memory_space<hbm>> -> memref<8x128xf32, #tpu.memory_space<hbm>>
        %dma_wait3A_717 = tpu.memref_slice %arg9[%dma_wait3A_708] : memref<2x!tpu.dma_semaphore, #tpu.memory_space<semaphore_mem>> -> memref<1x!tpu.dma_semaphore, #tpu.memory_space<semaphore_mem>>
        %dma_wait3A_718 = tpu.memref_squeeze %dma_wait3A_717 : memref<1x!tpu.dma_semaphore, #tpu.memory_space<semaphore_mem>> -> memref<!tpu.dma_semaphore, #tpu.memory_space<semaphore_mem>>
        %dma_wait3A_719 = arith.constant 0 : i32
        %dma_wait3A_720 = arith.constant 0 : i32
        %dma_wait3A_721 = tpu.memref_slice %arg4[%dma_wait3A_706, %dma_wait3A_707, %add3A, %dma_wait3A_719, %dma_wait3A_720] : memref<200x8x32x8x128xf32, #tpu.memory_space<hbm>> -> memref<1x1x1x8x128xf32, #tpu.memory_space<hbm>>
        %dma_wait3A_722 = tpu.memref_squeeze %dma_wait3A_721 : memref<1x1x1x8x128xf32, #tpu.memory_space<hbm>> -> memref<8x128xf32, #tpu.memory_space<hbm>>
        %dma_wait3A_723 = arith.constant 0 : i32
        %dma_wait3A_724 = arith.constant 0 : i32
        %dma_wait3A_725 = tpu.memref_slice %arg8[%dma_wait3A_704, %dma_wait3A_705, %dma_wait3A_723, %dma_wait3A_724] : memref<2x8x8x128xf32, #tpu.memory_space<vmem>> -> memref<1x1x8x128xf32, #tpu.memory_space<vmem>>
        %dma_wait3A_726 = tpu.memref_squeeze %dma_wait3A_725 : memref<1x1x8x128xf32, #tpu.memory_space<vmem>> -> memref<8x128xf32, #tpu.memory_space<vmem>>
        tpu.wait_dma2 semaphore(%dma_wait3A_718 : memref<!tpu.dma_semaphore, #tpu.memory_space<semaphore_mem>>) src(%dma_wait3A_726 : memref<8x128xf32, #tpu.memory_space<vmem>>) dst(%dma_wait3A_722 : memref<8x128xf32, #tpu.memory_space<hbm>>)
        %dma_wait3A_727 = arith.constant 1 : i32
        %dma_wait3A_728 = arith.constant 7 : i32
        %dma_wait3A_729 = arith.constant 0 : i32
        %dma_wait3A_730 = arith.constant 7 : i32
        %dma_wait3A_731 = arith.constant 1 : i32
        %dma_wait3A_732 = arith.constant 0 : i32
        %dma_wait3A_733 = arith.constant 0 : i32
        %dma_wait3A_734 = tpu.memref_slice %arg8[%dma_wait3A_727, %dma_wait3A_728, %dma_wait3A_732, %dma_wait3A_733] : memref<2x8x8x128xf32, #tpu.memory_space<vmem>> -> memref<1x1x8x128xf32, #tpu.memory_space<vmem>>
        %dma_wait3A_735 = tpu.memref_squeeze %dma_wait3A_734 : memref<1x1x8x128xf32, #tpu.memory_space<vmem>> -> memref<8x128xf32, #tpu.memory_space<vmem>>
        %dma_wait3A_736 = arith.constant 0 : i32
        %dma_wait3A_737 = arith.constant 0 : i32
        %dma_wait3A_738 = tpu.memref_slice %arg4[%dma_wait3A_729, %dma_wait3A_730, %add3A, %dma_wait3A_736, %dma_wait3A_737] : memref<200x8x32x8x128xf32, #tpu.memory_space<hbm>> -> memref<1x1x1x8x128xf32, #tpu.memory_space<hbm>>
        %dma_wait3A_739 = tpu.memref_squeeze %dma_wait3A_738 : memref<1x1x1x8x128xf32, #tpu.memory_space<hbm>> -> memref<8x128xf32, #tpu.memory_space<hbm>>
        %dma_wait3A_740 = tpu.memref_slice %arg9[%dma_wait3A_731] : memref<2x!tpu.dma_semaphore, #tpu.memory_space<semaphore_mem>> -> memref<1x!tpu.dma_semaphore, #tpu.memory_space<semaphore_mem>>
        %dma_wait3A_741 = tpu.memref_squeeze %dma_wait3A_740 : memref<1x!tpu.dma_semaphore, #tpu.memory_space<semaphore_mem>> -> memref<!tpu.dma_semaphore, #tpu.memory_space<semaphore_mem>>
        %dma_wait3A_742 = arith.constant 0 : i32
        %dma_wait3A_743 = arith.constant 0 : i32
        %dma_wait3A_744 = tpu.memref_slice %arg4[%dma_wait3A_729, %dma_wait3A_730, %add3A, %dma_wait3A_742, %dma_wait3A_743] : memref<200x8x32x8x128xf32, #tpu.memory_space<hbm>> -> memref<1x1x1x8x128xf32, #tpu.memory_space<hbm>>
        %dma_wait3A_745 = tpu.memref_squeeze %dma_wait3A_744 : memref<1x1x1x8x128xf32, #tpu.memory_space<hbm>> -> memref<8x128xf32, #tpu.memory_space<hbm>>
        %dma_wait3A_746 = arith.constant 0 : i32
        %dma_wait3A_747 = arith.constant 0 : i32
        %dma_wait3A_748 = tpu.memref_slice %arg8[%dma_wait3A_727, %dma_wait3A_728, %dma_wait3A_746, %dma_wait3A_747] : memref<2x8x8x128xf32, #tpu.memory_space<vmem>> -> memref<1x1x8x128xf32, #tpu.memory_space<vmem>>
        %dma_wait3A_749 = tpu.memref_squeeze %dma_wait3A_748 : memref<1x1x8x128xf32, #tpu.memory_space<vmem>> -> memref<8x128xf32, #tpu.memory_space<vmem>>
        tpu.wait_dma2 semaphore(%dma_wait3A_741 : memref<!tpu.dma_semaphore, #tpu.memory_space<semaphore_mem>>) src(%dma_wait3A_749 : memref<8x128xf32, #tpu.memory_space<vmem>>) dst(%dma_wait3A_745 : memref<8x128xf32, #tpu.memory_space<hbm>>)
      } else {
      }
      %mul3A_480 = arith.constant 129 : i32
      %mul3A_481 = arith.muli %add3A_474, %mul3A_480 : i32
      %add3A_482 = arith.constant 0 : i32
      %add3A_483 = arith.addi %mul3A_481, %add3A_482 : i32
      %get3A_484 = arith.index_cast %add3A_483 : i32 to index
      %get3A_485 = tpu.vector_load %arg7[%get3A_484] {strides = array<i32>} : memref<25808xi32, #tpu.memory_space<vmem>>, vector<16xi32>,
      %mul3A_486 = arith.constant 8 : i32
      %mul3A_487 = vector.broadcast %mul3A_486 : i32 to vector<16xi32>
      %mul3A_488 = arith.muli %get3A_485, %mul3A_487 : vector<16xi32>
      %add3A_489 = arith.addi %mul3A_488, %rem3A_4 : vector<16xi32>
      %mul3A_490 = arith.constant 129 : i32
      %mul3A_491 = arith.muli %add3A_474, %mul3A_490 : i32
      %add3A_492 = arith.constant 16 : i32
      %add3A_493 = arith.addi %mul3A_491, %add3A_492 : i32
      %get3A_494 = arith.index_cast %add3A_493 : i32 to index
      %get3A_495 = tpu.vector_load %arg7[%get3A_494] {strides = array<i32>} : memref<25808xi32, #tpu.memory_space<vmem>>, vector<16xi32>,
      %mul3A_496 = arith.constant 8 : i32
      %mul3A_497 = vector.broadcast %mul3A_496 : i32 to vector<16xi32>
      %mul3A_498 = arith.muli %get3A_495, %mul3A_497 : vector<16xi32>
      %add3A_499 = arith.addi %mul3A_498, %rem3A_4 : vector<16xi32>
      %mul3A_500 = arith.constant 129 : i32
      %mul3A_501 = arith.muli %add3A_474, %mul3A_500 : i32
      %add3A_502 = arith.constant 32 : i32
      %add3A_503 = arith.addi %mul3A_501, %add3A_502 : i32
      %get3A_504 = arith.index_cast %add3A_503 : i32 to index
      %get3A_505 = tpu.vector_load %arg7[%get3A_504] {strides = array<i32>} : memref<25808xi32, #tpu.memory_space<vmem>>, vector<16xi32>,
      %mul3A_506 = arith.constant 8 : i32
      %mul3A_507 = vector.broadcast %mul3A_506 : i32 to vector<16xi32>
      %mul3A_508 = arith.muli %get3A_505, %mul3A_507 : vector<16xi32>
      %add3A_509 = arith.addi %mul3A_508, %rem3A_4 : vector<16xi32>
      %mul3A_510 = arith.constant 129 : i32
      %mul3A_511 = arith.muli %add3A_474, %mul3A_510 : i32
      %add3A_512 = arith.constant 48 : i32
      %add3A_513 = arith.addi %mul3A_511, %add3A_512 : i32
      %get3A_514 = arith.index_cast %add3A_513 : i32 to index
      %get3A_515 = tpu.vector_load %arg7[%get3A_514] {strides = array<i32>} : memref<25808xi32, #tpu.memory_space<vmem>>, vector<16xi32>,
      %mul3A_516 = arith.constant 8 : i32
      %mul3A_517 = vector.broadcast %mul3A_516 : i32 to vector<16xi32>
      %mul3A_518 = arith.muli %get3A_515, %mul3A_517 : vector<16xi32>
      %add3A_519 = arith.addi %mul3A_518, %rem3A_4 : vector<16xi32>
      %mul3A_520 = arith.constant 129 : i32
      %mul3A_521 = arith.muli %add3A_474, %mul3A_520 : i32
      %add3A_522 = arith.constant 64 : i32
      %add3A_523 = arith.addi %mul3A_521, %add3A_522 : i32
      %get3A_524 = arith.index_cast %add3A_523 : i32 to index
      %get3A_525 = tpu.vector_load %arg7[%get3A_524] {strides = array<i32>} : memref<25808xi32, #tpu.memory_space<vmem>>, vector<16xi32>,
      %mul3A_526 = arith.constant 8 : i32
      %mul3A_527 = vector.broadcast %mul3A_526 : i32 to vector<16xi32>
      %mul3A_528 = arith.muli %get3A_525, %mul3A_527 : vector<16xi32>
      %add3A_529 = arith.addi %mul3A_528, %rem3A_4 : vector<16xi32>
      %mul3A_530 = arith.constant 129 : i32
      %mul3A_531 = arith.muli %add3A_474, %mul3A_530 : i32
      %add3A_532 = arith.constant 80 : i32
      %add3A_533 = arith.addi %mul3A_531, %add3A_532 : i32
      %get3A_534 = arith.index_cast %add3A_533 : i32 to index
      %get3A_535 = tpu.vector_load %arg7[%get3A_534] {strides = array<i32>} : memref<25808xi32, #tpu.memory_space<vmem>>, vector<16xi32>,
      %mul3A_536 = arith.constant 8 : i32
      %mul3A_537 = vector.broadcast %mul3A_536 : i32 to vector<16xi32>
      %mul3A_538 = arith.muli %get3A_535, %mul3A_537 : vector<16xi32>
      %add3A_539 = arith.addi %mul3A_538, %rem3A_4 : vector<16xi32>
      %mul3A_540 = arith.constant 129 : i32
      %mul3A_541 = arith.muli %add3A_474, %mul3A_540 : i32
      %add3A_542 = arith.constant 96 : i32
      %add3A_543 = arith.addi %mul3A_541, %add3A_542 : i32
      %get3A_544 = arith.index_cast %add3A_543 : i32 to index
      %get3A_545 = tpu.vector_load %arg7[%get3A_544] {strides = array<i32>} : memref<25808xi32, #tpu.memory_space<vmem>>, vector<16xi32>,
      %mul3A_546 = arith.constant 8 : i32
      %mul3A_547 = vector.broadcast %mul3A_546 : i32 to vector<16xi32>
      %mul3A_548 = arith.muli %get3A_545, %mul3A_547 : vector<16xi32>
      %add3A_549 = arith.addi %mul3A_548, %rem3A_4 : vector<16xi32>
      %mul3A_550 = arith.constant 129 : i32
      %mul3A_551 = arith.muli %add3A_474, %mul3A_550 : i32
      %add3A_552 = arith.constant 112 : i32
      %add3A_553 = arith.addi %mul3A_551, %add3A_552 : i32
      %get3A_554 = arith.index_cast %add3A_553 : i32 to index
      %get3A_555 = tpu.vector_load %arg7[%get3A_554] {strides = array<i32>} : memref<25808xi32, #tpu.memory_space<vmem>>, vector<16xi32>,
      %mul3A_556 = arith.constant 8 : i32
      %mul3A_557 = vector.broadcast %mul3A_556 : i32 to vector<16xi32>
      %mul3A_558 = arith.muli %get3A_555, %mul3A_557 : vector<16xi32>
      %add3A_559 = arith.addi %mul3A_558, %rem3A_4 : vector<16xi32>
      %scan3A_560 = arith.constant 0 : i32
      %scan3A_561 = arith.constant 0 : i32
      %scan3A_562 = arith.constant 8 : i32
      %scan3A_563 = arith.addi %scan3A_561, %scan3A_562 : i32
      %scan3A_564 = arith.constant 1 : i32
      scf.for %scan3A_566 = %scan3A_561 to %scan3A_563 step %scan3A_564  : i32 {
        %mul3A_567 = arith.constant 6464 : i32
        %mul3A_568 = arith.muli %scan3A_566, %mul3A_567 : i32
        %add3A_569 = arith.constant 0 : i32
        %add3A_570 = arith.addi %mul3A_568, %add3A_569 : i32
        %add3A_571 = vector.broadcast %add3A_570 : i32 to vector<16xi32>
        %add3A_572 = arith.addi %add3A_489, %add3A_571 : vector<16xi32>
        %gather3A = tpu.vector_load_idx %arg6[%add3A_572] : memref<51712xf32, #tpu.memory_space<vmem>>[vector<16xi32>], vector<16xf32>,
        %add3A_573 = vector.broadcast %add3A_570 : i32 to vector<16xi32>
        %add3A_574 = arith.addi %add3A_499, %add3A_573 : vector<16xi32>
        %gather3A_575 = tpu.vector_load_idx %arg6[%add3A_574] : memref<51712xf32, #tpu.memory_space<vmem>>[vector<16xi32>], vector<16xf32>,
        %add3A_576 = vector.broadcast %add3A_570 : i32 to vector<16xi32>
        %add3A_577 = arith.addi %add3A_509, %add3A_576 : vector<16xi32>
        %gather3A_578 = tpu.vector_load_idx %arg6[%add3A_577] : memref<51712xf32, #tpu.memory_space<vmem>>[vector<16xi32>], vector<16xf32>,
        %add3A_579 = vector.broadcast %add3A_570 : i32 to vector<16xi32>
        %add3A_580 = arith.addi %add3A_519, %add3A_579 : vector<16xi32>
        %gather3A_581 = tpu.vector_load_idx %arg6[%add3A_580] : memref<51712xf32, #tpu.memory_space<vmem>>[vector<16xi32>], vector<16xf32>,
        %add3A_582 = vector.broadcast %add3A_570 : i32 to vector<16xi32>
        %add3A_583 = arith.addi %add3A_529, %add3A_582 : vector<16xi32>
        %gather3A_584 = tpu.vector_load_idx %arg6[%add3A_583] : memref<51712xf32, #tpu.memory_space<vmem>>[vector<16xi32>], vector<16xf32>,
        %add3A_585 = vector.broadcast %add3A_570 : i32 to vector<16xi32>
        %add3A_586 = arith.addi %add3A_539, %add3A_585 : vector<16xi32>
        %gather3A_587 = tpu.vector_load_idx %arg6[%add3A_586] : memref<51712xf32, #tpu.memory_space<vmem>>[vector<16xi32>], vector<16xf32>,
        %add3A_588 = vector.broadcast %add3A_570 : i32 to vector<16xi32>
        %add3A_589 = arith.addi %add3A_549, %add3A_588 : vector<16xi32>
        %gather3A_590 = tpu.vector_load_idx %arg6[%add3A_589] : memref<51712xf32, #tpu.memory_space<vmem>>[vector<16xi32>], vector<16xf32>,
        %add3A_591 = vector.broadcast %add3A_570 : i32 to vector<16xi32>
        %add3A_592 = arith.addi %add3A_559, %add3A_591 : vector<16xi32>
        %gather3A_593 = tpu.vector_load_idx %arg6[%add3A_592] : memref<51712xf32, #tpu.memory_space<vmem>>[vector<16xi32>], vector<16xf32>,
        %swap3A = arith.constant 1 : i32
        %swap3A_594 = arith.constant 0 : i32
        %swap3A_595 = arith.constant 0 : i32
        %swap3A_596 = tpu.memref_slice %arg8[%swap3A, %scan3A_566, %swap3A_594, %swap3A_595] : memref<2x8x8x128xf32, #tpu.memory_space<vmem>> -> memref<1x1x1x128xf32, #tpu.memory_space<vmem>>
        %swap3A_597 = tpu.memref_squeeze %swap3A_596 : memref<1x1x1x128xf32, #tpu.memory_space<vmem>> -> memref<128xf32, #tpu.memory_space<vmem>>
        %swap3A_598 = arith.constant 0 : index
        %swap3A_599 = tpu.vector_load %swap3A_597[%swap3A_598] {strides = array<i32>} : memref<128xf32, #tpu.memory_space<vmem>>, vector<16xf32>,
        tpu.vector_store %swap3A_597[%swap3A_598], %gather3A {strides = array<i32>} : memref<128xf32, #tpu.memory_space<vmem>>, vector<16xf32>,
        %swap3A_600 = arith.constant 1 : i32
        %swap3A_601 = arith.constant 0 : i32
        %swap3A_602 = arith.constant 0 : i32
        %swap3A_603 = tpu.memref_slice %arg8[%swap3A_600, %scan3A_566, %swap3A_601, %swap3A_602] : memref<2x8x8x128xf32, #tpu.memory_space<vmem>> -> memref<1x1x1x128xf32, #tpu.memory_space<vmem>>
        %swap3A_604 = tpu.memref_squeeze %swap3A_603 : memref<1x1x1x128xf32, #tpu.memory_space<vmem>> -> memref<128xf32, #tpu.memory_space<vmem>>
        %swap3A_605 = arith.constant 16 : index
        %swap3A_606 = tpu.vector_load %swap3A_604[%swap3A_605] {strides = array<i32>} : memref<128xf32, #tpu.memory_space<vmem>>, vector<16xf32>,
        tpu.vector_store %swap3A_604[%swap3A_605], %gather3A_575 {strides = array<i32>} : memref<128xf32, #tpu.memory_space<vmem>>, vector<16xf32>,
        %swap3A_607 = arith.constant 1 : i32
        %swap3A_608 = arith.constant 0 : i32
        %swap3A_609 = arith.constant 0 : i32
        %swap3A_610 = tpu.memref_slice %arg8[%swap3A_607, %scan3A_566, %swap3A_608, %swap3A_609] : memref<2x8x8x128xf32, #tpu.memory_space<vmem>> -> memref<1x1x1x128xf32, #tpu.memory_space<vmem>>
        %swap3A_611 = tpu.memref_squeeze %swap3A_610 : memref<1x1x1x128xf32, #tpu.memory_space<vmem>> -> memref<128xf32, #tpu.memory_space<vmem>>
        %swap3A_612 = arith.constant 32 : index
        %swap3A_613 = tpu.vector_load %swap3A_611[%swap3A_612] {strides = array<i32>} : memref<128xf32, #tpu.memory_space<vmem>>, vector<16xf32>,
        tpu.vector_store %swap3A_611[%swap3A_612], %gather3A_578 {strides = array<i32>} : memref<128xf32, #tpu.memory_space<vmem>>, vector<16xf32>,
        %swap3A_614 = arith.constant 1 : i32
        %swap3A_615 = arith.constant 0 : i32
        %swap3A_616 = arith.constant 0 : i32
        %swap3A_617 = tpu.memref_slice %arg8[%swap3A_614, %scan3A_566, %swap3A_615, %swap3A_616] : memref<2x8x8x128xf32, #tpu.memory_space<vmem>> -> memref<1x1x1x128xf32, #tpu.memory_space<vmem>>
        %swap3A_618 = tpu.memref_squeeze %swap3A_617 : memref<1x1x1x128xf32, #tpu.memory_space<vmem>> -> memref<128xf32, #tpu.memory_space<vmem>>
        %swap3A_619 = arith.constant 48 : index
        %swap3A_620 = tpu.vector_load %swap3A_618[%swap3A_619] {strides = array<i32>} : memref<128xf32, #tpu.memory_space<vmem>>, vector<16xf32>,
        tpu.vector_store %swap3A_618[%swap3A_619], %gather3A_581 {strides = array<i32>} : memref<128xf32, #tpu.memory_space<vmem>>, vector<16xf32>,
        %swap3A_621 = arith.constant 1 : i32
        %swap3A_622 = arith.constant 0 : i32
        %swap3A_623 = arith.constant 0 : i32
        %swap3A_624 = tpu.memref_slice %arg8[%swap3A_621, %scan3A_566, %swap3A_622, %swap3A_623] : memref<2x8x8x128xf32, #tpu.memory_space<vmem>> -> memref<1x1x1x128xf32, #tpu.memory_space<vmem>>
        %swap3A_625 = tpu.memref_squeeze %swap3A_624 : memref<1x1x1x128xf32, #tpu.memory_space<vmem>> -> memref<128xf32, #tpu.memory_space<vmem>>
        %swap3A_626 = arith.constant 64 : index
        %swap3A_627 = tpu.vector_load %swap3A_625[%swap3A_626] {strides = array<i32>} : memref<128xf32, #tpu.memory_space<vmem>>, vector<16xf32>,
        tpu.vector_store %swap3A_625[%swap3A_626], %gather3A_584 {strides = array<i32>} : memref<128xf32, #tpu.memory_space<vmem>>, vector<16xf32>,
        %swap3A_628 = arith.constant 1 : i32
        %swap3A_629 = arith.constant 0 : i32
        %swap3A_630 = arith.constant 0 : i32
        %swap3A_631 = tpu.memref_slice %arg8[%swap3A_628, %scan3A_566, %swap3A_629, %swap3A_630] : memref<2x8x8x128xf32, #tpu.memory_space<vmem>> -> memref<1x1x1x128xf32, #tpu.memory_space<vmem>>
        %swap3A_632 = tpu.memref_squeeze %swap3A_631 : memref<1x1x1x128xf32, #tpu.memory_space<vmem>> -> memref<128xf32, #tpu.memory_space<vmem>>
        %swap3A_633 = arith.constant 80 : index
        %swap3A_634 = tpu.vector_load %swap3A_632[%swap3A_633] {strides = array<i32>} : memref<128xf32, #tpu.memory_space<vmem>>, vector<16xf32>,
        tpu.vector_store %swap3A_632[%swap3A_633], %gather3A_587 {strides = array<i32>} : memref<128xf32, #tpu.memory_space<vmem>>, vector<16xf32>,
        %swap3A_635 = arith.constant 1 : i32
        %swap3A_636 = arith.constant 0 : i32
        %swap3A_637 = arith.constant 0 : i32
        %swap3A_638 = tpu.memref_slice %arg8[%swap3A_635, %scan3A_566, %swap3A_636, %swap3A_637] : memref<2x8x8x128xf32, #tpu.memory_space<vmem>> -> memref<1x1x1x128xf32, #tpu.memory_space<vmem>>
        %swap3A_639 = tpu.memref_squeeze %swap3A_638 : memref<1x1x1x128xf32, #tpu.memory_space<vmem>> -> memref<128xf32, #tpu.memory_space<vmem>>
        %swap3A_640 = arith.constant 96 : index
        %swap3A_641 = tpu.vector_load %swap3A_639[%swap3A_640] {strides = array<i32>} : memref<128xf32, #tpu.memory_space<vmem>>, vector<16xf32>,
        tpu.vector_store %swap3A_639[%swap3A_640], %gather3A_590 {strides = array<i32>} : memref<128xf32, #tpu.memory_space<vmem>>, vector<16xf32>,
        %swap3A_642 = arith.constant 1 : i32
        %swap3A_643 = arith.constant 0 : i32
        %swap3A_644 = arith.constant 0 : i32
        %swap3A_645 = tpu.memref_slice %arg8[%swap3A_642, %scan3A_566, %swap3A_643, %swap3A_644] : memref<2x8x8x128xf32, #tpu.memory_space<vmem>> -> memref<1x1x1x128xf32, #tpu.memory_space<vmem>>
        %swap3A_646 = tpu.memref_squeeze %swap3A_645 : memref<1x1x1x128xf32, #tpu.memory_space<vmem>> -> memref<128xf32, #tpu.memory_space<vmem>>
        %swap3A_647 = arith.constant 112 : index
        %swap3A_648 = tpu.vector_load %swap3A_646[%swap3A_647] {strides = array<i32>} : memref<128xf32, #tpu.memory_space<vmem>>, vector<16xf32>,
        tpu.vector_store %swap3A_646[%swap3A_647], %gather3A_593 {strides = array<i32>} : memref<128xf32, #tpu.memory_space<vmem>>, vector<16xf32>,
        %mul3A_649 = arith.constant 6464 : i32
        %mul3A_650 = arith.muli %scan3A_566, %mul3A_649 : i32
        %add3A_651 = arith.constant 808 : i32
        %add3A_652 = arith.addi %mul3A_650, %add3A_651 : i32
        %add3A_653 = vector.broadcast %add3A_652 : i32 to vector<16xi32>
        %add3A_654 = arith.addi %add3A_489, %add3A_653 : vector<16xi32>
        %gather3A_655 = tpu.vector_load_idx %arg6[%add3A_654] : memref<51712xf32, #tpu.memory_space<vmem>>[vector<16xi32>], vector<16xf32>,
        %add3A_656 = vector.broadcast %add3A_652 : i32 to vector<16xi32>
        %add3A_657 = arith.addi %add3A_499, %add3A_656 : vector<16xi32>
        %gather3A_658 = tpu.vector_load_idx %arg6[%add3A_657] : memref<51712xf32, #tpu.memory_space<vmem>>[vector<16xi32>], vector<16xf32>,
        %add3A_659 = vector.broadcast %add3A_652 : i32 to vector<16xi32>
        %add3A_660 = arith.addi %add3A_509, %add3A_659 : vector<16xi32>
        %gather3A_661 = tpu.vector_load_idx %arg6[%add3A_660] : memref<51712xf32, #tpu.memory_space<vmem>>[vector<16xi32>], vector<16xf32>,
        %add3A_662 = vector.broadcast %add3A_652 : i32 to vector<16xi32>
        %add3A_663 = arith.addi %add3A_519, %add3A_662 : vector<16xi32>
        %gather3A_664 = tpu.vector_load_idx %arg6[%add3A_663] : memref<51712xf32, #tpu.memory_space<vmem>>[vector<16xi32>], vector<16xf32>,
        %add3A_665 = vector.broadcast %add3A_652 : i32 to vector<16xi32>
        %add3A_666 = arith.addi %add3A_529, %add3A_665 : vector<16xi32>
        %gather3A_667 = tpu.vector_load_idx %arg6[%add3A_666] : memref<51712xf32, #tpu.memory_space<vmem>>[vector<16xi32>], vector<16xf32>,
        %add3A_668 = vector.broadcast %add3A_652 : i32 to vector<16xi32>
        %add3A_669 = arith.addi %add3A_539, %add3A_668 : vector<16xi32>
        %gather3A_670 = tpu.vector_load_idx %arg6[%add3A_669] : memref<51712xf32, #tpu.memory_space<vmem>>[vector<16xi32>], vector<16xf32>,
        %add3A_671 = vector.broadcast %add3A_652 : i32 to vector<16xi32>
        %add3A_672 = arith.addi %add3A_549, %add3A_671 : vector<16xi32>
        %gather3A_673 = tpu.vector_load_idx %arg6[%add3A_672] : memref<51712xf32, #tpu.memory_space<vmem>>[vector<16xi32>], vector<16xf32>,
        %add3A_674 = vector.broadcast %add3A_652 : i32 to vector<16xi32>
        %add3A_675 = arith.addi %add3A_559, %add3A_674 : vector<16xi32>
        %gather3A_676 = tpu.vector_load_idx %arg6[%add3A_675] : memref<51712xf32, #tpu.memory_space<vmem>>[vector<16xi32>], vector<16xf32>,
        %swap3A_677 = arith.constant 1 : i32
        %swap3A_678 = arith.constant 1 : i32
        %swap3A_679 = arith.constant 0 : i32
        %swap3A_680 = tpu.memref_slice %arg8[%swap3A_677, %scan3A_566, %swap3A_678, %swap3A_679] : memref<2x8x8x128xf32, #tpu.memory_space<vmem>> -> memref<1x1x1x128xf32, #tpu.memory_space<vmem>>
        %swap3A_681 = tpu.memref_squeeze %swap3A_680 : memref<1x1x1x128xf32, #tpu.memory_space<vmem>> -> memref<128xf32, #tpu.memory_space<vmem>>
        %swap3A_682 = arith.constant 0 : index
        %swap3A_683 = tpu.vector_load %swap3A_681[%swap3A_682] {strides = array<i32>} : memref<128xf32, #tpu.memory_space<vmem>>, vector<16xf32>,
        tpu.vector_store %swap3A_681[%swap3A_682], %gather3A_655 {strides = array<i32>} : memref<128xf32, #tpu.memory_space<vmem>>, vector<16xf32>,
        %swap3A_684 = arith.constant 1 : i32
        %swap3A_685 = arith.constant 1 : i32
        %swap3A_686 = arith.constant 0 : i32
        %swap3A_687 = tpu.memref_slice %arg8[%swap3A_684, %scan3A_566, %swap3A_685, %swap3A_686] : memref<2x8x8x128xf32, #tpu.memory_space<vmem>> -> memref<1x1x1x128xf32, #tpu.memory_space<vmem>>
        %swap3A_688 = tpu.memref_squeeze %swap3A_687 : memref<1x1x1x128xf32, #tpu.memory_space<vmem>> -> memref<128xf32, #tpu.memory_space<vmem>>
        %swap3A_689 = arith.constant 16 : index
        %swap3A_690 = tpu.vector_load %swap3A_688[%swap3A_689] {strides = array<i32>} : memref<128xf32, #tpu.memory_space<vmem>>, vector<16xf32>,
        tpu.vector_store %swap3A_688[%swap3A_689], %gather3A_658 {strides = array<i32>} : memref<128xf32, #tpu.memory_space<vmem>>, vector<16xf32>,
        %swap3A_691 = arith.constant 1 : i32
        %swap3A_692 = arith.constant 1 : i32
        %swap3A_693 = arith.constant 0 : i32
        %swap3A_694 = tpu.memref_slice %arg8[%swap3A_691, %scan3A_566, %swap3A_692, %swap3A_693] : memref<2x8x8x128xf32, #tpu.memory_space<vmem>> -> memref<1x1x1x128xf32, #tpu.memory_space<vmem>>
        %swap3A_695 = tpu.memref_squeeze %swap3A_694 : memref<1x1x1x128xf32, #tpu.memory_space<vmem>> -> memref<128xf32, #tpu.memory_space<vmem>>
        %swap3A_696 = arith.constant 32 : index
        %swap3A_697 = tpu.vector_load %swap3A_695[%swap3A_696] {strides = array<i32>} : memref<128xf32, #tpu.memory_space<vmem>>, vector<16xf32>,
        tpu.vector_store %swap3A_695[%swap3A_696], %gather3A_661 {strides = array<i32>} : memref<128xf32, #tpu.memory_space<vmem>>, vector<16xf32>,
        %swap3A_698 = arith.constant 1 : i32
        %swap3A_699 = arith.constant 1 : i32
        %swap3A_700 = arith.constant 0 : i32
        %swap3A_701 = tpu.memref_slice %arg8[%swap3A_698, %scan3A_566, %swap3A_699, %swap3A_700] : memref<2x8x8x128xf32, #tpu.memory_space<vmem>> -> memref<1x1x1x128xf32, #tpu.memory_space<vmem>>
        %swap3A_702 = tpu.memref_squeeze %swap3A_701 : memref<1x1x1x128xf32, #tpu.memory_space<vmem>> -> memref<128xf32, #tpu.memory_space<vmem>>
        %swap3A_703 = arith.constant 48 : index
        %swap3A_704 = tpu.vector_load %swap3A_702[%swap3A_703] {strides = array<i32>} : memref<128xf32, #tpu.memory_space<vmem>>, vector<16xf32>,
        tpu.vector_store %swap3A_702[%swap3A_703], %gather3A_664 {strides = array<i32>} : memref<128xf32, #tpu.memory_space<vmem>>, vector<16xf32>,
        %swap3A_705 = arith.constant 1 : i32
        %swap3A_706 = arith.constant 1 : i32
        %swap3A_707 = arith.constant 0 : i32
        %swap3A_708 = tpu.memref_slice %arg8[%swap3A_705, %scan3A_566, %swap3A_706, %swap3A_707] : memref<2x8x8x128xf32, #tpu.memory_space<vmem>> -> memref<1x1x1x128xf32, #tpu.memory_space<vmem>>
        %swap3A_709 = tpu.memref_squeeze %swap3A_708 : memref<1x1x1x128xf32, #tpu.memory_space<vmem>> -> memref<128xf32, #tpu.memory_space<vmem>>
        %swap3A_710 = arith.constant 64 : index
        %swap3A_711 = tpu.vector_load %swap3A_709[%swap3A_710] {strides = array<i32>} : memref<128xf32, #tpu.memory_space<vmem>>, vector<16xf32>,
        tpu.vector_store %swap3A_709[%swap3A_710], %gather3A_667 {strides = array<i32>} : memref<128xf32, #tpu.memory_space<vmem>>, vector<16xf32>,
        %swap3A_712 = arith.constant 1 : i32
        %swap3A_713 = arith.constant 1 : i32
        %swap3A_714 = arith.constant 0 : i32
        %swap3A_715 = tpu.memref_slice %arg8[%swap3A_712, %scan3A_566, %swap3A_713, %swap3A_714] : memref<2x8x8x128xf32, #tpu.memory_space<vmem>> -> memref<1x1x1x128xf32, #tpu.memory_space<vmem>>
        %swap3A_716 = tpu.memref_squeeze %swap3A_715 : memref<1x1x1x128xf32, #tpu.memory_space<vmem>> -> memref<128xf32, #tpu.memory_space<vmem>>
        %swap3A_717 = arith.constant 80 : index
        %swap3A_718 = tpu.vector_load %swap3A_716[%swap3A_717] {strides = array<i32>} : memref<128xf32, #tpu.memory_space<vmem>>, vector<16xf32>,
        tpu.vector_store %swap3A_716[%swap3A_717], %gather3A_670 {strides = array<i32>} : memref<128xf32, #tpu.memory_space<vmem>>, vector<16xf32>,
        %swap3A_719 = arith.constant 1 : i32
        %swap3A_720 = arith.constant 1 : i32
        %swap3A_721 = arith.constant 0 : i32
        %swap3A_722 = tpu.memref_slice %arg8[%swap3A_719, %scan3A_566, %swap3A_720, %swap3A_721] : memref<2x8x8x128xf32, #tpu.memory_space<vmem>> -> memref<1x1x1x128xf32, #tpu.memory_space<vmem>>
        %swap3A_723 = tpu.memref_squeeze %swap3A_722 : memref<1x1x1x128xf32, #tpu.memory_space<vmem>> -> memref<128xf32, #tpu.memory_space<vmem>>
        %swap3A_724 = arith.constant 96 : index
        %swap3A_725 = tpu.vector_load %swap3A_723[%swap3A_724] {strides = array<i32>} : memref<128xf32, #tpu.memory_space<vmem>>, vector<16xf32>,
        tpu.vector_store %swap3A_723[%swap3A_724], %gather3A_673 {strides = array<i32>} : memref<128xf32, #tpu.memory_space<vmem>>, vector<16xf32>,
        %swap3A_726 = arith.constant 1 : i32
        %swap3A_727 = arith.constant 1 : i32
        %swap3A_728 = arith.constant 0 : i32
        %swap3A_729 = tpu.memref_slice %arg8[%swap3A_726, %scan3A_566, %swap3A_727, %swap3A_728] : memref<2x8x8x128xf32, #tpu.memory_space<vmem>> -> memref<1x1x1x128xf32, #tpu.memory_space<vmem>>
        %swap3A_730 = tpu.memref_squeeze %swap3A_729 : memref<1x1x1x128xf32, #tpu.memory_space<vmem>> -> memref<128xf32, #tpu.memory_space<vmem>>
        %swap3A_731 = arith.constant 112 : index
        %swap3A_732 = tpu.vector_load %swap3A_730[%swap3A_731] {strides = array<i32>} : memref<128xf32, #tpu.memory_space<vmem>>, vector<16xf32>,
        tpu.vector_store %swap3A_730[%swap3A_731], %gather3A_676 {strides = array<i32>} : memref<128xf32, #tpu.memory_space<vmem>>, vector<16xf32>,
        %mul3A_733 = arith.constant 6464 : i32
        %mul3A_734 = arith.muli %scan3A_566, %mul3A_733 : i32
        %add3A_735 = arith.constant 1616 : i32
        %add3A_736 = arith.addi %mul3A_734, %add3A_735 : i32
        %add3A_737 = vector.broadcast %add3A_736 : i32 to vector<16xi32>
        %add3A_738 = arith.addi %add3A_489, %add3A_737 : vector<16xi32>
        %gather3A_739 = tpu.vector_load_idx %arg6[%add3A_738] : memref<51712xf32, #tpu.memory_space<vmem>>[vector<16xi32>], vector<16xf32>,
        %add3A_740 = vector.broadcast %add3A_736 : i32 to vector<16xi32>
        %add3A_741 = arith.addi %add3A_499, %add3A_740 : vector<16xi32>
        %gather3A_742 = tpu.vector_load_idx %arg6[%add3A_741] : memref<51712xf32, #tpu.memory_space<vmem>>[vector<16xi32>], vector<16xf32>,
        %add3A_743 = vector.broadcast %add3A_736 : i32 to vector<16xi32>
        %add3A_744 = arith.addi %add3A_509, %add3A_743 : vector<16xi32>
        %gather3A_745 = tpu.vector_load_idx %arg6[%add3A_744] : memref<51712xf32, #tpu.memory_space<vmem>>[vector<16xi32>], vector<16xf32>,
        %add3A_746 = vector.broadcast %add3A_736 : i32 to vector<16xi32>
        %add3A_747 = arith.addi %add3A_519, %add3A_746 : vector<16xi32>
        %gather3A_748 = tpu.vector_load_idx %arg6[%add3A_747] : memref<51712xf32, #tpu.memory_space<vmem>>[vector<16xi32>], vector<16xf32>,
        %add3A_749 = vector.broadcast %add3A_736 : i32 to vector<16xi32>
        %add3A_750 = arith.addi %add3A_529, %add3A_749 : vector<16xi32>
        %gather3A_751 = tpu.vector_load_idx %arg6[%add3A_750] : memref<51712xf32, #tpu.memory_space<vmem>>[vector<16xi32>], vector<16xf32>,
        %add3A_752 = vector.broadcast %add3A_736 : i32 to vector<16xi32>
        %add3A_753 = arith.addi %add3A_539, %add3A_752 : vector<16xi32>
        %gather3A_754 = tpu.vector_load_idx %arg6[%add3A_753] : memref<51712xf32, #tpu.memory_space<vmem>>[vector<16xi32>], vector<16xf32>,
        %add3A_755 = vector.broadcast %add3A_736 : i32 to vector<16xi32>
        %add3A_756 = arith.addi %add3A_549, %add3A_755 : vector<16xi32>
        %gather3A_757 = tpu.vector_load_idx %arg6[%add3A_756] : memref<51712xf32, #tpu.memory_space<vmem>>[vector<16xi32>], vector<16xf32>,
        %add3A_758 = vector.broadcast %add3A_736 : i32 to vector<16xi32>
        %add3A_759 = arith.addi %add3A_559, %add3A_758 : vector<16xi32>
        %gather3A_760 = tpu.vector_load_idx %arg6[%add3A_759] : memref<51712xf32, #tpu.memory_space<vmem>>[vector<16xi32>], vector<16xf32>,
        %swap3A_761 = arith.constant 1 : i32
        %swap3A_762 = arith.constant 2 : i32
        %swap3A_763 = arith.constant 0 : i32
        %swap3A_764 = tpu.memref_slice %arg8[%swap3A_761, %scan3A_566, %swap3A_762, %swap3A_763] : memref<2x8x8x128xf32, #tpu.memory_space<vmem>> -> memref<1x1x1x128xf32, #tpu.memory_space<vmem>>
        %swap3A_765 = tpu.memref_squeeze %swap3A_764 : memref<1x1x1x128xf32, #tpu.memory_space<vmem>> -> memref<128xf32, #tpu.memory_space<vmem>>
        %swap3A_766 = arith.constant 0 : index
        %swap3A_767 = tpu.vector_load %swap3A_765[%swap3A_766] {strides = array<i32>} : memref<128xf32, #tpu.memory_space<vmem>>, vector<16xf32>,
        tpu.vector_store %swap3A_765[%swap3A_766], %gather3A_739 {strides = array<i32>} : memref<128xf32, #tpu.memory_space<vmem>>, vector<16xf32>,
        %swap3A_768 = arith.constant 1 : i32
        %swap3A_769 = arith.constant 2 : i32
        %swap3A_770 = arith.constant 0 : i32
        %swap3A_771 = tpu.memref_slice %arg8[%swap3A_768, %scan3A_566, %swap3A_769, %swap3A_770] : memref<2x8x8x128xf32, #tpu.memory_space<vmem>> -> memref<1x1x1x128xf32, #tpu.memory_space<vmem>>
        %swap3A_772 = tpu.memref_squeeze %swap3A_771 : memref<1x1x1x128xf32, #tpu.memory_space<vmem>> -> memref<128xf32, #tpu.memory_space<vmem>>
        %swap3A_773 = arith.constant 16 : index
        %swap3A_774 = tpu.vector_load %swap3A_772[%swap3A_773] {strides = array<i32>} : memref<128xf32, #tpu.memory_space<vmem>>, vector<16xf32>,
        tpu.vector_store %swap3A_772[%swap3A_773], %gather3A_742 {strides = array<i32>} : memref<128xf32, #tpu.memory_space<vmem>>, vector<16xf32>,
        %swap3A_775 = arith.constant 1 : i32
        %swap3A_776 = arith.constant 2 : i32
        %swap3A_777 = arith.constant 0 : i32
        %swap3A_778 = tpu.memref_slice %arg8[%swap3A_775, %scan3A_566, %swap3A_776, %swap3A_777] : memref<2x8x8x128xf32, #tpu.memory_space<vmem>> -> memref<1x1x1x128xf32, #tpu.memory_space<vmem>>
        %swap3A_779 = tpu.memref_squeeze %swap3A_778 : memref<1x1x1x128xf32, #tpu.memory_space<vmem>> -> memref<128xf32, #tpu.memory_space<vmem>>
        %swap3A_780 = arith.constant 32 : index
        %swap3A_781 = tpu.vector_load %swap3A_779[%swap3A_780] {strides = array<i32>} : memref<128xf32, #tpu.memory_space<vmem>>, vector<16xf32>,
        tpu.vector_store %swap3A_779[%swap3A_780], %gather3A_745 {strides = array<i32>} : memref<128xf32, #tpu.memory_space<vmem>>, vector<16xf32>,
        %swap3A_782 = arith.constant 1 : i32
        %swap3A_783 = arith.constant 2 : i32
        %swap3A_784 = arith.constant 0 : i32
        %swap3A_785 = tpu.memref_slice %arg8[%swap3A_782, %scan3A_566, %swap3A_783, %swap3A_784] : memref<2x8x8x128xf32, #tpu.memory_space<vmem>> -> memref<1x1x1x128xf32, #tpu.memory_space<vmem>>
        %swap3A_786 = tpu.memref_squeeze %swap3A_785 : memref<1x1x1x128xf32, #tpu.memory_space<vmem>> -> memref<128xf32, #tpu.memory_space<vmem>>
        %swap3A_787 = arith.constant 48 : index
        %swap3A_788 = tpu.vector_load %swap3A_786[%swap3A_787] {strides = array<i32>} : memref<128xf32, #tpu.memory_space<vmem>>, vector<16xf32>,
        tpu.vector_store %swap3A_786[%swap3A_787], %gather3A_748 {strides = array<i32>} : memref<128xf32, #tpu.memory_space<vmem>>, vector<16xf32>,
        %swap3A_789 = arith.constant 1 : i32
        %swap3A_790 = arith.constant 2 : i32
        %swap3A_791 = arith.constant 0 : i32
        %swap3A_792 = tpu.memref_slice %arg8[%swap3A_789, %scan3A_566, %swap3A_790, %swap3A_791] : memref<2x8x8x128xf32, #tpu.memory_space<vmem>> -> memref<1x1x1x128xf32, #tpu.memory_space<vmem>>
        %swap3A_793 = tpu.memref_squeeze %swap3A_792 : memref<1x1x1x128xf32, #tpu.memory_space<vmem>> -> memref<128xf32, #tpu.memory_space<vmem>>
        %swap3A_794 = arith.constant 64 : index
        %swap3A_795 = tpu.vector_load %swap3A_793[%swap3A_794] {strides = array<i32>} : memref<128xf32, #tpu.memory_space<vmem>>, vector<16xf32>,
        tpu.vector_store %swap3A_793[%swap3A_794], %gather3A_751 {strides = array<i32>} : memref<128xf32, #tpu.memory_space<vmem>>, vector<16xf32>,
        %swap3A_796 = arith.constant 1 : i32
        %swap3A_797 = arith.constant 2 : i32
        %swap3A_798 = arith.constant 0 : i32
        %swap3A_799 = tpu.memref_slice %arg8[%swap3A_796, %scan3A_566, %swap3A_797, %swap3A_798] : memref<2x8x8x128xf32, #tpu.memory_space<vmem>> -> memref<1x1x1x128xf32, #tpu.memory_space<vmem>>
        %swap3A_800 = tpu.memref_squeeze %swap3A_799 : memref<1x1x1x128xf32, #tpu.memory_space<vmem>> -> memref<128xf32, #tpu.memory_space<vmem>>
        %swap3A_801 = arith.constant 80 : index
        %swap3A_802 = tpu.vector_load %swap3A_800[%swap3A_801] {strides = array<i32>} : memref<128xf32, #tpu.memory_space<vmem>>, vector<16xf32>,
        tpu.vector_store %swap3A_800[%swap3A_801], %gather3A_754 {strides = array<i32>} : memref<128xf32, #tpu.memory_space<vmem>>, vector<16xf32>,
        %swap3A_803 = arith.constant 1 : i32
        %swap3A_804 = arith.constant 2 : i32
        %swap3A_805 = arith.constant 0 : i32
        %swap3A_806 = tpu.memref_slice %arg8[%swap3A_803, %scan3A_566, %swap3A_804, %swap3A_805] : memref<2x8x8x128xf32, #tpu.memory_space<vmem>> -> memref<1x1x1x128xf32, #tpu.memory_space<vmem>>
        %swap3A_807 = tpu.memref_squeeze %swap3A_806 : memref<1x1x1x128xf32, #tpu.memory_space<vmem>> -> memref<128xf32, #tpu.memory_space<vmem>>
        %swap3A_808 = arith.constant 96 : index
        %swap3A_809 = tpu.vector_load %swap3A_807[%swap3A_808] {strides = array<i32>} : memref<128xf32, #tpu.memory_space<vmem>>, vector<16xf32>,
        tpu.vector_store %swap3A_807[%swap3A_808], %gather3A_757 {strides = array<i32>} : memref<128xf32, #tpu.memory_space<vmem>>, vector<16xf32>,
        %swap3A_810 = arith.constant 1 : i32
        %swap3A_811 = arith.constant 2 : i32
        %swap3A_812 = arith.constant 0 : i32
        %swap3A_813 = tpu.memref_slice %arg8[%swap3A_810, %scan3A_566, %swap3A_811, %swap3A_812] : memref<2x8x8x128xf32, #tpu.memory_space<vmem>> -> memref<1x1x1x128xf32, #tpu.memory_space<vmem>>
        %swap3A_814 = tpu.memref_squeeze %swap3A_813 : memref<1x1x1x128xf32, #tpu.memory_space<vmem>> -> memref<128xf32, #tpu.memory_space<vmem>>
        %swap3A_815 = arith.constant 112 : index
        %swap3A_816 = tpu.vector_load %swap3A_814[%swap3A_815] {strides = array<i32>} : memref<128xf32, #tpu.memory_space<vmem>>, vector<16xf32>,
        tpu.vector_store %swap3A_814[%swap3A_815], %gather3A_760 {strides = array<i32>} : memref<128xf32, #tpu.memory_space<vmem>>, vector<16xf32>,
        %mul3A_817 = arith.constant 6464 : i32
        %mul3A_818 = arith.muli %scan3A_566, %mul3A_817 : i32
        %add3A_819 = arith.constant 2424 : i32
        %add3A_820 = arith.addi %mul3A_818, %add3A_819 : i32
        %add3A_821 = vector.broadcast %add3A_820 : i32 to vector<16xi32>
        %add3A_822 = arith.addi %add3A_489, %add3A_821 : vector<16xi32>
        %gather3A_823 = tpu.vector_load_idx %arg6[%add3A_822] : memref<51712xf32, #tpu.memory_space<vmem>>[vector<16xi32>], vector<16xf32>,
        %add3A_824 = vector.broadcast %add3A_820 : i32 to vector<16xi32>
        %add3A_825 = arith.addi %add3A_499, %add3A_824 : vector<16xi32>
        %gather3A_826 = tpu.vector_load_idx %arg6[%add3A_825] : memref<51712xf32, #tpu.memory_space<vmem>>[vector<16xi32>], vector<16xf32>,
        %add3A_827 = vector.broadcast %add3A_820 : i32 to vector<16xi32>
        %add3A_828 = arith.addi %add3A_509, %add3A_827 : vector<16xi32>
        %gather3A_829 = tpu.vector_load_idx %arg6[%add3A_828] : memref<51712xf32, #tpu.memory_space<vmem>>[vector<16xi32>], vector<16xf32>,
        %add3A_830 = vector.broadcast %add3A_820 : i32 to vector<16xi32>
        %add3A_831 = arith.addi %add3A_519, %add3A_830 : vector<16xi32>
        %gather3A_832 = tpu.vector_load_idx %arg6[%add3A_831] : memref<51712xf32, #tpu.memory_space<vmem>>[vector<16xi32>], vector<16xf32>,
        %add3A_833 = vector.broadcast %add3A_820 : i32 to vector<16xi32>
        %add3A_834 = arith.addi %add3A_529, %add3A_833 : vector<16xi32>
        %gather3A_835 = tpu.vector_load_idx %arg6[%add3A_834] : memref<51712xf32, #tpu.memory_space<vmem>>[vector<16xi32>], vector<16xf32>,
        %add3A_836 = vector.broadcast %add3A_820 : i32 to vector<16xi32>
        %add3A_837 = arith.addi %add3A_539, %add3A_836 : vector<16xi32>
        %gather3A_838 = tpu.vector_load_idx %arg6[%add3A_837] : memref<51712xf32, #tpu.memory_space<vmem>>[vector<16xi32>], vector<16xf32>,
        %add3A_839 = vector.broadcast %add3A_820 : i32 to vector<16xi32>
        %add3A_840 = arith.addi %add3A_549, %add3A_839 : vector<16xi32>
        %gather3A_841 = tpu.vector_load_idx %arg6[%add3A_840] : memref<51712xf32, #tpu.memory_space<vmem>>[vector<16xi32>], vector<16xf32>,
        %add3A_842 = vector.broadcast %add3A_820 : i32 to vector<16xi32>
        %add3A_843 = arith.addi %add3A_559, %add3A_842 : vector<16xi32>
        %gather3A_844 = tpu.vector_load_idx %arg6[%add3A_843] : memref<51712xf32, #tpu.memory_space<vmem>>[vector<16xi32>], vector<16xf32>,
        %swap3A_845 = arith.constant 1 : i32
        %swap3A_846 = arith.constant 3 : i32
        %swap3A_847 = arith.constant 0 : i32
        %swap3A_848 = tpu.memref_slice %arg8[%swap3A_845, %scan3A_566, %swap3A_846, %swap3A_847] : memref<2x8x8x128xf32, #tpu.memory_space<vmem>> -> memref<1x1x1x128xf32, #tpu.memory_space<vmem>>
        %swap3A_849 = tpu.memref_squeeze %swap3A_848 : memref<1x1x1x128xf32, #tpu.memory_space<vmem>> -> memref<128xf32, #tpu.memory_space<vmem>>
        %swap3A_850 = arith.constant 0 : index
        %swap3A_851 = tpu.vector_load %swap3A_849[%swap3A_850] {strides = array<i32>} : memref<128xf32, #tpu.memory_space<vmem>>, vector<16xf32>,
        tpu.vector_store %swap3A_849[%swap3A_850], %gather3A_823 {strides = array<i32>} : memref<128xf32, #tpu.memory_space<vmem>>, vector<16xf32>,
        %swap3A_852 = arith.constant 1 : i32
        %swap3A_853 = arith.constant 3 : i32
        %swap3A_854 = arith.constant 0 : i32
        %swap3A_855 = tpu.memref_slice %arg8[%swap3A_852, %scan3A_566, %swap3A_853, %swap3A_854] : memref<2x8x8x128xf32, #tpu.memory_space<vmem>> -> memref<1x1x1x128xf32, #tpu.memory_space<vmem>>
        %swap3A_856 = tpu.memref_squeeze %swap3A_855 : memref<1x1x1x128xf32, #tpu.memory_space<vmem>> -> memref<128xf32, #tpu.memory_space<vmem>>
        %swap3A_857 = arith.constant 16 : index
        %swap3A_858 = tpu.vector_load %swap3A_856[%swap3A_857] {strides = array<i32>} : memref<128xf32, #tpu.memory_space<vmem>>, vector<16xf32>,
        tpu.vector_store %swap3A_856[%swap3A_857], %gather3A_826 {strides = array<i32>} : memref<128xf32, #tpu.memory_space<vmem>>, vector<16xf32>,
        %swap3A_859 = arith.constant 1 : i32
        %swap3A_860 = arith.constant 3 : i32
        %swap3A_861 = arith.constant 0 : i32
        %swap3A_862 = tpu.memref_slice %arg8[%swap3A_859, %scan3A_566, %swap3A_860, %swap3A_861] : memref<2x8x8x128xf32, #tpu.memory_space<vmem>> -> memref<1x1x1x128xf32, #tpu.memory_space<vmem>>
        %swap3A_863 = tpu.memref_squeeze %swap3A_862 : memref<1x1x1x128xf32, #tpu.memory_space<vmem>> -> memref<128xf32, #tpu.memory_space<vmem>>
        %swap3A_864 = arith.constant 32 : index
        %swap3A_865 = tpu.vector_load %swap3A_863[%swap3A_864] {strides = array<i32>} : memref<128xf32, #tpu.memory_space<vmem>>, vector<16xf32>,
        tpu.vector_store %swap3A_863[%swap3A_864], %gather3A_829 {strides = array<i32>} : memref<128xf32, #tpu.memory_space<vmem>>, vector<16xf32>,
        %swap3A_866 = arith.constant 1 : i32
        %swap3A_867 = arith.constant 3 : i32
        %swap3A_868 = arith.constant 0 : i32
        %swap3A_869 = tpu.memref_slice %arg8[%swap3A_866, %scan3A_566, %swap3A_867, %swap3A_868] : memref<2x8x8x128xf32, #tpu.memory_space<vmem>> -> memref<1x1x1x128xf32, #tpu.memory_space<vmem>>
        %swap3A_870 = tpu.memref_squeeze %swap3A_869 : memref<1x1x1x128xf32, #tpu.memory_space<vmem>> -> memref<128xf32, #tpu.memory_space<vmem>>
        %swap3A_871 = arith.constant 48 : index
        %swap3A_872 = tpu.vector_load %swap3A_870[%swap3A_871] {strides = array<i32>} : memref<128xf32, #tpu.memory_space<vmem>>, vector<16xf32>,
        tpu.vector_store %swap3A_870[%swap3A_871], %gather3A_832 {strides = array<i32>} : memref<128xf32, #tpu.memory_space<vmem>>, vector<16xf32>,
        %swap3A_873 = arith.constant 1 : i32
        %swap3A_874 = arith.constant 3 : i32
        %swap3A_875 = arith.constant 0 : i32
        %swap3A_876 = tpu.memref_slice %arg8[%swap3A_873, %scan3A_566, %swap3A_874, %swap3A_875] : memref<2x8x8x128xf32, #tpu.memory_space<vmem>> -> memref<1x1x1x128xf32, #tpu.memory_space<vmem>>
        %swap3A_877 = tpu.memref_squeeze %swap3A_876 : memref<1x1x1x128xf32, #tpu.memory_space<vmem>> -> memref<128xf32, #tpu.memory_space<vmem>>
        %swap3A_878 = arith.constant 64 : index
        %swap3A_879 = tpu.vector_load %swap3A_877[%swap3A_878] {strides = array<i32>} : memref<128xf32, #tpu.memory_space<vmem>>, vector<16xf32>,
        tpu.vector_store %swap3A_877[%swap3A_878], %gather3A_835 {strides = array<i32>} : memref<128xf32, #tpu.memory_space<vmem>>, vector<16xf32>,
        %swap3A_880 = arith.constant 1 : i32
        %swap3A_881 = arith.constant 3 : i32
        %swap3A_882 = arith.constant 0 : i32
        %swap3A_883 = tpu.memref_slice %arg8[%swap3A_880, %scan3A_566, %swap3A_881, %swap3A_882] : memref<2x8x8x128xf32, #tpu.memory_space<vmem>> -> memref<1x1x1x128xf32, #tpu.memory_space<vmem>>
        %swap3A_884 = tpu.memref_squeeze %swap3A_883 : memref<1x1x1x128xf32, #tpu.memory_space<vmem>> -> memref<128xf32, #tpu.memory_space<vmem>>
        %swap3A_885 = arith.constant 80 : index
        %swap3A_886 = tpu.vector_load %swap3A_884[%swap3A_885] {strides = array<i32>} : memref<128xf32, #tpu.memory_space<vmem>>, vector<16xf32>,
        tpu.vector_store %swap3A_884[%swap3A_885], %gather3A_838 {strides = array<i32>} : memref<128xf32, #tpu.memory_space<vmem>>, vector<16xf32>,
        %swap3A_887 = arith.constant 1 : i32
        %swap3A_888 = arith.constant 3 : i32
        %swap3A_889 = arith.constant 0 : i32
        %swap3A_890 = tpu.memref_slice %arg8[%swap3A_887, %scan3A_566, %swap3A_888, %swap3A_889] : memref<2x8x8x128xf32, #tpu.memory_space<vmem>> -> memref<1x1x1x128xf32, #tpu.memory_space<vmem>>
        %swap3A_891 = tpu.memref_squeeze %swap3A_890 : memref<1x1x1x128xf32, #tpu.memory_space<vmem>> -> memref<128xf32, #tpu.memory_space<vmem>>
        %swap3A_892 = arith.constant 96 : index
        %swap3A_893 = tpu.vector_load %swap3A_891[%swap3A_892] {strides = array<i32>} : memref<128xf32, #tpu.memory_space<vmem>>, vector<16xf32>,
        tpu.vector_store %swap3A_891[%swap3A_892], %gather3A_841 {strides = array<i32>} : memref<128xf32, #tpu.memory_space<vmem>>, vector<16xf32>,
        %swap3A_894 = arith.constant 1 : i32
        %swap3A_895 = arith.constant 3 : i32
        %swap3A_896 = arith.constant 0 : i32
        %swap3A_897 = tpu.memref_slice %arg8[%swap3A_894, %scan3A_566, %swap3A_895, %swap3A_896] : memref<2x8x8x128xf32, #tpu.memory_space<vmem>> -> memref<1x1x1x128xf32, #tpu.memory_space<vmem>>
        %swap3A_898 = tpu.memref_squeeze %swap3A_897 : memref<1x1x1x128xf32, #tpu.memory_space<vmem>> -> memref<128xf32, #tpu.memory_space<vmem>>
        %swap3A_899 = arith.constant 112 : index
        %swap3A_900 = tpu.vector_load %swap3A_898[%swap3A_899] {strides = array<i32>} : memref<128xf32, #tpu.memory_space<vmem>>, vector<16xf32>,
        tpu.vector_store %swap3A_898[%swap3A_899], %gather3A_844 {strides = array<i32>} : memref<128xf32, #tpu.memory_space<vmem>>, vector<16xf32>,
        %mul3A_901 = arith.constant 6464 : i32
        %mul3A_902 = arith.muli %scan3A_566, %mul3A_901 : i32
        %add3A_903 = arith.constant 3232 : i32
        %add3A_904 = arith.addi %mul3A_902, %add3A_903 : i32
        %add3A_905 = vector.broadcast %add3A_904 : i32 to vector<16xi32>
        %add3A_906 = arith.addi %add3A_489, %add3A_905 : vector<16xi32>
        %gather3A_907 = tpu.vector_load_idx %arg6[%add3A_906] : memref<51712xf32, #tpu.memory_space<vmem>>[vector<16xi32>], vector<16xf32>,
        %add3A_908 = vector.broadcast %add3A_904 : i32 to vector<16xi32>
        %add3A_909 = arith.addi %add3A_499, %add3A_908 : vector<16xi32>
        %gather3A_910 = tpu.vector_load_idx %arg6[%add3A_909] : memref<51712xf32, #tpu.memory_space<vmem>>[vector<16xi32>], vector<16xf32>,
        %add3A_911 = vector.broadcast %add3A_904 : i32 to vector<16xi32>
        %add3A_912 = arith.addi %add3A_509, %add3A_911 : vector<16xi32>
        %gather3A_913 = tpu.vector_load_idx %arg6[%add3A_912] : memref<51712xf32, #tpu.memory_space<vmem>>[vector<16xi32>], vector<16xf32>,
        %add3A_914 = vector.broadcast %add3A_904 : i32 to vector<16xi32>
        %add3A_915 = arith.addi %add3A_519, %add3A_914 : vector<16xi32>
        %gather3A_916 = tpu.vector_load_idx %arg6[%add3A_915] : memref<51712xf32, #tpu.memory_space<vmem>>[vector<16xi32>], vector<16xf32>,
        %add3A_917 = vector.broadcast %add3A_904 : i32 to vector<16xi32>
        %add3A_918 = arith.addi %add3A_529, %add3A_917 : vector<16xi32>
        %gather3A_919 = tpu.vector_load_idx %arg6[%add3A_918] : memref<51712xf32, #tpu.memory_space<vmem>>[vector<16xi32>], vector<16xf32>,
        %add3A_920 = vector.broadcast %add3A_904 : i32 to vector<16xi32>
        %add3A_921 = arith.addi %add3A_539, %add3A_920 : vector<16xi32>
        %gather3A_922 = tpu.vector_load_idx %arg6[%add3A_921] : memref<51712xf32, #tpu.memory_space<vmem>>[vector<16xi32>], vector<16xf32>,
        %add3A_923 = vector.broadcast %add3A_904 : i32 to vector<16xi32>
        %add3A_924 = arith.addi %add3A_549, %add3A_923 : vector<16xi32>
        %gather3A_925 = tpu.vector_load_idx %arg6[%add3A_924] : memref<51712xf32, #tpu.memory_space<vmem>>[vector<16xi32>], vector<16xf32>,
        %add3A_926 = vector.broadcast %add3A_904 : i32 to vector<16xi32>
        %add3A_927 = arith.addi %add3A_559, %add3A_926 : vector<16xi32>
        %gather3A_928 = tpu.vector_load_idx %arg6[%add3A_927] : memref<51712xf32, #tpu.memory_space<vmem>>[vector<16xi32>], vector<16xf32>,
        %swap3A_929 = arith.constant 1 : i32
        %swap3A_930 = arith.constant 4 : i32
        %swap3A_931 = arith.constant 0 : i32
        %swap3A_932 = tpu.memref_slice %arg8[%swap3A_929, %scan3A_566, %swap3A_930, %swap3A_931] : memref<2x8x8x128xf32, #tpu.memory_space<vmem>> -> memref<1x1x1x128xf32, #tpu.memory_space<vmem>>
        %swap3A_933 = tpu.memref_squeeze %swap3A_932 : memref<1x1x1x128xf32, #tpu.memory_space<vmem>> -> memref<128xf32, #tpu.memory_space<vmem>>
        %swap3A_934 = arith.constant 0 : index
        %swap3A_935 = tpu.vector_load %swap3A_933[%swap3A_934] {strides = array<i32>} : memref<128xf32, #tpu.memory_space<vmem>>, vector<16xf32>,
        tpu.vector_store %swap3A_933[%swap3A_934], %gather3A_907 {strides = array<i32>} : memref<128xf32, #tpu.memory_space<vmem>>, vector<16xf32>,
        %swap3A_936 = arith.constant 1 : i32
        %swap3A_937 = arith.constant 4 : i32
        %swap3A_938 = arith.constant 0 : i32
        %swap3A_939 = tpu.memref_slice %arg8[%swap3A_936, %scan3A_566, %swap3A_937, %swap3A_938] : memref<2x8x8x128xf32, #tpu.memory_space<vmem>> -> memref<1x1x1x128xf32, #tpu.memory_space<vmem>>
        %swap3A_940 = tpu.memref_squeeze %swap3A_939 : memref<1x1x1x128xf32, #tpu.memory_space<vmem>> -> memref<128xf32, #tpu.memory_space<vmem>>
        %swap3A_941 = arith.constant 16 : index
        %swap3A_942 = tpu.vector_load %swap3A_940[%swap3A_941] {strides = array<i32>} : memref<128xf32, #tpu.memory_space<vmem>>, vector<16xf32>,
        tpu.vector_store %swap3A_940[%swap3A_941], %gather3A_910 {strides = array<i32>} : memref<128xf32, #tpu.memory_space<vmem>>, vector<16xf32>,
        %swap3A_943 = arith.constant 1 : i32
        %swap3A_944 = arith.constant 4 : i32
        %swap3A_945 = arith.constant 0 : i32
        %swap3A_946 = tpu.memref_slice %arg8[%swap3A_943, %scan3A_566, %swap3A_944, %swap3A_945] : memref<2x8x8x128xf32, #tpu.memory_space<vmem>> -> memref<1x1x1x128xf32, #tpu.memory_space<vmem>>
        %swap3A_947 = tpu.memref_squeeze %swap3A_946 : memref<1x1x1x128xf32, #tpu.memory_space<vmem>> -> memref<128xf32, #tpu.memory_space<vmem>>
        %swap3A_948 = arith.constant 32 : index
        %swap3A_949 = tpu.vector_load %swap3A_947[%swap3A_948] {strides = array<i32>} : memref<128xf32, #tpu.memory_space<vmem>>, vector<16xf32>,
        tpu.vector_store %swap3A_947[%swap3A_948], %gather3A_913 {strides = array<i32>} : memref<128xf32, #tpu.memory_space<vmem>>, vector<16xf32>,
        %swap3A_950 = arith.constant 1 : i32
        %swap3A_951 = arith.constant 4 : i32
        %swap3A_952 = arith.constant 0 : i32
        %swap3A_953 = tpu.memref_slice %arg8[%swap3A_950, %scan3A_566, %swap3A_951, %swap3A_952] : memref<2x8x8x128xf32, #tpu.memory_space<vmem>> -> memref<1x1x1x128xf32, #tpu.memory_space<vmem>>
        %swap3A_954 = tpu.memref_squeeze %swap3A_953 : memref<1x1x1x128xf32, #tpu.memory_space<vmem>> -> memref<128xf32, #tpu.memory_space<vmem>>
        %swap3A_955 = arith.constant 48 : index
        %swap3A_956 = tpu.vector_load %swap3A_954[%swap3A_955] {strides = array<i32>} : memref<128xf32, #tpu.memory_space<vmem>>, vector<16xf32>,
        tpu.vector_store %swap3A_954[%swap3A_955], %gather3A_916 {strides = array<i32>} : memref<128xf32, #tpu.memory_space<vmem>>, vector<16xf32>,
        %swap3A_957 = arith.constant 1 : i32
        %swap3A_958 = arith.constant 4 : i32
        %swap3A_959 = arith.constant 0 : i32
        %swap3A_960 = tpu.memref_slice %arg8[%swap3A_957, %scan3A_566, %swap3A_958, %swap3A_959] : memref<2x8x8x128xf32, #tpu.memory_space<vmem>> -> memref<1x1x1x128xf32, #tpu.memory_space<vmem>>
        %swap3A_961 = tpu.memref_squeeze %swap3A_960 : memref<1x1x1x128xf32, #tpu.memory_space<vmem>> -> memref<128xf32, #tpu.memory_space<vmem>>
        %swap3A_962 = arith.constant 64 : index
        %swap3A_963 = tpu.vector_load %swap3A_961[%swap3A_962] {strides = array<i32>} : memref<128xf32, #tpu.memory_space<vmem>>, vector<16xf32>,
        tpu.vector_store %swap3A_961[%swap3A_962], %gather3A_919 {strides = array<i32>} : memref<128xf32, #tpu.memory_space<vmem>>, vector<16xf32>,
        %swap3A_964 = arith.constant 1 : i32
        %swap3A_965 = arith.constant 4 : i32
        %swap3A_966 = arith.constant 0 : i32
        %swap3A_967 = tpu.memref_slice %arg8[%swap3A_964, %scan3A_566, %swap3A_965, %swap3A_966] : memref<2x8x8x128xf32, #tpu.memory_space<vmem>> -> memref<1x1x1x128xf32, #tpu.memory_space<vmem>>
        %swap3A_968 = tpu.memref_squeeze %swap3A_967 : memref<1x1x1x128xf32, #tpu.memory_space<vmem>> -> memref<128xf32, #tpu.memory_space<vmem>>
        %swap3A_969 = arith.constant 80 : index
        %swap3A_970 = tpu.vector_load %swap3A_968[%swap3A_969] {strides = array<i32>} : memref<128xf32, #tpu.memory_space<vmem>>, vector<16xf32>,
        tpu.vector_store %swap3A_968[%swap3A_969], %gather3A_922 {strides = array<i32>} : memref<128xf32, #tpu.memory_space<vmem>>, vector<16xf32>,
        %swap3A_971 = arith.constant 1 : i32
        %swap3A_972 = arith.constant 4 : i32
        %swap3A_973 = arith.constant 0 : i32
        %swap3A_974 = tpu.memref_slice %arg8[%swap3A_971, %scan3A_566, %swap3A_972, %swap3A_973] : memref<2x8x8x128xf32, #tpu.memory_space<vmem>> -> memref<1x1x1x128xf32, #tpu.memory_space<vmem>>
        %swap3A_975 = tpu.memref_squeeze %swap3A_974 : memref<1x1x1x128xf32, #tpu.memory_space<vmem>> -> memref<128xf32, #tpu.memory_space<vmem>>
        %swap3A_976 = arith.constant 96 : index
        %swap3A_977 = tpu.vector_load %swap3A_975[%swap3A_976] {strides = array<i32>} : memref<128xf32, #tpu.memory_space<vmem>>, vector<16xf32>,
        tpu.vector_store %swap3A_975[%swap3A_976], %gather3A_925 {strides = array<i32>} : memref<128xf32, #tpu.memory_space<vmem>>, vector<16xf32>,
        %swap3A_978 = arith.constant 1 : i32
        %swap3A_979 = arith.constant 4 : i32
        %swap3A_980 = arith.constant 0 : i32
        %swap3A_981 = tpu.memref_slice %arg8[%swap3A_978, %scan3A_566, %swap3A_979, %swap3A_980] : memref<2x8x8x128xf32, #tpu.memory_space<vmem>> -> memref<1x1x1x128xf32, #tpu.memory_space<vmem>>
        %swap3A_982 = tpu.memref_squeeze %swap3A_981 : memref<1x1x1x128xf32, #tpu.memory_space<vmem>> -> memref<128xf32, #tpu.memory_space<vmem>>
        %swap3A_983 = arith.constant 112 : index
        %swap3A_984 = tpu.vector_load %swap3A_982[%swap3A_983] {strides = array<i32>} : memref<128xf32, #tpu.memory_space<vmem>>, vector<16xf32>,
        tpu.vector_store %swap3A_982[%swap3A_983], %gather3A_928 {strides = array<i32>} : memref<128xf32, #tpu.memory_space<vmem>>, vector<16xf32>,
        %mul3A_985 = arith.constant 6464 : i32
        %mul3A_986 = arith.muli %scan3A_566, %mul3A_985 : i32
        %add3A_987 = arith.constant 4040 : i32
        %add3A_988 = arith.addi %mul3A_986, %add3A_987 : i32
        %add3A_989 = vector.broadcast %add3A_988 : i32 to vector<16xi32>
        %add3A_990 = arith.addi %add3A_489, %add3A_989 : vector<16xi32>
        %gather3A_991 = tpu.vector_load_idx %arg6[%add3A_990] : memref<51712xf32, #tpu.memory_space<vmem>>[vector<16xi32>], vector<16xf32>,
        %add3A_992 = vector.broadcast %add3A_988 : i32 to vector<16xi32>
        %add3A_993 = arith.addi %add3A_499, %add3A_992 : vector<16xi32>
        %gather3A_994 = tpu.vector_load_idx %arg6[%add3A_993] : memref<51712xf32, #tpu.memory_space<vmem>>[vector<16xi32>], vector<16xf32>,
        %add3A_995 = vector.broadcast %add3A_988 : i32 to vector<16xi32>
        %add3A_996 = arith.addi %add3A_509, %add3A_995 : vector<16xi32>
        %gather3A_997 = tpu.vector_load_idx %arg6[%add3A_996] : memref<51712xf32, #tpu.memory_space<vmem>>[vector<16xi32>], vector<16xf32>,
        %add3A_998 = vector.broadcast %add3A_988 : i32 to vector<16xi32>
        %add3A_999 = arith.addi %add3A_519, %add3A_998 : vector<16xi32>
        %gather3A_1000 = tpu.vector_load_idx %arg6[%add3A_999] : memref<51712xf32, #tpu.memory_space<vmem>>[vector<16xi32>], vector<16xf32>,
        %add3A_1001 = vector.broadcast %add3A_988 : i32 to vector<16xi32>
        %add3A_1002 = arith.addi %add3A_529, %add3A_1001 : vector<16xi32>
        %gather3A_1003 = tpu.vector_load_idx %arg6[%add3A_1002] : memref<51712xf32, #tpu.memory_space<vmem>>[vector<16xi32>], vector<16xf32>,
        %add3A_1004 = vector.broadcast %add3A_988 : i32 to vector<16xi32>
        %add3A_1005 = arith.addi %add3A_539, %add3A_1004 : vector<16xi32>
        %gather3A_1006 = tpu.vector_load_idx %arg6[%add3A_1005] : memref<51712xf32, #tpu.memory_space<vmem>>[vector<16xi32>], vector<16xf32>,
        %add3A_1007 = vector.broadcast %add3A_988 : i32 to vector<16xi32>
        %add3A_1008 = arith.addi %add3A_549, %add3A_1007 : vector<16xi32>
        %gather3A_1009 = tpu.vector_load_idx %arg6[%add3A_1008] : memref<51712xf32, #tpu.memory_space<vmem>>[vector<16xi32>], vector<16xf32>,
        %add3A_1010 = vector.broadcast %add3A_988 : i32 to vector<16xi32>
        %add3A_1011 = arith.addi %add3A_559, %add3A_1010 : vector<16xi32>
        %gather3A_1012 = tpu.vector_load_idx %arg6[%add3A_1011] : memref<51712xf32, #tpu.memory_space<vmem>>[vector<16xi32>], vector<16xf32>,
        %swap3A_1013 = arith.constant 1 : i32
        %swap3A_1014 = arith.constant 5 : i32
        %swap3A_1015 = arith.constant 0 : i32
        %swap3A_1016 = tpu.memref_slice %arg8[%swap3A_1013, %scan3A_566, %swap3A_1014, %swap3A_1015] : memref<2x8x8x128xf32, #tpu.memory_space<vmem>> -> memref<1x1x1x128xf32, #tpu.memory_space<vmem>>
        %swap3A_1017 = tpu.memref_squeeze %swap3A_1016 : memref<1x1x1x128xf32, #tpu.memory_space<vmem>> -> memref<128xf32, #tpu.memory_space<vmem>>
        %swap3A_1018 = arith.constant 0 : index
        %swap3A_1019 = tpu.vector_load %swap3A_1017[%swap3A_1018] {strides = array<i32>} : memref<128xf32, #tpu.memory_space<vmem>>, vector<16xf32>,
        tpu.vector_store %swap3A_1017[%swap3A_1018], %gather3A_991 {strides = array<i32>} : memref<128xf32, #tpu.memory_space<vmem>>, vector<16xf32>,
        %swap3A_1020 = arith.constant 1 : i32
        %swap3A_1021 = arith.constant 5 : i32
        %swap3A_1022 = arith.constant 0 : i32
        %swap3A_1023 = tpu.memref_slice %arg8[%swap3A_1020, %scan3A_566, %swap3A_1021, %swap3A_1022] : memref<2x8x8x128xf32, #tpu.memory_space<vmem>> -> memref<1x1x1x128xf32, #tpu.memory_space<vmem>>
        %swap3A_1024 = tpu.memref_squeeze %swap3A_1023 : memref<1x1x1x128xf32, #tpu.memory_space<vmem>> -> memref<128xf32, #tpu.memory_space<vmem>>
        %swap3A_1025 = arith.constant 16 : index
        %swap3A_1026 = tpu.vector_load %swap3A_1024[%swap3A_1025] {strides = array<i32>} : memref<128xf32, #tpu.memory_space<vmem>>, vector<16xf32>,
        tpu.vector_store %swap3A_1024[%swap3A_1025], %gather3A_994 {strides = array<i32>} : memref<128xf32, #tpu.memory_space<vmem>>, vector<16xf32>,
        %swap3A_1027 = arith.constant 1 : i32
        %swap3A_1028 = arith.constant 5 : i32
        %swap3A_1029 = arith.constant 0 : i32
        %swap3A_1030 = tpu.memref_slice %arg8[%swap3A_1027, %scan3A_566, %swap3A_1028, %swap3A_1029] : memref<2x8x8x128xf32, #tpu.memory_space<vmem>> -> memref<1x1x1x128xf32, #tpu.memory_space<vmem>>
        %swap3A_1031 = tpu.memref_squeeze %swap3A_1030 : memref<1x1x1x128xf32, #tpu.memory_space<vmem>> -> memref<128xf32, #tpu.memory_space<vmem>>
        %swap3A_1032 = arith.constant 32 : index
        %swap3A_1033 = tpu.vector_load %swap3A_1031[%swap3A_1032] {strides = array<i32>} : memref<128xf32, #tpu.memory_space<vmem>>, vector<16xf32>,
        tpu.vector_store %swap3A_1031[%swap3A_1032], %gather3A_997 {strides = array<i32>} : memref<128xf32, #tpu.memory_space<vmem>>, vector<16xf32>,
        %swap3A_1034 = arith.constant 1 : i32
        %swap3A_1035 = arith.constant 5 : i32
        %swap3A_1036 = arith.constant 0 : i32
        %swap3A_1037 = tpu.memref_slice %arg8[%swap3A_1034, %scan3A_566, %swap3A_1035, %swap3A_1036] : memref<2x8x8x128xf32, #tpu.memory_space<vmem>> -> memref<1x1x1x128xf32, #tpu.memory_space<vmem>>
        %swap3A_1038 = tpu.memref_squeeze %swap3A_1037 : memref<1x1x1x128xf32, #tpu.memory_space<vmem>> -> memref<128xf32, #tpu.memory_space<vmem>>
        %swap3A_1039 = arith.constant 48 : index
        %swap3A_1040 = tpu.vector_load %swap3A_1038[%swap3A_1039] {strides = array<i32>} : memref<128xf32, #tpu.memory_space<vmem>>, vector<16xf32>,
        tpu.vector_store %swap3A_1038[%swap3A_1039], %gather3A_1000 {strides = array<i32>} : memref<128xf32, #tpu.memory_space<vmem>>, vector<16xf32>,
        %swap3A_1041 = arith.constant 1 : i32
        %swap3A_1042 = arith.constant 5 : i32
        %swap3A_1043 = arith.constant 0 : i32
        %swap3A_1044 = tpu.memref_slice %arg8[%swap3A_1041, %scan3A_566, %swap3A_1042, %swap3A_1043] : memref<2x8x8x128xf32, #tpu.memory_space<vmem>> -> memref<1x1x1x128xf32, #tpu.memory_space<vmem>>
        %swap3A_1045 = tpu.memref_squeeze %swap3A_1044 : memref<1x1x1x128xf32, #tpu.memory_space<vmem>> -> memref<128xf32, #tpu.memory_space<vmem>>
        %swap3A_1046 = arith.constant 64 : index
        %swap3A_1047 = tpu.vector_load %swap3A_1045[%swap3A_1046] {strides = array<i32>} : memref<128xf32, #tpu.memory_space<vmem>>, vector<16xf32>,
        tpu.vector_store %swap3A_1045[%swap3A_1046], %gather3A_1003 {strides = array<i32>} : memref<128xf32, #tpu.memory_space<vmem>>, vector<16xf32>,
        %swap3A_1048 = arith.constant 1 : i32
        %swap3A_1049 = arith.constant 5 : i32
        %swap3A_1050 = arith.constant 0 : i32
        %swap3A_1051 = tpu.memref_slice %arg8[%swap3A_1048, %scan3A_566, %swap3A_1049, %swap3A_1050] : memref<2x8x8x128xf32, #tpu.memory_space<vmem>> -> memref<1x1x1x128xf32, #tpu.memory_space<vmem>>
        %swap3A_1052 = tpu.memref_squeeze %swap3A_1051 : memref<1x1x1x128xf32, #tpu.memory_space<vmem>> -> memref<128xf32, #tpu.memory_space<vmem>>
        %swap3A_1053 = arith.constant 80 : index
        %swap3A_1054 = tpu.vector_load %swap3A_1052[%swap3A_1053] {strides = array<i32>} : memref<128xf32, #tpu.memory_space<vmem>>, vector<16xf32>,
        tpu.vector_store %swap3A_1052[%swap3A_1053], %gather3A_1006 {strides = array<i32>} : memref<128xf32, #tpu.memory_space<vmem>>, vector<16xf32>,
        %swap3A_1055 = arith.constant 1 : i32
        %swap3A_1056 = arith.constant 5 : i32
        %swap3A_1057 = arith.constant 0 : i32
        %swap3A_1058 = tpu.memref_slice %arg8[%swap3A_1055, %scan3A_566, %swap3A_1056, %swap3A_1057] : memref<2x8x8x128xf32, #tpu.memory_space<vmem>> -> memref<1x1x1x128xf32, #tpu.memory_space<vmem>>
        %swap3A_1059 = tpu.memref_squeeze %swap3A_1058 : memref<1x1x1x128xf32, #tpu.memory_space<vmem>> -> memref<128xf32, #tpu.memory_space<vmem>>
        %swap3A_1060 = arith.constant 96 : index
        %swap3A_1061 = tpu.vector_load %swap3A_1059[%swap3A_1060] {strides = array<i32>} : memref<128xf32, #tpu.memory_space<vmem>>, vector<16xf32>,
        tpu.vector_store %swap3A_1059[%swap3A_1060], %gather3A_1009 {strides = array<i32>} : memref<128xf32, #tpu.memory_space<vmem>>, vector<16xf32>,
        %swap3A_1062 = arith.constant 1 : i32
        %swap3A_1063 = arith.constant 5 : i32
        %swap3A_1064 = arith.constant 0 : i32
        %swap3A_1065 = tpu.memref_slice %arg8[%swap3A_1062, %scan3A_566, %swap3A_1063, %swap3A_1064] : memref<2x8x8x128xf32, #tpu.memory_space<vmem>> -> memref<1x1x1x128xf32, #tpu.memory_space<vmem>>
        %swap3A_1066 = tpu.memref_squeeze %swap3A_1065 : memref<1x1x1x128xf32, #tpu.memory_space<vmem>> -> memref<128xf32, #tpu.memory_space<vmem>>
        %swap3A_1067 = arith.constant 112 : index
        %swap3A_1068 = tpu.vector_load %swap3A_1066[%swap3A_1067] {strides = array<i32>} : memref<128xf32, #tpu.memory_space<vmem>>, vector<16xf32>,
        tpu.vector_store %swap3A_1066[%swap3A_1067], %gather3A_1012 {strides = array<i32>} : memref<128xf32, #tpu.memory_space<vmem>>, vector<16xf32>,
        %mul3A_1069 = arith.constant 6464 : i32
        %mul3A_1070 = arith.muli %scan3A_566, %mul3A_1069 : i32
        %add3A_1071 = arith.constant 4848 : i32
        %add3A_1072 = arith.addi %mul3A_1070, %add3A_1071 : i32
        %add3A_1073 = vector.broadcast %add3A_1072 : i32 to vector<16xi32>
        %add3A_1074 = arith.addi %add3A_489, %add3A_1073 : vector<16xi32>
        %gather3A_1075 = tpu.vector_load_idx %arg6[%add3A_1074] : memref<51712xf32, #tpu.memory_space<vmem>>[vector<16xi32>], vector<16xf32>,
        %add3A_1076 = vector.broadcast %add3A_1072 : i32 to vector<16xi32>
        %add3A_1077 = arith.addi %add3A_499, %add3A_1076 : vector<16xi32>
        %gather3A_1078 = tpu.vector_load_idx %arg6[%add3A_1077] : memref<51712xf32, #tpu.memory_space<vmem>>[vector<16xi32>], vector<16xf32>,
        %add3A_1079 = vector.broadcast %add3A_1072 : i32 to vector<16xi32>
        %add3A_1080 = arith.addi %add3A_509, %add3A_1079 : vector<16xi32>
        %gather3A_1081 = tpu.vector_load_idx %arg6[%add3A_1080] : memref<51712xf32, #tpu.memory_space<vmem>>[vector<16xi32>], vector<16xf32>,
        %add3A_1082 = vector.broadcast %add3A_1072 : i32 to vector<16xi32>
        %add3A_1083 = arith.addi %add3A_519, %add3A_1082 : vector<16xi32>
        %gather3A_1084 = tpu.vector_load_idx %arg6[%add3A_1083] : memref<51712xf32, #tpu.memory_space<vmem>>[vector<16xi32>], vector<16xf32>,
        %add3A_1085 = vector.broadcast %add3A_1072 : i32 to vector<16xi32>
        %add3A_1086 = arith.addi %add3A_529, %add3A_1085 : vector<16xi32>
        %gather3A_1087 = tpu.vector_load_idx %arg6[%add3A_1086] : memref<51712xf32, #tpu.memory_space<vmem>>[vector<16xi32>], vector<16xf32>,
        %add3A_1088 = vector.broadcast %add3A_1072 : i32 to vector<16xi32>
        %add3A_1089 = arith.addi %add3A_539, %add3A_1088 : vector<16xi32>
        %gather3A_1090 = tpu.vector_load_idx %arg6[%add3A_1089] : memref<51712xf32, #tpu.memory_space<vmem>>[vector<16xi32>], vector<16xf32>,
        %add3A_1091 = vector.broadcast %add3A_1072 : i32 to vector<16xi32>
        %add3A_1092 = arith.addi %add3A_549, %add3A_1091 : vector<16xi32>
        %gather3A_1093 = tpu.vector_load_idx %arg6[%add3A_1092] : memref<51712xf32, #tpu.memory_space<vmem>>[vector<16xi32>], vector<16xf32>,
        %add3A_1094 = vector.broadcast %add3A_1072 : i32 to vector<16xi32>
        %add3A_1095 = arith.addi %add3A_559, %add3A_1094 : vector<16xi32>
        %gather3A_1096 = tpu.vector_load_idx %arg6[%add3A_1095] : memref<51712xf32, #tpu.memory_space<vmem>>[vector<16xi32>], vector<16xf32>,
        %swap3A_1097 = arith.constant 1 : i32
        %swap3A_1098 = arith.constant 6 : i32
        %swap3A_1099 = arith.constant 0 : i32
        %swap3A_1100 = tpu.memref_slice %arg8[%swap3A_1097, %scan3A_566, %swap3A_1098, %swap3A_1099] : memref<2x8x8x128xf32, #tpu.memory_space<vmem>> -> memref<1x1x1x128xf32, #tpu.memory_space<vmem>>
        %swap3A_1101 = tpu.memref_squeeze %swap3A_1100 : memref<1x1x1x128xf32, #tpu.memory_space<vmem>> -> memref<128xf32, #tpu.memory_space<vmem>>
        %swap3A_1102 = arith.constant 0 : index
        %swap3A_1103 = tpu.vector_load %swap3A_1101[%swap3A_1102] {strides = array<i32>} : memref<128xf32, #tpu.memory_space<vmem>>, vector<16xf32>,
        tpu.vector_store %swap3A_1101[%swap3A_1102], %gather3A_1075 {strides = array<i32>} : memref<128xf32, #tpu.memory_space<vmem>>, vector<16xf32>,
        %swap3A_1104 = arith.constant 1 : i32
        %swap3A_1105 = arith.constant 6 : i32
        %swap3A_1106 = arith.constant 0 : i32
        %swap3A_1107 = tpu.memref_slice %arg8[%swap3A_1104, %scan3A_566, %swap3A_1105, %swap3A_1106] : memref<2x8x8x128xf32, #tpu.memory_space<vmem>> -> memref<1x1x1x128xf32, #tpu.memory_space<vmem>>
        %swap3A_1108 = tpu.memref_squeeze %swap3A_1107 : memref<1x1x1x128xf32, #tpu.memory_space<vmem>> -> memref<128xf32, #tpu.memory_space<vmem>>
        %swap3A_1109 = arith.constant 16 : index
        %swap3A_1110 = tpu.vector_load %swap3A_1108[%swap3A_1109] {strides = array<i32>} : memref<128xf32, #tpu.memory_space<vmem>>, vector<16xf32>,
        tpu.vector_store %swap3A_1108[%swap3A_1109], %gather3A_1078 {strides = array<i32>} : memref<128xf32, #tpu.memory_space<vmem>>, vector<16xf32>,
        %swap3A_1111 = arith.constant 1 : i32
        %swap3A_1112 = arith.constant 6 : i32
        %swap3A_1113 = arith.constant 0 : i32
        %swap3A_1114 = tpu.memref_slice %arg8[%swap3A_1111, %scan3A_566, %swap3A_1112, %swap3A_1113] : memref<2x8x8x128xf32, #tpu.memory_space<vmem>> -> memref<1x1x1x128xf32, #tpu.memory_space<vmem>>
        %swap3A_1115 = tpu.memref_squeeze %swap3A_1114 : memref<1x1x1x128xf32, #tpu.memory_space<vmem>> -> memref<128xf32, #tpu.memory_space<vmem>>
        %swap3A_1116 = arith.constant 32 : index
        %swap3A_1117 = tpu.vector_load %swap3A_1115[%swap3A_1116] {strides = array<i32>} : memref<128xf32, #tpu.memory_space<vmem>>, vector<16xf32>,
        tpu.vector_store %swap3A_1115[%swap3A_1116], %gather3A_1081 {strides = array<i32>} : memref<128xf32, #tpu.memory_space<vmem>>, vector<16xf32>,
        %swap3A_1118 = arith.constant 1 : i32
        %swap3A_1119 = arith.constant 6 : i32
        %swap3A_1120 = arith.constant 0 : i32
        %swap3A_1121 = tpu.memref_slice %arg8[%swap3A_1118, %scan3A_566, %swap3A_1119, %swap3A_1120] : memref<2x8x8x128xf32, #tpu.memory_space<vmem>> -> memref<1x1x1x128xf32, #tpu.memory_space<vmem>>
        %swap3A_1122 = tpu.memref_squeeze %swap3A_1121 : memref<1x1x1x128xf32, #tpu.memory_space<vmem>> -> memref<128xf32, #tpu.memory_space<vmem>>
        %swap3A_1123 = arith.constant 48 : index
        %swap3A_1124 = tpu.vector_load %swap3A_1122[%swap3A_1123] {strides = array<i32>} : memref<128xf32, #tpu.memory_space<vmem>>, vector<16xf32>,
        tpu.vector_store %swap3A_1122[%swap3A_1123], %gather3A_1084 {strides = array<i32>} : memref<128xf32, #tpu.memory_space<vmem>>, vector<16xf32>,
        %swap3A_1125 = arith.constant 1 : i32
        %swap3A_1126 = arith.constant 6 : i32
        %swap3A_1127 = arith.constant 0 : i32
        %swap3A_1128 = tpu.memref_slice %arg8[%swap3A_1125, %scan3A_566, %swap3A_1126, %swap3A_1127] : memref<2x8x8x128xf32, #tpu.memory_space<vmem>> -> memref<1x1x1x128xf32, #tpu.memory_space<vmem>>
        %swap3A_1129 = tpu.memref_squeeze %swap3A_1128 : memref<1x1x1x128xf32, #tpu.memory_space<vmem>> -> memref<128xf32, #tpu.memory_space<vmem>>
        %swap3A_1130 = arith.constant 64 : index
        %swap3A_1131 = tpu.vector_load %swap3A_1129[%swap3A_1130] {strides = array<i32>} : memref<128xf32, #tpu.memory_space<vmem>>, vector<16xf32>,
        tpu.vector_store %swap3A_1129[%swap3A_1130], %gather3A_1087 {strides = array<i32>} : memref<128xf32, #tpu.memory_space<vmem>>, vector<16xf32>,
        %swap3A_1132 = arith.constant 1 : i32
        %swap3A_1133 = arith.constant 6 : i32
        %swap3A_1134 = arith.constant 0 : i32
        %swap3A_1135 = tpu.memref_slice %arg8[%swap3A_1132, %scan3A_566, %swap3A_1133, %swap3A_1134] : memref<2x8x8x128xf32, #tpu.memory_space<vmem>> -> memref<1x1x1x128xf32, #tpu.memory_space<vmem>>
        %swap3A_1136 = tpu.memref_squeeze %swap3A_1135 : memref<1x1x1x128xf32, #tpu.memory_space<vmem>> -> memref<128xf32, #tpu.memory_space<vmem>>
        %swap3A_1137 = arith.constant 80 : index
        %swap3A_1138 = tpu.vector_load %swap3A_1136[%swap3A_1137] {strides = array<i32>} : memref<128xf32, #tpu.memory_space<vmem>>, vector<16xf32>,
        tpu.vector_store %swap3A_1136[%swap3A_1137], %gather3A_1090 {strides = array<i32>} : memref<128xf32, #tpu.memory_space<vmem>>, vector<16xf32>,
        %swap3A_1139 = arith.constant 1 : i32
        %swap3A_1140 = arith.constant 6 : i32
        %swap3A_1141 = arith.constant 0 : i32
        %swap3A_1142 = tpu.memref_slice %arg8[%swap3A_1139, %scan3A_566, %swap3A_1140, %swap3A_1141] : memref<2x8x8x128xf32, #tpu.memory_space<vmem>> -> memref<1x1x1x128xf32, #tpu.memory_space<vmem>>
        %swap3A_1143 = tpu.memref_squeeze %swap3A_1142 : memref<1x1x1x128xf32, #tpu.memory_space<vmem>> -> memref<128xf32, #tpu.memory_space<vmem>>
        %swap3A_1144 = arith.constant 96 : index
        %swap3A_1145 = tpu.vector_load %swap3A_1143[%swap3A_1144] {strides = array<i32>} : memref<128xf32, #tpu.memory_space<vmem>>, vector<16xf32>,
        tpu.vector_store %swap3A_1143[%swap3A_1144], %gather3A_1093 {strides = array<i32>} : memref<128xf32, #tpu.memory_space<vmem>>, vector<16xf32>,
        %swap3A_1146 = arith.constant 1 : i32
        %swap3A_1147 = arith.constant 6 : i32
        %swap3A_1148 = arith.constant 0 : i32
        %swap3A_1149 = tpu.memref_slice %arg8[%swap3A_1146, %scan3A_566, %swap3A_1147, %swap3A_1148] : memref<2x8x8x128xf32, #tpu.memory_space<vmem>> -> memref<1x1x1x128xf32, #tpu.memory_space<vmem>>
        %swap3A_1150 = tpu.memref_squeeze %swap3A_1149 : memref<1x1x1x128xf32, #tpu.memory_space<vmem>> -> memref<128xf32, #tpu.memory_space<vmem>>
        %swap3A_1151 = arith.constant 112 : index
        %swap3A_1152 = tpu.vector_load %swap3A_1150[%swap3A_1151] {strides = array<i32>} : memref<128xf32, #tpu.memory_space<vmem>>, vector<16xf32>,
        tpu.vector_store %swap3A_1150[%swap3A_1151], %gather3A_1096 {strides = array<i32>} : memref<128xf32, #tpu.memory_space<vmem>>, vector<16xf32>,
        %mul3A_1153 = arith.constant 6464 : i32
        %mul3A_1154 = arith.muli %scan3A_566, %mul3A_1153 : i32
        %add3A_1155 = arith.constant 5656 : i32
        %add3A_1156 = arith.addi %mul3A_1154, %add3A_1155 : i32
        %add3A_1157 = vector.broadcast %add3A_1156 : i32 to vector<16xi32>
        %add3A_1158 = arith.addi %add3A_489, %add3A_1157 : vector<16xi32>
        %gather3A_1159 = tpu.vector_load_idx %arg6[%add3A_1158] : memref<51712xf32, #tpu.memory_space<vmem>>[vector<16xi32>], vector<16xf32>,
        %add3A_1160 = vector.broadcast %add3A_1156 : i32 to vector<16xi32>
        %add3A_1161 = arith.addi %add3A_499, %add3A_1160 : vector<16xi32>
        %gather3A_1162 = tpu.vector_load_idx %arg6[%add3A_1161] : memref<51712xf32, #tpu.memory_space<vmem>>[vector<16xi32>], vector<16xf32>,
        %add3A_1163 = vector.broadcast %add3A_1156 : i32 to vector<16xi32>
        %add3A_1164 = arith.addi %add3A_509, %add3A_1163 : vector<16xi32>
        %gather3A_1165 = tpu.vector_load_idx %arg6[%add3A_1164] : memref<51712xf32, #tpu.memory_space<vmem>>[vector<16xi32>], vector<16xf32>,
        %add3A_1166 = vector.broadcast %add3A_1156 : i32 to vector<16xi32>
        %add3A_1167 = arith.addi %add3A_519, %add3A_1166 : vector<16xi32>
        %gather3A_1168 = tpu.vector_load_idx %arg6[%add3A_1167] : memref<51712xf32, #tpu.memory_space<vmem>>[vector<16xi32>], vector<16xf32>,
        %add3A_1169 = vector.broadcast %add3A_1156 : i32 to vector<16xi32>
        %add3A_1170 = arith.addi %add3A_529, %add3A_1169 : vector<16xi32>
        %gather3A_1171 = tpu.vector_load_idx %arg6[%add3A_1170] : memref<51712xf32, #tpu.memory_space<vmem>>[vector<16xi32>], vector<16xf32>,
        %add3A_1172 = vector.broadcast %add3A_1156 : i32 to vector<16xi32>
        %add3A_1173 = arith.addi %add3A_539, %add3A_1172 : vector<16xi32>
        %gather3A_1174 = tpu.vector_load_idx %arg6[%add3A_1173] : memref<51712xf32, #tpu.memory_space<vmem>>[vector<16xi32>], vector<16xf32>,
        %add3A_1175 = vector.broadcast %add3A_1156 : i32 to vector<16xi32>
        %add3A_1176 = arith.addi %add3A_549, %add3A_1175 : vector<16xi32>
        %gather3A_1177 = tpu.vector_load_idx %arg6[%add3A_1176] : memref<51712xf32, #tpu.memory_space<vmem>>[vector<16xi32>], vector<16xf32>,
        %add3A_1178 = vector.broadcast %add3A_1156 : i32 to vector<16xi32>
        %add3A_1179 = arith.addi %add3A_559, %add3A_1178 : vector<16xi32>
        %gather3A_1180 = tpu.vector_load_idx %arg6[%add3A_1179] : memref<51712xf32, #tpu.memory_space<vmem>>[vector<16xi32>], vector<16xf32>,
        %swap3A_1181 = arith.constant 1 : i32
        %swap3A_1182 = arith.constant 7 : i32
        %swap3A_1183 = arith.constant 0 : i32
        %swap3A_1184 = tpu.memref_slice %arg8[%swap3A_1181, %scan3A_566, %swap3A_1182, %swap3A_1183] : memref<2x8x8x128xf32, #tpu.memory_space<vmem>> -> memref<1x1x1x128xf32, #tpu.memory_space<vmem>>
        %swap3A_1185 = tpu.memref_squeeze %swap3A_1184 : memref<1x1x1x128xf32, #tpu.memory_space<vmem>> -> memref<128xf32, #tpu.memory_space<vmem>>
        %swap3A_1186 = arith.constant 0 : index
        %swap3A_1187 = tpu.vector_load %swap3A_1185[%swap3A_1186] {strides = array<i32>} : memref<128xf32, #tpu.memory_space<vmem>>, vector<16xf32>,
        tpu.vector_store %swap3A_1185[%swap3A_1186], %gather3A_1159 {strides = array<i32>} : memref<128xf32, #tpu.memory_space<vmem>>, vector<16xf32>,
        %swap3A_1188 = arith.constant 1 : i32
        %swap3A_1189 = arith.constant 7 : i32
        %swap3A_1190 = arith.constant 0 : i32
        %swap3A_1191 = tpu.memref_slice %arg8[%swap3A_1188, %scan3A_566, %swap3A_1189, %swap3A_1190] : memref<2x8x8x128xf32, #tpu.memory_space<vmem>> -> memref<1x1x1x128xf32, #tpu.memory_space<vmem>>
        %swap3A_1192 = tpu.memref_squeeze %swap3A_1191 : memref<1x1x1x128xf32, #tpu.memory_space<vmem>> -> memref<128xf32, #tpu.memory_space<vmem>>
        %swap3A_1193 = arith.constant 16 : index
        %swap3A_1194 = tpu.vector_load %swap3A_1192[%swap3A_1193] {strides = array<i32>} : memref<128xf32, #tpu.memory_space<vmem>>, vector<16xf32>,
        tpu.vector_store %swap3A_1192[%swap3A_1193], %gather3A_1162 {strides = array<i32>} : memref<128xf32, #tpu.memory_space<vmem>>, vector<16xf32>,
        %swap3A_1195 = arith.constant 1 : i32
        %swap3A_1196 = arith.constant 7 : i32
        %swap3A_1197 = arith.constant 0 : i32
        %swap3A_1198 = tpu.memref_slice %arg8[%swap3A_1195, %scan3A_566, %swap3A_1196, %swap3A_1197] : memref<2x8x8x128xf32, #tpu.memory_space<vmem>> -> memref<1x1x1x128xf32, #tpu.memory_space<vmem>>
        %swap3A_1199 = tpu.memref_squeeze %swap3A_1198 : memref<1x1x1x128xf32, #tpu.memory_space<vmem>> -> memref<128xf32, #tpu.memory_space<vmem>>
        %swap3A_1200 = arith.constant 32 : index
        %swap3A_1201 = tpu.vector_load %swap3A_1199[%swap3A_1200] {strides = array<i32>} : memref<128xf32, #tpu.memory_space<vmem>>, vector<16xf32>,
        tpu.vector_store %swap3A_1199[%swap3A_1200], %gather3A_1165 {strides = array<i32>} : memref<128xf32, #tpu.memory_space<vmem>>, vector<16xf32>,
        %swap3A_1202 = arith.constant 1 : i32
        %swap3A_1203 = arith.constant 7 : i32
        %swap3A_1204 = arith.constant 0 : i32
        %swap3A_1205 = tpu.memref_slice %arg8[%swap3A_1202, %scan3A_566, %swap3A_1203, %swap3A_1204] : memref<2x8x8x128xf32, #tpu.memory_space<vmem>> -> memref<1x1x1x128xf32, #tpu.memory_space<vmem>>
        %swap3A_1206 = tpu.memref_squeeze %swap3A_1205 : memref<1x1x1x128xf32, #tpu.memory_space<vmem>> -> memref<128xf32, #tpu.memory_space<vmem>>
        %swap3A_1207 = arith.constant 48 : index
        %swap3A_1208 = tpu.vector_load %swap3A_1206[%swap3A_1207] {strides = array<i32>} : memref<128xf32, #tpu.memory_space<vmem>>, vector<16xf32>,
        tpu.vector_store %swap3A_1206[%swap3A_1207], %gather3A_1168 {strides = array<i32>} : memref<128xf32, #tpu.memory_space<vmem>>, vector<16xf32>,
        %swap3A_1209 = arith.constant 1 : i32
        %swap3A_1210 = arith.constant 7 : i32
        %swap3A_1211 = arith.constant 0 : i32
        %swap3A_1212 = tpu.memref_slice %arg8[%swap3A_1209, %scan3A_566, %swap3A_1210, %swap3A_1211] : memref<2x8x8x128xf32, #tpu.memory_space<vmem>> -> memref<1x1x1x128xf32, #tpu.memory_space<vmem>>
        %swap3A_1213 = tpu.memref_squeeze %swap3A_1212 : memref<1x1x1x128xf32, #tpu.memory_space<vmem>> -> memref<128xf32, #tpu.memory_space<vmem>>
        %swap3A_1214 = arith.constant 64 : index
        %swap3A_1215 = tpu.vector_load %swap3A_1213[%swap3A_1214] {strides = array<i32>} : memref<128xf32, #tpu.memory_space<vmem>>, vector<16xf32>,
        tpu.vector_store %swap3A_1213[%swap3A_1214], %gather3A_1171 {strides = array<i32>} : memref<128xf32, #tpu.memory_space<vmem>>, vector<16xf32>,
        %swap3A_1216 = arith.constant 1 : i32
        %swap3A_1217 = arith.constant 7 : i32
        %swap3A_1218 = arith.constant 0 : i32
        %swap3A_1219 = tpu.memref_slice %arg8[%swap3A_1216, %scan3A_566, %swap3A_1217, %swap3A_1218] : memref<2x8x8x128xf32, #tpu.memory_space<vmem>> -> memref<1x1x1x128xf32, #tpu.memory_space<vmem>>
        %swap3A_1220 = tpu.memref_squeeze %swap3A_1219 : memref<1x1x1x128xf32, #tpu.memory_space<vmem>> -> memref<128xf32, #tpu.memory_space<vmem>>
        %swap3A_1221 = arith.constant 80 : index
        %swap3A_1222 = tpu.vector_load %swap3A_1220[%swap3A_1221] {strides = array<i32>} : memref<128xf32, #tpu.memory_space<vmem>>, vector<16xf32>,
        tpu.vector_store %swap3A_1220[%swap3A_1221], %gather3A_1174 {strides = array<i32>} : memref<128xf32, #tpu.memory_space<vmem>>, vector<16xf32>,
        %swap3A_1223 = arith.constant 1 : i32
        %swap3A_1224 = arith.constant 7 : i32
        %swap3A_1225 = arith.constant 0 : i32
        %swap3A_1226 = tpu.memref_slice %arg8[%swap3A_1223, %scan3A_566, %swap3A_1224, %swap3A_1225] : memref<2x8x8x128xf32, #tpu.memory_space<vmem>> -> memref<1x1x1x128xf32, #tpu.memory_space<vmem>>
        %swap3A_1227 = tpu.memref_squeeze %swap3A_1226 : memref<1x1x1x128xf32, #tpu.memory_space<vmem>> -> memref<128xf32, #tpu.memory_space<vmem>>
        %swap3A_1228 = arith.constant 96 : index
        %swap3A_1229 = tpu.vector_load %swap3A_1227[%swap3A_1228] {strides = array<i32>} : memref<128xf32, #tpu.memory_space<vmem>>, vector<16xf32>,
        tpu.vector_store %swap3A_1227[%swap3A_1228], %gather3A_1177 {strides = array<i32>} : memref<128xf32, #tpu.memory_space<vmem>>, vector<16xf32>,
        %swap3A_1230 = arith.constant 1 : i32
        %swap3A_1231 = arith.constant 7 : i32
        %swap3A_1232 = arith.constant 0 : i32
        %swap3A_1233 = tpu.memref_slice %arg8[%swap3A_1230, %scan3A_566, %swap3A_1231, %swap3A_1232] : memref<2x8x8x128xf32, #tpu.memory_space<vmem>> -> memref<1x1x1x128xf32, #tpu.memory_space<vmem>>
        %swap3A_1234 = tpu.memref_squeeze %swap3A_1233 : memref<1x1x1x128xf32, #tpu.memory_space<vmem>> -> memref<128xf32, #tpu.memory_space<vmem>>
        %swap3A_1235 = arith.constant 112 : index
        %swap3A_1236 = tpu.vector_load %swap3A_1234[%swap3A_1235] {strides = array<i32>} : memref<128xf32, #tpu.memory_space<vmem>>, vector<16xf32>,
        tpu.vector_store %swap3A_1234[%swap3A_1235], %gather3A_1180 {strides = array<i32>} : memref<128xf32, #tpu.memory_space<vmem>>, vector<16xf32>,
        %dma_start3A = arith.constant 1 : i32
        %dma_start3A_1237 = arith.constant 1 : i32
        %dma_start3A_1238 = arith.constant 0 : i32
        %dma_start3A_1239 = arith.constant 0 : i32
        %dma_start3A_1240 = tpu.memref_slice %arg8[%dma_start3A, %scan3A_566, %dma_start3A_1238, %dma_start3A_1239] : memref<2x8x8x128xf32, #tpu.memory_space<vmem>> -> memref<1x1x8x128xf32, #tpu.memory_space<vmem>>
        %dma_start3A_1241 = tpu.memref_squeeze %dma_start3A_1240 : memref<1x1x8x128xf32, #tpu.memory_space<vmem>> -> memref<8x128xf32, #tpu.memory_space<vmem>>
        %dma_start3A_1242 = arith.constant 0 : i32
        %dma_start3A_1243 = arith.constant 0 : i32
        %dma_start3A_1244 = tpu.memref_slice %arg4[%add3A_474, %scan3A_566, %add3A, %dma_start3A_1242, %dma_start3A_1243] : memref<200x8x32x8x128xf32, #tpu.memory_space<hbm>> -> memref<1x1x1x8x128xf32, #tpu.memory_space<hbm>>
        %dma_start3A_1245 = tpu.memref_squeeze %dma_start3A_1244 : memref<1x1x1x8x128xf32, #tpu.memory_space<hbm>> -> memref<8x128xf32, #tpu.memory_space<hbm>>
        %dma_start3A_1246 = tpu.memref_slice %arg9[%dma_start3A_1237] : memref<2x!tpu.dma_semaphore, #tpu.memory_space<semaphore_mem>> -> memref<1x!tpu.dma_semaphore, #tpu.memory_space<semaphore_mem>>
        %dma_start3A_1247 = tpu.memref_squeeze %dma_start3A_1246 : memref<1x!tpu.dma_semaphore, #tpu.memory_space<semaphore_mem>> -> memref<!tpu.dma_semaphore, #tpu.memory_space<semaphore_mem>>
        %dma_start3A_1248 = arith.constant 0 : i32
        %dma_start3A_1249 = arith.constant 0 : i32
        %dma_start3A_1250 = tpu.memref_slice %arg4[%add3A_474, %scan3A_566, %add3A, %dma_start3A_1248, %dma_start3A_1249] : memref<200x8x32x8x128xf32, #tpu.memory_space<hbm>> -> memref<1x1x1x8x128xf32, #tpu.memory_space<hbm>>
        %dma_start3A_1251 = tpu.memref_squeeze %dma_start3A_1250 : memref<1x1x1x8x128xf32, #tpu.memory_space<hbm>> -> memref<8x128xf32, #tpu.memory_space<hbm>>
        %dma_start3A_1252 = arith.constant 0 : i32
        %dma_start3A_1253 = arith.constant 0 : i32
        %dma_start3A_1254 = tpu.memref_slice %arg8[%dma_start3A, %scan3A_566, %dma_start3A_1252, %dma_start3A_1253] : memref<2x8x8x128xf32, #tpu.memory_space<vmem>> -> memref<1x1x8x128xf32, #tpu.memory_space<vmem>>
        %dma_start3A_1255 = tpu.memref_squeeze %dma_start3A_1254 : memref<1x1x8x128xf32, #tpu.memory_space<vmem>> -> memref<8x128xf32, #tpu.memory_space<vmem>>
        tpu.enqueue_dma source(%dma_start3A_1255 : memref<8x128xf32, #tpu.memory_space<vmem>>) target(%dma_start3A_1251 : memref<8x128xf32, #tpu.memory_space<hbm>>) target_semaphore(%dma_start3A_1247 : memref<!tpu.dma_semaphore, #tpu.memory_space<semaphore_mem>>)
      }
      %scan3A_565 = arith.constant 8 : i32
    }
    %scan3A_11 = arith.constant 100 : i32
    %dma_wait3A = arith.constant 0 : i32
    %dma_wait3A_12 = arith.constant 0 : i32
    %dma_wait3A_13 = arith.constant 0 : i32
    %dma_wait3A_14 = arith.constant 0 : i32
    %dma_wait3A_15 = arith.constant 0 : i32
    %dma_wait3A_16 = arith.constant 0 : i32
    %dma_wait3A_17 = arith.constant 0 : i32
    %dma_wait3A_18 = tpu.memref_slice %arg8[%dma_wait3A, %dma_wait3A_12, %dma_wait3A_16, %dma_wait3A_17] : memref<2x8x8x128xf32, #tpu.memory_space<vmem>> -> memref<1x1x8x128xf32, #tpu.memory_space<vmem>>
    %dma_wait3A_19 = tpu.memref_squeeze %dma_wait3A_18 : memref<1x1x8x128xf32, #tpu.memory_space<vmem>> -> memref<8x128xf32, #tpu.memory_space<vmem>>
    %dma_wait3A_20 = arith.constant 0 : i32
    %dma_wait3A_21 = arith.constant 0 : i32
    %dma_wait3A_22 = tpu.memref_slice %arg4[%dma_wait3A_13, %dma_wait3A_14, %add3A, %dma_wait3A_20, %dma_wait3A_21] : memref<200x8x32x8x128xf32, #tpu.memory_space<hbm>> -> memref<1x1x1x8x128xf32, #tpu.memory_space<hbm>>
    %dma_wait3A_23 = tpu.memref_squeeze %dma_wait3A_22 : memref<1x1x1x8x128xf32, #tpu.memory_space<hbm>> -> memref<8x128xf32, #tpu.memory_space<hbm>>
    %dma_wait3A_24 = tpu.memref_slice %arg9[%dma_wait3A_15] : memref<2x!tpu.dma_semaphore, #tpu.memory_space<semaphore_mem>> -> memref<1x!tpu.dma_semaphore, #tpu.memory_space<semaphore_mem>>
    %dma_wait3A_25 = tpu.memref_squeeze %dma_wait3A_24 : memref<1x!tpu.dma_semaphore, #tpu.memory_space<semaphore_mem>> -> memref<!tpu.dma_semaphore, #tpu.memory_space<semaphore_mem>>
    %dma_wait3A_26 = arith.constant 0 : i32
    %dma_wait3A_27 = arith.constant 0 : i32
    %dma_wait3A_28 = tpu.memref_slice %arg4[%dma_wait3A_13, %dma_wait3A_14, %add3A, %dma_wait3A_26, %dma_wait3A_27] : memref<200x8x32x8x128xf32, #tpu.memory_space<hbm>> -> memref<1x1x1x8x128xf32, #tpu.memory_space<hbm>>
    %dma_wait3A_29 = tpu.memref_squeeze %dma_wait3A_28 : memref<1x1x1x8x128xf32, #tpu.memory_space<hbm>> -> memref<8x128xf32, #tpu.memory_space<hbm>>
    %dma_wait3A_30 = arith.constant 0 : i32
    %dma_wait3A_31 = arith.constant 0 : i32
    %dma_wait3A_32 = tpu.memref_slice %arg8[%dma_wait3A, %dma_wait3A_12, %dma_wait3A_30, %dma_wait3A_31] : memref<2x8x8x128xf32, #tpu.memory_space<vmem>> -> memref<1x1x8x128xf32, #tpu.memory_space<vmem>>
    %dma_wait3A_33 = tpu.memref_squeeze %dma_wait3A_32 : memref<1x1x8x128xf32, #tpu.memory_space<vmem>> -> memref<8x128xf32, #tpu.memory_space<vmem>>
    tpu.wait_dma2 semaphore(%dma_wait3A_25 : memref<!tpu.dma_semaphore, #tpu.memory_space<semaphore_mem>>) src(%dma_wait3A_33 : memref<8x128xf32, #tpu.memory_space<vmem>>) dst(%dma_wait3A_29 : memref<8x128xf32, #tpu.memory_space<hbm>>)
    %dma_wait3A_34 = arith.constant 0 : i32
    %dma_wait3A_35 = arith.constant 1 : i32
    %dma_wait3A_36 = arith.constant 0 : i32
    %dma_wait3A_37 = arith.constant 1 : i32
    %dma_wait3A_38 = arith.constant 0 : i32
    %dma_wait3A_39 = arith.constant 0 : i32
    %dma_wait3A_40 = arith.constant 0 : i32
    %dma_wait3A_41 = tpu.memref_slice %arg8[%dma_wait3A_34, %dma_wait3A_35, %dma_wait3A_39, %dma_wait3A_40] : memref<2x8x8x128xf32, #tpu.memory_space<vmem>> -> memref<1x1x8x128xf32, #tpu.memory_space<vmem>>
    %dma_wait3A_42 = tpu.memref_squeeze %dma_wait3A_41 : memref<1x1x8x128xf32, #tpu.memory_space<vmem>> -> memref<8x128xf32, #tpu.memory_space<vmem>>
    %dma_wait3A_43 = arith.constant 0 : i32
    %dma_wait3A_44 = arith.constant 0 : i32
    %dma_wait3A_45 = tpu.memref_slice %arg4[%dma_wait3A_36, %dma_wait3A_37, %add3A, %dma_wait3A_43, %dma_wait3A_44] : memref<200x8x32x8x128xf32, #tpu.memory_space<hbm>> -> memref<1x1x1x8x128xf32, #tpu.memory_space<hbm>>
    %dma_wait3A_46 = tpu.memref_squeeze %dma_wait3A_45 : memref<1x1x1x8x128xf32, #tpu.memory_space<hbm>> -> memref<8x128xf32, #tpu.memory_space<hbm>>
    %dma_wait3A_47 = tpu.memref_slice %arg9[%dma_wait3A_38] : memref<2x!tpu.dma_semaphore, #tpu.memory_space<semaphore_mem>> -> memref<1x!tpu.dma_semaphore, #tpu.memory_space<semaphore_mem>>
    %dma_wait3A_48 = tpu.memref_squeeze %dma_wait3A_47 : memref<1x!tpu.dma_semaphore, #tpu.memory_space<semaphore_mem>> -> memref<!tpu.dma_semaphore, #tpu.memory_space<semaphore_mem>>
    %dma_wait3A_49 = arith.constant 0 : i32
    %dma_wait3A_50 = arith.constant 0 : i32
    %dma_wait3A_51 = tpu.memref_slice %arg4[%dma_wait3A_36, %dma_wait3A_37, %add3A, %dma_wait3A_49, %dma_wait3A_50] : memref<200x8x32x8x128xf32, #tpu.memory_space<hbm>> -> memref<1x1x1x8x128xf32, #tpu.memory_space<hbm>>
    %dma_wait3A_52 = tpu.memref_squeeze %dma_wait3A_51 : memref<1x1x1x8x128xf32, #tpu.memory_space<hbm>> -> memref<8x128xf32, #tpu.memory_space<hbm>>
    %dma_wait3A_53 = arith.constant 0 : i32
    %dma_wait3A_54 = arith.constant 0 : i32
    %dma_wait3A_55 = tpu.memref_slice %arg8[%dma_wait3A_34, %dma_wait3A_35, %dma_wait3A_53, %dma_wait3A_54] : memref<2x8x8x128xf32, #tpu.memory_space<vmem>> -> memref<1x1x8x128xf32, #tpu.memory_space<vmem>>
    %dma_wait3A_56 = tpu.memref_squeeze %dma_wait3A_55 : memref<1x1x8x128xf32, #tpu.memory_space<vmem>> -> memref<8x128xf32, #tpu.memory_space<vmem>>
    tpu.wait_dma2 semaphore(%dma_wait3A_48 : memref<!tpu.dma_semaphore, #tpu.memory_space<semaphore_mem>>) src(%dma_wait3A_56 : memref<8x128xf32, #tpu.memory_space<vmem>>) dst(%dma_wait3A_52 : memref<8x128xf32, #tpu.memory_space<hbm>>)
    %dma_wait3A_57 = arith.constant 0 : i32
    %dma_wait3A_58 = arith.constant 2 : i32
    %dma_wait3A_59 = arith.constant 0 : i32
    %dma_wait3A_60 = arith.constant 2 : i32
    %dma_wait3A_61 = arith.constant 0 : i32
    %dma_wait3A_62 = arith.constant 0 : i32
    %dma_wait3A_63 = arith.constant 0 : i32
    %dma_wait3A_64 = tpu.memref_slice %arg8[%dma_wait3A_57, %dma_wait3A_58, %dma_wait3A_62, %dma_wait3A_63] : memref<2x8x8x128xf32, #tpu.memory_space<vmem>> -> memref<1x1x8x128xf32, #tpu.memory_space<vmem>>
    %dma_wait3A_65 = tpu.memref_squeeze %dma_wait3A_64 : memref<1x1x8x128xf32, #tpu.memory_space<vmem>> -> memref<8x128xf32, #tpu.memory_space<vmem>>
    %dma_wait3A_66 = arith.constant 0 : i32
    %dma_wait3A_67 = arith.constant 0 : i32
    %dma_wait3A_68 = tpu.memref_slice %arg4[%dma_wait3A_59, %dma_wait3A_60, %add3A, %dma_wait3A_66, %dma_wait3A_67] : memref<200x8x32x8x128xf32, #tpu.memory_space<hbm>> -> memref<1x1x1x8x128xf32, #tpu.memory_space<hbm>>
    %dma_wait3A_69 = tpu.memref_squeeze %dma_wait3A_68 : memref<1x1x1x8x128xf32, #tpu.memory_space<hbm>> -> memref<8x128xf32, #tpu.memory_space<hbm>>
    %dma_wait3A_70 = tpu.memref_slice %arg9[%dma_wait3A_61] : memref<2x!tpu.dma_semaphore, #tpu.memory_space<semaphore_mem>> -> memref<1x!tpu.dma_semaphore, #tpu.memory_space<semaphore_mem>>
    %dma_wait3A_71 = tpu.memref_squeeze %dma_wait3A_70 : memref<1x!tpu.dma_semaphore, #tpu.memory_space<semaphore_mem>> -> memref<!tpu.dma_semaphore, #tpu.memory_space<semaphore_mem>>
    %dma_wait3A_72 = arith.constant 0 : i32
    %dma_wait3A_73 = arith.constant 0 : i32
    %dma_wait3A_74 = tpu.memref_slice %arg4[%dma_wait3A_59, %dma_wait3A_60, %add3A, %dma_wait3A_72, %dma_wait3A_73] : memref<200x8x32x8x128xf32, #tpu.memory_space<hbm>> -> memref<1x1x1x8x128xf32, #tpu.memory_space<hbm>>
    %dma_wait3A_75 = tpu.memref_squeeze %dma_wait3A_74 : memref<1x1x1x8x128xf32, #tpu.memory_space<hbm>> -> memref<8x128xf32, #tpu.memory_space<hbm>>
    %dma_wait3A_76 = arith.constant 0 : i32
    %dma_wait3A_77 = arith.constant 0 : i32
    %dma_wait3A_78 = tpu.memref_slice %arg8[%dma_wait3A_57, %dma_wait3A_58, %dma_wait3A_76, %dma_wait3A_77] : memref<2x8x8x128xf32, #tpu.memory_space<vmem>> -> memref<1x1x8x128xf32, #tpu.memory_space<vmem>>
    %dma_wait3A_79 = tpu.memref_squeeze %dma_wait3A_78 : memref<1x1x8x128xf32, #tpu.memory_space<vmem>> -> memref<8x128xf32, #tpu.memory_space<vmem>>
    tpu.wait_dma2 semaphore(%dma_wait3A_71 : memref<!tpu.dma_semaphore, #tpu.memory_space<semaphore_mem>>) src(%dma_wait3A_79 : memref<8x128xf32, #tpu.memory_space<vmem>>) dst(%dma_wait3A_75 : memref<8x128xf32, #tpu.memory_space<hbm>>)
    %dma_wait3A_80 = arith.constant 0 : i32
    %dma_wait3A_81 = arith.constant 3 : i32
    %dma_wait3A_82 = arith.constant 0 : i32
    %dma_wait3A_83 = arith.constant 3 : i32
    %dma_wait3A_84 = arith.constant 0 : i32
    %dma_wait3A_85 = arith.constant 0 : i32
    %dma_wait3A_86 = arith.constant 0 : i32
    %dma_wait3A_87 = tpu.memref_slice %arg8[%dma_wait3A_80, %dma_wait3A_81, %dma_wait3A_85, %dma_wait3A_86] : memref<2x8x8x128xf32, #tpu.memory_space<vmem>> -> memref<1x1x8x128xf32, #tpu.memory_space<vmem>>
    %dma_wait3A_88 = tpu.memref_squeeze %dma_wait3A_87 : memref<1x1x8x128xf32, #tpu.memory_space<vmem>> -> memref<8x128xf32, #tpu.memory_space<vmem>>
    %dma_wait3A_89 = arith.constant 0 : i32
    %dma_wait3A_90 = arith.constant 0 : i32
    %dma_wait3A_91 = tpu.memref_slice %arg4[%dma_wait3A_82, %dma_wait3A_83, %add3A, %dma_wait3A_89, %dma_wait3A_90] : memref<200x8x32x8x128xf32, #tpu.memory_space<hbm>> -> memref<1x1x1x8x128xf32, #tpu.memory_space<hbm>>
    %dma_wait3A_92 = tpu.memref_squeeze %dma_wait3A_91 : memref<1x1x1x8x128xf32, #tpu.memory_space<hbm>> -> memref<8x128xf32, #tpu.memory_space<hbm>>
    %dma_wait3A_93 = tpu.memref_slice %arg9[%dma_wait3A_84] : memref<2x!tpu.dma_semaphore, #tpu.memory_space<semaphore_mem>> -> memref<1x!tpu.dma_semaphore, #tpu.memory_space<semaphore_mem>>
    %dma_wait3A_94 = tpu.memref_squeeze %dma_wait3A_93 : memref<1x!tpu.dma_semaphore, #tpu.memory_space<semaphore_mem>> -> memref<!tpu.dma_semaphore, #tpu.memory_space<semaphore_mem>>
    %dma_wait3A_95 = arith.constant 0 : i32
    %dma_wait3A_96 = arith.constant 0 : i32
    %dma_wait3A_97 = tpu.memref_slice %arg4[%dma_wait3A_82, %dma_wait3A_83, %add3A, %dma_wait3A_95, %dma_wait3A_96] : memref<200x8x32x8x128xf32, #tpu.memory_space<hbm>> -> memref<1x1x1x8x128xf32, #tpu.memory_space<hbm>>
    %dma_wait3A_98 = tpu.memref_squeeze %dma_wait3A_97 : memref<1x1x1x8x128xf32, #tpu.memory_space<hbm>> -> memref<8x128xf32, #tpu.memory_space<hbm>>
    %dma_wait3A_99 = arith.constant 0 : i32
    %dma_wait3A_100 = arith.constant 0 : i32
    %dma_wait3A_101 = tpu.memref_slice %arg8[%dma_wait3A_80, %dma_wait3A_81, %dma_wait3A_99, %dma_wait3A_100] : memref<2x8x8x128xf32, #tpu.memory_space<vmem>> -> memref<1x1x8x128xf32, #tpu.memory_space<vmem>>
    %dma_wait3A_102 = tpu.memref_squeeze %dma_wait3A_101 : memref<1x1x8x128xf32, #tpu.memory_space<vmem>> -> memref<8x128xf32, #tpu.memory_space<vmem>>
    tpu.wait_dma2 semaphore(%dma_wait3A_94 : memref<!tpu.dma_semaphore, #tpu.memory_space<semaphore_mem>>) src(%dma_wait3A_102 : memref<8x128xf32, #tpu.memory_space<vmem>>) dst(%dma_wait3A_98 : memref<8x128xf32, #tpu.memory_space<hbm>>)
    %dma_wait3A_103 = arith.constant 0 : i32
    %dma_wait3A_104 = arith.constant 4 : i32
    %dma_wait3A_105 = arith.constant 0 : i32
    %dma_wait3A_106 = arith.constant 4 : i32
    %dma_wait3A_107 = arith.constant 0 : i32
    %dma_wait3A_108 = arith.constant 0 : i32
    %dma_wait3A_109 = arith.constant 0 : i32
    %dma_wait3A_110 = tpu.memref_slice %arg8[%dma_wait3A_103, %dma_wait3A_104, %dma_wait3A_108, %dma_wait3A_109] : memref<2x8x8x128xf32, #tpu.memory_space<vmem>> -> memref<1x1x8x128xf32, #tpu.memory_space<vmem>>
    %dma_wait3A_111 = tpu.memref_squeeze %dma_wait3A_110 : memref<1x1x8x128xf32, #tpu.memory_space<vmem>> -> memref<8x128xf32, #tpu.memory_space<vmem>>
    %dma_wait3A_112 = arith.constant 0 : i32
    %dma_wait3A_113 = arith.constant 0 : i32
    %dma_wait3A_114 = tpu.memref_slice %arg4[%dma_wait3A_105, %dma_wait3A_106, %add3A, %dma_wait3A_112, %dma_wait3A_113] : memref<200x8x32x8x128xf32, #tpu.memory_space<hbm>> -> memref<1x1x1x8x128xf32, #tpu.memory_space<hbm>>
    %dma_wait3A_115 = tpu.memref_squeeze %dma_wait3A_114 : memref<1x1x1x8x128xf32, #tpu.memory_space<hbm>> -> memref<8x128xf32, #tpu.memory_space<hbm>>
    %dma_wait3A_116 = tpu.memref_slice %arg9[%dma_wait3A_107] : memref<2x!tpu.dma_semaphore, #tpu.memory_space<semaphore_mem>> -> memref<1x!tpu.dma_semaphore, #tpu.memory_space<semaphore_mem>>
    %dma_wait3A_117 = tpu.memref_squeeze %dma_wait3A_116 : memref<1x!tpu.dma_semaphore, #tpu.memory_space<semaphore_mem>> -> memref<!tpu.dma_semaphore, #tpu.memory_space<semaphore_mem>>
    %dma_wait3A_118 = arith.constant 0 : i32
    %dma_wait3A_119 = arith.constant 0 : i32
    %dma_wait3A_120 = tpu.memref_slice %arg4[%dma_wait3A_105, %dma_wait3A_106, %add3A, %dma_wait3A_118, %dma_wait3A_119] : memref<200x8x32x8x128xf32, #tpu.memory_space<hbm>> -> memref<1x1x1x8x128xf32, #tpu.memory_space<hbm>>
    %dma_wait3A_121 = tpu.memref_squeeze %dma_wait3A_120 : memref<1x1x1x8x128xf32, #tpu.memory_space<hbm>> -> memref<8x128xf32, #tpu.memory_space<hbm>>
    %dma_wait3A_122 = arith.constant 0 : i32
    %dma_wait3A_123 = arith.constant 0 : i32
    %dma_wait3A_124 = tpu.memref_slice %arg8[%dma_wait3A_103, %dma_wait3A_104, %dma_wait3A_122, %dma_wait3A_123] : memref<2x8x8x128xf32, #tpu.memory_space<vmem>> -> memref<1x1x8x128xf32, #tpu.memory_space<vmem>>
    %dma_wait3A_125 = tpu.memref_squeeze %dma_wait3A_124 : memref<1x1x8x128xf32, #tpu.memory_space<vmem>> -> memref<8x128xf32, #tpu.memory_space<vmem>>
    tpu.wait_dma2 semaphore(%dma_wait3A_117 : memref<!tpu.dma_semaphore, #tpu.memory_space<semaphore_mem>>) src(%dma_wait3A_125 : memref<8x128xf32, #tpu.memory_space<vmem>>) dst(%dma_wait3A_121 : memref<8x128xf32, #tpu.memory_space<hbm>>)
    %dma_wait3A_126 = arith.constant 0 : i32
    %dma_wait3A_127 = arith.constant 5 : i32
    %dma_wait3A_128 = arith.constant 0 : i32
    %dma_wait3A_129 = arith.constant 5 : i32
    %dma_wait3A_130 = arith.constant 0 : i32
    %dma_wait3A_131 = arith.constant 0 : i32
    %dma_wait3A_132 = arith.constant 0 : i32
    %dma_wait3A_133 = tpu.memref_slice %arg8[%dma_wait3A_126, %dma_wait3A_127, %dma_wait3A_131, %dma_wait3A_132] : memref<2x8x8x128xf32, #tpu.memory_space<vmem>> -> memref<1x1x8x128xf32, #tpu.memory_space<vmem>>
    %dma_wait3A_134 = tpu.memref_squeeze %dma_wait3A_133 : memref<1x1x8x128xf32, #tpu.memory_space<vmem>> -> memref<8x128xf32, #tpu.memory_space<vmem>>
    %dma_wait3A_135 = arith.constant 0 : i32
    %dma_wait3A_136 = arith.constant 0 : i32
    %dma_wait3A_137 = tpu.memref_slice %arg4[%dma_wait3A_128, %dma_wait3A_129, %add3A, %dma_wait3A_135, %dma_wait3A_136] : memref<200x8x32x8x128xf32, #tpu.memory_space<hbm>> -> memref<1x1x1x8x128xf32, #tpu.memory_space<hbm>>
    %dma_wait3A_138 = tpu.memref_squeeze %dma_wait3A_137 : memref<1x1x1x8x128xf32, #tpu.memory_space<hbm>> -> memref<8x128xf32, #tpu.memory_space<hbm>>
    %dma_wait3A_139 = tpu.memref_slice %arg9[%dma_wait3A_130] : memref<2x!tpu.dma_semaphore, #tpu.memory_space<semaphore_mem>> -> memref<1x!tpu.dma_semaphore, #tpu.memory_space<semaphore_mem>>
    %dma_wait3A_140 = tpu.memref_squeeze %dma_wait3A_139 : memref<1x!tpu.dma_semaphore, #tpu.memory_space<semaphore_mem>> -> memref<!tpu.dma_semaphore, #tpu.memory_space<semaphore_mem>>
    %dma_wait3A_141 = arith.constant 0 : i32
    %dma_wait3A_142 = arith.constant 0 : i32
    %dma_wait3A_143 = tpu.memref_slice %arg4[%dma_wait3A_128, %dma_wait3A_129, %add3A, %dma_wait3A_141, %dma_wait3A_142] : memref<200x8x32x8x128xf32, #tpu.memory_space<hbm>> -> memref<1x1x1x8x128xf32, #tpu.memory_space<hbm>>
    %dma_wait3A_144 = tpu.memref_squeeze %dma_wait3A_143 : memref<1x1x1x8x128xf32, #tpu.memory_space<hbm>> -> memref<8x128xf32, #tpu.memory_space<hbm>>
    %dma_wait3A_145 = arith.constant 0 : i32
    %dma_wait3A_146 = arith.constant 0 : i32
    %dma_wait3A_147 = tpu.memref_slice %arg8[%dma_wait3A_126, %dma_wait3A_127, %dma_wait3A_145, %dma_wait3A_146] : memref<2x8x8x128xf32, #tpu.memory_space<vmem>> -> memref<1x1x8x128xf32, #tpu.memory_space<vmem>>
    %dma_wait3A_148 = tpu.memref_squeeze %dma_wait3A_147 : memref<1x1x8x128xf32, #tpu.memory_space<vmem>> -> memref<8x128xf32, #tpu.memory_space<vmem>>
    tpu.wait_dma2 semaphore(%dma_wait3A_140 : memref<!tpu.dma_semaphore, #tpu.memory_space<semaphore_mem>>) src(%dma_wait3A_148 : memref<8x128xf32, #tpu.memory_space<vmem>>) dst(%dma_wait3A_144 : memref<8x128xf32, #tpu.memory_space<hbm>>)
    %dma_wait3A_149 = arith.constant 0 : i32
    %dma_wait3A_150 = arith.constant 6 : i32
    %dma_wait3A_151 = arith.constant 0 : i32
    %dma_wait3A_152 = arith.constant 6 : i32
    %dma_wait3A_153 = arith.constant 0 : i32
    %dma_wait3A_154 = arith.constant 0 : i32
    %dma_wait3A_155 = arith.constant 0 : i32
    %dma_wait3A_156 = tpu.memref_slice %arg8[%dma_wait3A_149, %dma_wait3A_150, %dma_wait3A_154, %dma_wait3A_155] : memref<2x8x8x128xf32, #tpu.memory_space<vmem>> -> memref<1x1x8x128xf32, #tpu.memory_space<vmem>>
    %dma_wait3A_157 = tpu.memref_squeeze %dma_wait3A_156 : memref<1x1x8x128xf32, #tpu.memory_space<vmem>> -> memref<8x128xf32, #tpu.memory_space<vmem>>
    %dma_wait3A_158 = arith.constant 0 : i32
    %dma_wait3A_159 = arith.constant 0 : i32
    %dma_wait3A_160 = tpu.memref_slice %arg4[%dma_wait3A_151, %dma_wait3A_152, %add3A, %dma_wait3A_158, %dma_wait3A_159] : memref<200x8x32x8x128xf32, #tpu.memory_space<hbm>> -> memref<1x1x1x8x128xf32, #tpu.memory_space<hbm>>
    %dma_wait3A_161 = tpu.memref_squeeze %dma_wait3A_160 : memref<1x1x1x8x128xf32, #tpu.memory_space<hbm>> -> memref<8x128xf32, #tpu.memory_space<hbm>>
    %dma_wait3A_162 = tpu.memref_slice %arg9[%dma_wait3A_153] : memref<2x!tpu.dma_semaphore, #tpu.memory_space<semaphore_mem>> -> memref<1x!tpu.dma_semaphore, #tpu.memory_space<semaphore_mem>>
    %dma_wait3A_163 = tpu.memref_squeeze %dma_wait3A_162 : memref<1x!tpu.dma_semaphore, #tpu.memory_space<semaphore_mem>> -> memref<!tpu.dma_semaphore, #tpu.memory_space<semaphore_mem>>
    %dma_wait3A_164 = arith.constant 0 : i32
    %dma_wait3A_165 = arith.constant 0 : i32
    %dma_wait3A_166 = tpu.memref_slice %arg4[%dma_wait3A_151, %dma_wait3A_152, %add3A, %dma_wait3A_164, %dma_wait3A_165] : memref<200x8x32x8x128xf32, #tpu.memory_space<hbm>> -> memref<1x1x1x8x128xf32, #tpu.memory_space<hbm>>
    %dma_wait3A_167 = tpu.memref_squeeze %dma_wait3A_166 : memref<1x1x1x8x128xf32, #tpu.memory_space<hbm>> -> memref<8x128xf32, #tpu.memory_space<hbm>>
    %dma_wait3A_168 = arith.constant 0 : i32
    %dma_wait3A_169 = arith.constant 0 : i32
    %dma_wait3A_170 = tpu.memref_slice %arg8[%dma_wait3A_149, %dma_wait3A_150, %dma_wait3A_168, %dma_wait3A_169] : memref<2x8x8x128xf32, #tpu.memory_space<vmem>> -> memref<1x1x8x128xf32, #tpu.memory_space<vmem>>
    %dma_wait3A_171 = tpu.memref_squeeze %dma_wait3A_170 : memref<1x1x8x128xf32, #tpu.memory_space<vmem>> -> memref<8x128xf32, #tpu.memory_space<vmem>>
    tpu.wait_dma2 semaphore(%dma_wait3A_163 : memref<!tpu.dma_semaphore, #tpu.memory_space<semaphore_mem>>) src(%dma_wait3A_171 : memref<8x128xf32, #tpu.memory_space<vmem>>) dst(%dma_wait3A_167 : memref<8x128xf32, #tpu.memory_space<hbm>>)
    %dma_wait3A_172 = arith.constant 0 : i32
    %dma_wait3A_173 = arith.constant 7 : i32
    %dma_wait3A_174 = arith.constant 0 : i32
    %dma_wait3A_175 = arith.constant 7 : i32
    %dma_wait3A_176 = arith.constant 0 : i32
    %dma_wait3A_177 = arith.constant 0 : i32
    %dma_wait3A_178 = arith.constant 0 : i32
    %dma_wait3A_179 = tpu.memref_slice %arg8[%dma_wait3A_172, %dma_wait3A_173, %dma_wait3A_177, %dma_wait3A_178] : memref<2x8x8x128xf32, #tpu.memory_space<vmem>> -> memref<1x1x8x128xf32, #tpu.memory_space<vmem>>
    %dma_wait3A_180 = tpu.memref_squeeze %dma_wait3A_179 : memref<1x1x8x128xf32, #tpu.memory_space<vmem>> -> memref<8x128xf32, #tpu.memory_space<vmem>>
    %dma_wait3A_181 = arith.constant 0 : i32
    %dma_wait3A_182 = arith.constant 0 : i32
    %dma_wait3A_183 = tpu.memref_slice %arg4[%dma_wait3A_174, %dma_wait3A_175, %add3A, %dma_wait3A_181, %dma_wait3A_182] : memref<200x8x32x8x128xf32, #tpu.memory_space<hbm>> -> memref<1x1x1x8x128xf32, #tpu.memory_space<hbm>>
    %dma_wait3A_184 = tpu.memref_squeeze %dma_wait3A_183 : memref<1x1x1x8x128xf32, #tpu.memory_space<hbm>> -> memref<8x128xf32, #tpu.memory_space<hbm>>
    %dma_wait3A_185 = tpu.memref_slice %arg9[%dma_wait3A_176] : memref<2x!tpu.dma_semaphore, #tpu.memory_space<semaphore_mem>> -> memref<1x!tpu.dma_semaphore, #tpu.memory_space<semaphore_mem>>
    %dma_wait3A_186 = tpu.memref_squeeze %dma_wait3A_185 : memref<1x!tpu.dma_semaphore, #tpu.memory_space<semaphore_mem>> -> memref<!tpu.dma_semaphore, #tpu.memory_space<semaphore_mem>>
    %dma_wait3A_187 = arith.constant 0 : i32
    %dma_wait3A_188 = arith.constant 0 : i32
    %dma_wait3A_189 = tpu.memref_slice %arg4[%dma_wait3A_174, %dma_wait3A_175, %add3A, %dma_wait3A_187, %dma_wait3A_188] : memref<200x8x32x8x128xf32, #tpu.memory_space<hbm>> -> memref<1x1x1x8x128xf32, #tpu.memory_space<hbm>>
    %dma_wait3A_190 = tpu.memref_squeeze %dma_wait3A_189 : memref<1x1x1x8x128xf32, #tpu.memory_space<hbm>> -> memref<8x128xf32, #tpu.memory_space<hbm>>
    %dma_wait3A_191 = arith.constant 0 : i32
    %dma_wait3A_192 = arith.constant 0 : i32
    %dma_wait3A_193 = tpu.memref_slice %arg8[%dma_wait3A_172, %dma_wait3A_173, %dma_wait3A_191, %dma_wait3A_192] : memref<2x8x8x128xf32, #tpu.memory_space<vmem>> -> memref<1x1x8x128xf32, #tpu.memory_space<vmem>>
    %dma_wait3A_194 = tpu.memref_squeeze %dma_wait3A_193 : memref<1x1x8x128xf32, #tpu.memory_space<vmem>> -> memref<8x128xf32, #tpu.memory_space<vmem>>
    tpu.wait_dma2 semaphore(%dma_wait3A_186 : memref<!tpu.dma_semaphore, #tpu.memory_space<semaphore_mem>>) src(%dma_wait3A_194 : memref<8x128xf32, #tpu.memory_space<vmem>>) dst(%dma_wait3A_190 : memref<8x128xf32, #tpu.memory_space<hbm>>)
    %dma_wait3A_195 = arith.constant 1 : i32
    %dma_wait3A_196 = arith.constant 0 : i32
    %dma_wait3A_197 = arith.constant 0 : i32
    %dma_wait3A_198 = arith.constant 0 : i32
    %dma_wait3A_199 = arith.constant 1 : i32
    %dma_wait3A_200 = arith.constant 0 : i32
    %dma_wait3A_201 = arith.constant 0 : i32
    %dma_wait3A_202 = tpu.memref_slice %arg8[%dma_wait3A_195, %dma_wait3A_196, %dma_wait3A_200, %dma_wait3A_201] : memref<2x8x8x128xf32, #tpu.memory_space<vmem>> -> memref<1x1x8x128xf32, #tpu.memory_space<vmem>>
    %dma_wait3A_203 = tpu.memref_squeeze %dma_wait3A_202 : memref<1x1x8x128xf32, #tpu.memory_space<vmem>> -> memref<8x128xf32, #tpu.memory_space<vmem>>
    %dma_wait3A_204 = arith.constant 0 : i32
    %dma_wait3A_205 = arith.constant 0 : i32
    %dma_wait3A_206 = tpu.memref_slice %arg4[%dma_wait3A_197, %dma_wait3A_198, %add3A, %dma_wait3A_204, %dma_wait3A_205] : memref<200x8x32x8x128xf32, #tpu.memory_space<hbm>> -> memref<1x1x1x8x128xf32, #tpu.memory_space<hbm>>
    %dma_wait3A_207 = tpu.memref_squeeze %dma_wait3A_206 : memref<1x1x1x8x128xf32, #tpu.memory_space<hbm>> -> memref<8x128xf32, #tpu.memory_space<hbm>>
    %dma_wait3A_208 = tpu.memref_slice %arg9[%dma_wait3A_199] : memref<2x!tpu.dma_semaphore, #tpu.memory_space<semaphore_mem>> -> memref<1x!tpu.dma_semaphore, #tpu.memory_space<semaphore_mem>>
    %dma_wait3A_209 = tpu.memref_squeeze %dma_wait3A_208 : memref<1x!tpu.dma_semaphore, #tpu.memory_space<semaphore_mem>> -> memref<!tpu.dma_semaphore, #tpu.memory_space<semaphore_mem>>
    %dma_wait3A_210 = arith.constant 0 : i32
    %dma_wait3A_211 = arith.constant 0 : i32
    %dma_wait3A_212 = tpu.memref_slice %arg4[%dma_wait3A_197, %dma_wait3A_198, %add3A, %dma_wait3A_210, %dma_wait3A_211] : memref<200x8x32x8x128xf32, #tpu.memory_space<hbm>> -> memref<1x1x1x8x128xf32, #tpu.memory_space<hbm>>
    %dma_wait3A_213 = tpu.memref_squeeze %dma_wait3A_212 : memref<1x1x1x8x128xf32, #tpu.memory_space<hbm>> -> memref<8x128xf32, #tpu.memory_space<hbm>>
    %dma_wait3A_214 = arith.constant 0 : i32
    %dma_wait3A_215 = arith.constant 0 : i32
    %dma_wait3A_216 = tpu.memref_slice %arg8[%dma_wait3A_195, %dma_wait3A_196, %dma_wait3A_214, %dma_wait3A_215] : memref<2x8x8x128xf32, #tpu.memory_space<vmem>> -> memref<1x1x8x128xf32, #tpu.memory_space<vmem>>
    %dma_wait3A_217 = tpu.memref_squeeze %dma_wait3A_216 : memref<1x1x8x128xf32, #tpu.memory_space<vmem>> -> memref<8x128xf32, #tpu.memory_space<vmem>>
    tpu.wait_dma2 semaphore(%dma_wait3A_209 : memref<!tpu.dma_semaphore, #tpu.memory_space<semaphore_mem>>) src(%dma_wait3A_217 : memref<8x128xf32, #tpu.memory_space<vmem>>) dst(%dma_wait3A_213 : memref<8x128xf32, #tpu.memory_space<hbm>>)
    %dma_wait3A_218 = arith.constant 1 : i32
    %dma_wait3A_219 = arith.constant 1 : i32
    %dma_wait3A_220 = arith.constant 0 : i32
    %dma_wait3A_221 = arith.constant 1 : i32
    %dma_wait3A_222 = arith.constant 1 : i32
    %dma_wait3A_223 = arith.constant 0 : i32
    %dma_wait3A_224 = arith.constant 0 : i32
    %dma_wait3A_225 = tpu.memref_slice %arg8[%dma_wait3A_218, %dma_wait3A_219, %dma_wait3A_223, %dma_wait3A_224] : memref<2x8x8x128xf32, #tpu.memory_space<vmem>> -> memref<1x1x8x128xf32, #tpu.memory_space<vmem>>
    %dma_wait3A_226 = tpu.memref_squeeze %dma_wait3A_225 : memref<1x1x8x128xf32, #tpu.memory_space<vmem>> -> memref<8x128xf32, #tpu.memory_space<vmem>>
    %dma_wait3A_227 = arith.constant 0 : i32
    %dma_wait3A_228 = arith.constant 0 : i32
    %dma_wait3A_229 = tpu.memref_slice %arg4[%dma_wait3A_220, %dma_wait3A_221, %add3A, %dma_wait3A_227, %dma_wait3A_228] : memref<200x8x32x8x128xf32, #tpu.memory_space<hbm>> -> memref<1x1x1x8x128xf32, #tpu.memory_space<hbm>>
    %dma_wait3A_230 = tpu.memref_squeeze %dma_wait3A_229 : memref<1x1x1x8x128xf32, #tpu.memory_space<hbm>> -> memref<8x128xf32, #tpu.memory_space<hbm>>
    %dma_wait3A_231 = tpu.memref_slice %arg9[%dma_wait3A_222] : memref<2x!tpu.dma_semaphore, #tpu.memory_space<semaphore_mem>> -> memref<1x!tpu.dma_semaphore, #tpu.memory_space<semaphore_mem>>
    %dma_wait3A_232 = tpu.memref_squeeze %dma_wait3A_231 : memref<1x!tpu.dma_semaphore, #tpu.memory_space<semaphore_mem>> -> memref<!tpu.dma_semaphore, #tpu.memory_space<semaphore_mem>>
    %dma_wait3A_233 = arith.constant 0 : i32
    %dma_wait3A_234 = arith.constant 0 : i32
    %dma_wait3A_235 = tpu.memref_slice %arg4[%dma_wait3A_220, %dma_wait3A_221, %add3A, %dma_wait3A_233, %dma_wait3A_234] : memref<200x8x32x8x128xf32, #tpu.memory_space<hbm>> -> memref<1x1x1x8x128xf32, #tpu.memory_space<hbm>>
    %dma_wait3A_236 = tpu.memref_squeeze %dma_wait3A_235 : memref<1x1x1x8x128xf32, #tpu.memory_space<hbm>> -> memref<8x128xf32, #tpu.memory_space<hbm>>
    %dma_wait3A_237 = arith.constant 0 : i32
    %dma_wait3A_238 = arith.constant 0 : i32
    %dma_wait3A_239 = tpu.memref_slice %arg8[%dma_wait3A_218, %dma_wait3A_219, %dma_wait3A_237, %dma_wait3A_238] : memref<2x8x8x128xf32, #tpu.memory_space<vmem>> -> memref<1x1x8x128xf32, #tpu.memory_space<vmem>>
    %dma_wait3A_240 = tpu.memref_squeeze %dma_wait3A_239 : memref<1x1x8x128xf32, #tpu.memory_space<vmem>> -> memref<8x128xf32, #tpu.memory_space<vmem>>
    tpu.wait_dma2 semaphore(%dma_wait3A_232 : memref<!tpu.dma_semaphore, #tpu.memory_space<semaphore_mem>>) src(%dma_wait3A_240 : memref<8x128xf32, #tpu.memory_space<vmem>>) dst(%dma_wait3A_236 : memref<8x128xf32, #tpu.memory_space<hbm>>)
    %dma_wait3A_241 = arith.constant 1 : i32
    %dma_wait3A_242 = arith.constant 2 : i32
    %dma_wait3A_243 = arith.constant 0 : i32
    %dma_wait3A_244 = arith.constant 2 : i32
    %dma_wait3A_245 = arith.constant 1 : i32
    %dma_wait3A_246 = arith.constant 0 : i32
    %dma_wait3A_247 = arith.constant 0 : i32
    %dma_wait3A_248 = tpu.memref_slice %arg8[%dma_wait3A_241, %dma_wait3A_242, %dma_wait3A_246, %dma_wait3A_247] : memref<2x8x8x128xf32, #tpu.memory_space<vmem>> -> memref<1x1x8x128xf32, #tpu.memory_space<vmem>>
    %dma_wait3A_249 = tpu.memref_squeeze %dma_wait3A_248 : memref<1x1x8x128xf32, #tpu.memory_space<vmem>> -> memref<8x128xf32, #tpu.memory_space<vmem>>
    %dma_wait3A_250 = arith.constant 0 : i32
    %dma_wait3A_251 = arith.constant 0 : i32
    %dma_wait3A_252 = tpu.memref_slice %arg4[%dma_wait3A_243, %dma_wait3A_244, %add3A, %dma_wait3A_250, %dma_wait3A_251] : memref<200x8x32x8x128xf32, #tpu.memory_space<hbm>> -> memref<1x1x1x8x128xf32, #tpu.memory_space<hbm>>
    %dma_wait3A_253 = tpu.memref_squeeze %dma_wait3A_252 : memref<1x1x1x8x128xf32, #tpu.memory_space<hbm>> -> memref<8x128xf32, #tpu.memory_space<hbm>>
    %dma_wait3A_254 = tpu.memref_slice %arg9[%dma_wait3A_245] : memref<2x!tpu.dma_semaphore, #tpu.memory_space<semaphore_mem>> -> memref<1x!tpu.dma_semaphore, #tpu.memory_space<semaphore_mem>>
    %dma_wait3A_255 = tpu.memref_squeeze %dma_wait3A_254 : memref<1x!tpu.dma_semaphore, #tpu.memory_space<semaphore_mem>> -> memref<!tpu.dma_semaphore, #tpu.memory_space<semaphore_mem>>
    %dma_wait3A_256 = arith.constant 0 : i32
    %dma_wait3A_257 = arith.constant 0 : i32
    %dma_wait3A_258 = tpu.memref_slice %arg4[%dma_wait3A_243, %dma_wait3A_244, %add3A, %dma_wait3A_256, %dma_wait3A_257] : memref<200x8x32x8x128xf32, #tpu.memory_space<hbm>> -> memref<1x1x1x8x128xf32, #tpu.memory_space<hbm>>
    %dma_wait3A_259 = tpu.memref_squeeze %dma_wait3A_258 : memref<1x1x1x8x128xf32, #tpu.memory_space<hbm>> -> memref<8x128xf32, #tpu.memory_space<hbm>>
    %dma_wait3A_260 = arith.constant 0 : i32
    %dma_wait3A_261 = arith.constant 0 : i32
    %dma_wait3A_262 = tpu.memref_slice %arg8[%dma_wait3A_241, %dma_wait3A_242, %dma_wait3A_260, %dma_wait3A_261] : memref<2x8x8x128xf32, #tpu.memory_space<vmem>> -> memref<1x1x8x128xf32, #tpu.memory_space<vmem>>
    %dma_wait3A_263 = tpu.memref_squeeze %dma_wait3A_262 : memref<1x1x8x128xf32, #tpu.memory_space<vmem>> -> memref<8x128xf32, #tpu.memory_space<vmem>>
    tpu.wait_dma2 semaphore(%dma_wait3A_255 : memref<!tpu.dma_semaphore, #tpu.memory_space<semaphore_mem>>) src(%dma_wait3A_263 : memref<8x128xf32, #tpu.memory_space<vmem>>) dst(%dma_wait3A_259 : memref<8x128xf32, #tpu.memory_space<hbm>>)
    %dma_wait3A_264 = arith.constant 1 : i32
    %dma_wait3A_265 = arith.constant 3 : i32
    %dma_wait3A_266 = arith.constant 0 : i32
    %dma_wait3A_267 = arith.constant 3 : i32
    %dma_wait3A_268 = arith.constant 1 : i32
    %dma_wait3A_269 = arith.constant 0 : i32
    %dma_wait3A_270 = arith.constant 0 : i32
    %dma_wait3A_271 = tpu.memref_slice %arg8[%dma_wait3A_264, %dma_wait3A_265, %dma_wait3A_269, %dma_wait3A_270] : memref<2x8x8x128xf32, #tpu.memory_space<vmem>> -> memref<1x1x8x128xf32, #tpu.memory_space<vmem>>
    %dma_wait3A_272 = tpu.memref_squeeze %dma_wait3A_271 : memref<1x1x8x128xf32, #tpu.memory_space<vmem>> -> memref<8x128xf32, #tpu.memory_space<vmem>>
    %dma_wait3A_273 = arith.constant 0 : i32
    %dma_wait3A_274 = arith.constant 0 : i32
    %dma_wait3A_275 = tpu.memref_slice %arg4[%dma_wait3A_266, %dma_wait3A_267, %add3A, %dma_wait3A_273, %dma_wait3A_274] : memref<200x8x32x8x128xf32, #tpu.memory_space<hbm>> -> memref<1x1x1x8x128xf32, #tpu.memory_space<hbm>>
    %dma_wait3A_276 = tpu.memref_squeeze %dma_wait3A_275 : memref<1x1x1x8x128xf32, #tpu.memory_space<hbm>> -> memref<8x128xf32, #tpu.memory_space<hbm>>
    %dma_wait3A_277 = tpu.memref_slice %arg9[%dma_wait3A_268] : memref<2x!tpu.dma_semaphore, #tpu.memory_space<semaphore_mem>> -> memref<1x!tpu.dma_semaphore, #tpu.memory_space<semaphore_mem>>
    %dma_wait3A_278 = tpu.memref_squeeze %dma_wait3A_277 : memref<1x!tpu.dma_semaphore, #tpu.memory_space<semaphore_mem>> -> memref<!tpu.dma_semaphore, #tpu.memory_space<semaphore_mem>>
    %dma_wait3A_279 = arith.constant 0 : i32
    %dma_wait3A_280 = arith.constant 0 : i32
    %dma_wait3A_281 = tpu.memref_slice %arg4[%dma_wait3A_266, %dma_wait3A_267, %add3A, %dma_wait3A_279, %dma_wait3A_280] : memref<200x8x32x8x128xf32, #tpu.memory_space<hbm>> -> memref<1x1x1x8x128xf32, #tpu.memory_space<hbm>>
    %dma_wait3A_282 = tpu.memref_squeeze %dma_wait3A_281 : memref<1x1x1x8x128xf32, #tpu.memory_space<hbm>> -> memref<8x128xf32, #tpu.memory_space<hbm>>
    %dma_wait3A_283 = arith.constant 0 : i32
    %dma_wait3A_284 = arith.constant 0 : i32
    %dma_wait3A_285 = tpu.memref_slice %arg8[%dma_wait3A_264, %dma_wait3A_265, %dma_wait3A_283, %dma_wait3A_284] : memref<2x8x8x128xf32, #tpu.memory_space<vmem>> -> memref<1x1x8x128xf32, #tpu.memory_space<vmem>>
    %dma_wait3A_286 = tpu.memref_squeeze %dma_wait3A_285 : memref<1x1x8x128xf32, #tpu.memory_space<vmem>> -> memref<8x128xf32, #tpu.memory_space<vmem>>
    tpu.wait_dma2 semaphore(%dma_wait3A_278 : memref<!tpu.dma_semaphore, #tpu.memory_space<semaphore_mem>>) src(%dma_wait3A_286 : memref<8x128xf32, #tpu.memory_space<vmem>>) dst(%dma_wait3A_282 : memref<8x128xf32, #tpu.memory_space<hbm>>)
    %dma_wait3A_287 = arith.constant 1 : i32
    %dma_wait3A_288 = arith.constant 4 : i32
    %dma_wait3A_289 = arith.constant 0 : i32
    %dma_wait3A_290 = arith.constant 4 : i32
    %dma_wait3A_291 = arith.constant 1 : i32
    %dma_wait3A_292 = arith.constant 0 : i32
    %dma_wait3A_293 = arith.constant 0 : i32
    %dma_wait3A_294 = tpu.memref_slice %arg8[%dma_wait3A_287, %dma_wait3A_288, %dma_wait3A_292, %dma_wait3A_293] : memref<2x8x8x128xf32, #tpu.memory_space<vmem>> -> memref<1x1x8x128xf32, #tpu.memory_space<vmem>>
    %dma_wait3A_295 = tpu.memref_squeeze %dma_wait3A_294 : memref<1x1x8x128xf32, #tpu.memory_space<vmem>> -> memref<8x128xf32, #tpu.memory_space<vmem>>
    %dma_wait3A_296 = arith.constant 0 : i32
    %dma_wait3A_297 = arith.constant 0 : i32
    %dma_wait3A_298 = tpu.memref_slice %arg4[%dma_wait3A_289, %dma_wait3A_290, %add3A, %dma_wait3A_296, %dma_wait3A_297] : memref<200x8x32x8x128xf32, #tpu.memory_space<hbm>> -> memref<1x1x1x8x128xf32, #tpu.memory_space<hbm>>
    %dma_wait3A_299 = tpu.memref_squeeze %dma_wait3A_298 : memref<1x1x1x8x128xf32, #tpu.memory_space<hbm>> -> memref<8x128xf32, #tpu.memory_space<hbm>>
    %dma_wait3A_300 = tpu.memref_slice %arg9[%dma_wait3A_291] : memref<2x!tpu.dma_semaphore, #tpu.memory_space<semaphore_mem>> -> memref<1x!tpu.dma_semaphore, #tpu.memory_space<semaphore_mem>>
    %dma_wait3A_301 = tpu.memref_squeeze %dma_wait3A_300 : memref<1x!tpu.dma_semaphore, #tpu.memory_space<semaphore_mem>> -> memref<!tpu.dma_semaphore, #tpu.memory_space<semaphore_mem>>
    %dma_wait3A_302 = arith.constant 0 : i32
    %dma_wait3A_303 = arith.constant 0 : i32
    %dma_wait3A_304 = tpu.memref_slice %arg4[%dma_wait3A_289, %dma_wait3A_290, %add3A, %dma_wait3A_302, %dma_wait3A_303] : memref<200x8x32x8x128xf32, #tpu.memory_space<hbm>> -> memref<1x1x1x8x128xf32, #tpu.memory_space<hbm>>
    %dma_wait3A_305 = tpu.memref_squeeze %dma_wait3A_304 : memref<1x1x1x8x128xf32, #tpu.memory_space<hbm>> -> memref<8x128xf32, #tpu.memory_space<hbm>>
    %dma_wait3A_306 = arith.constant 0 : i32
    %dma_wait3A_307 = arith.constant 0 : i32
    %dma_wait3A_308 = tpu.memref_slice %arg8[%dma_wait3A_287, %dma_wait3A_288, %dma_wait3A_306, %dma_wait3A_307] : memref<2x8x8x128xf32, #tpu.memory_space<vmem>> -> memref<1x1x8x128xf32, #tpu.memory_space<vmem>>
    %dma_wait3A_309 = tpu.memref_squeeze %dma_wait3A_308 : memref<1x1x8x128xf32, #tpu.memory_space<vmem>> -> memref<8x128xf32, #tpu.memory_space<vmem>>
    tpu.wait_dma2 semaphore(%dma_wait3A_301 : memref<!tpu.dma_semaphore, #tpu.memory_space<semaphore_mem>>) src(%dma_wait3A_309 : memref<8x128xf32, #tpu.memory_space<vmem>>) dst(%dma_wait3A_305 : memref<8x128xf32, #tpu.memory_space<hbm>>)
    %dma_wait3A_310 = arith.constant 1 : i32
    %dma_wait3A_311 = arith.constant 5 : i32
    %dma_wait3A_312 = arith.constant 0 : i32
    %dma_wait3A_313 = arith.constant 5 : i32
    %dma_wait3A_314 = arith.constant 1 : i32
    %dma_wait3A_315 = arith.constant 0 : i32
    %dma_wait3A_316 = arith.constant 0 : i32
    %dma_wait3A_317 = tpu.memref_slice %arg8[%dma_wait3A_310, %dma_wait3A_311, %dma_wait3A_315, %dma_wait3A_316] : memref<2x8x8x128xf32, #tpu.memory_space<vmem>> -> memref<1x1x8x128xf32, #tpu.memory_space<vmem>>
    %dma_wait3A_318 = tpu.memref_squeeze %dma_wait3A_317 : memref<1x1x8x128xf32, #tpu.memory_space<vmem>> -> memref<8x128xf32, #tpu.memory_space<vmem>>
    %dma_wait3A_319 = arith.constant 0 : i32
    %dma_wait3A_320 = arith.constant 0 : i32
    %dma_wait3A_321 = tpu.memref_slice %arg4[%dma_wait3A_312, %dma_wait3A_313, %add3A, %dma_wait3A_319, %dma_wait3A_320] : memref<200x8x32x8x128xf32, #tpu.memory_space<hbm>> -> memref<1x1x1x8x128xf32, #tpu.memory_space<hbm>>
    %dma_wait3A_322 = tpu.memref_squeeze %dma_wait3A_321 : memref<1x1x1x8x128xf32, #tpu.memory_space<hbm>> -> memref<8x128xf32, #tpu.memory_space<hbm>>
    %dma_wait3A_323 = tpu.memref_slice %arg9[%dma_wait3A_314] : memref<2x!tpu.dma_semaphore, #tpu.memory_space<semaphore_mem>> -> memref<1x!tpu.dma_semaphore, #tpu.memory_space<semaphore_mem>>
    %dma_wait3A_324 = tpu.memref_squeeze %dma_wait3A_323 : memref<1x!tpu.dma_semaphore, #tpu.memory_space<semaphore_mem>> -> memref<!tpu.dma_semaphore, #tpu.memory_space<semaphore_mem>>
    %dma_wait3A_325 = arith.constant 0 : i32
    %dma_wait3A_326 = arith.constant 0 : i32
    %dma_wait3A_327 = tpu.memref_slice %arg4[%dma_wait3A_312, %dma_wait3A_313, %add3A, %dma_wait3A_325, %dma_wait3A_326] : memref<200x8x32x8x128xf32, #tpu.memory_space<hbm>> -> memref<1x1x1x8x128xf32, #tpu.memory_space<hbm>>
    %dma_wait3A_328 = tpu.memref_squeeze %dma_wait3A_327 : memref<1x1x1x8x128xf32, #tpu.memory_space<hbm>> -> memref<8x128xf32, #tpu.memory_space<hbm>>
    %dma_wait3A_329 = arith.constant 0 : i32
    %dma_wait3A_330 = arith.constant 0 : i32
    %dma_wait3A_331 = tpu.memref_slice %arg8[%dma_wait3A_310, %dma_wait3A_311, %dma_wait3A_329, %dma_wait3A_330] : memref<2x8x8x128xf32, #tpu.memory_space<vmem>> -> memref<1x1x8x128xf32, #tpu.memory_space<vmem>>
    %dma_wait3A_332 = tpu.memref_squeeze %dma_wait3A_331 : memref<1x1x8x128xf32, #tpu.memory_space<vmem>> -> memref<8x128xf32, #tpu.memory_space<vmem>>
    tpu.wait_dma2 semaphore(%dma_wait3A_324 : memref<!tpu.dma_semaphore, #tpu.memory_space<semaphore_mem>>) src(%dma_wait3A_332 : memref<8x128xf32, #tpu.memory_space<vmem>>) dst(%dma_wait3A_328 : memref<8x128xf32, #tpu.memory_space<hbm>>)
    %dma_wait3A_333 = arith.constant 1 : i32
    %dma_wait3A_334 = arith.constant 6 : i32
    %dma_wait3A_335 = arith.constant 0 : i32
    %dma_wait3A_336 = arith.constant 6 : i32
    %dma_wait3A_337 = arith.constant 1 : i32
    %dma_wait3A_338 = arith.constant 0 : i32
    %dma_wait3A_339 = arith.constant 0 : i32
    %dma_wait3A_340 = tpu.memref_slice %arg8[%dma_wait3A_333, %dma_wait3A_334, %dma_wait3A_338, %dma_wait3A_339] : memref<2x8x8x128xf32, #tpu.memory_space<vmem>> -> memref<1x1x8x128xf32, #tpu.memory_space<vmem>>
    %dma_wait3A_341 = tpu.memref_squeeze %dma_wait3A_340 : memref<1x1x8x128xf32, #tpu.memory_space<vmem>> -> memref<8x128xf32, #tpu.memory_space<vmem>>
    %dma_wait3A_342 = arith.constant 0 : i32
    %dma_wait3A_343 = arith.constant 0 : i32
    %dma_wait3A_344 = tpu.memref_slice %arg4[%dma_wait3A_335, %dma_wait3A_336, %add3A, %dma_wait3A_342, %dma_wait3A_343] : memref<200x8x32x8x128xf32, #tpu.memory_space<hbm>> -> memref<1x1x1x8x128xf32, #tpu.memory_space<hbm>>
    %dma_wait3A_345 = tpu.memref_squeeze %dma_wait3A_344 : memref<1x1x1x8x128xf32, #tpu.memory_space<hbm>> -> memref<8x128xf32, #tpu.memory_space<hbm>>
    %dma_wait3A_346 = tpu.memref_slice %arg9[%dma_wait3A_337] : memref<2x!tpu.dma_semaphore, #tpu.memory_space<semaphore_mem>> -> memref<1x!tpu.dma_semaphore, #tpu.memory_space<semaphore_mem>>
    %dma_wait3A_347 = tpu.memref_squeeze %dma_wait3A_346 : memref<1x!tpu.dma_semaphore, #tpu.memory_space<semaphore_mem>> -> memref<!tpu.dma_semaphore, #tpu.memory_space<semaphore_mem>>
    %dma_wait3A_348 = arith.constant 0 : i32
    %dma_wait3A_349 = arith.constant 0 : i32
    %dma_wait3A_350 = tpu.memref_slice %arg4[%dma_wait3A_335, %dma_wait3A_336, %add3A, %dma_wait3A_348, %dma_wait3A_349] : memref<200x8x32x8x128xf32, #tpu.memory_space<hbm>> -> memref<1x1x1x8x128xf32, #tpu.memory_space<hbm>>
    %dma_wait3A_351 = tpu.memref_squeeze %dma_wait3A_350 : memref<1x1x1x8x128xf32, #tpu.memory_space<hbm>> -> memref<8x128xf32, #tpu.memory_space<hbm>>
    %dma_wait3A_352 = arith.constant 0 : i32
    %dma_wait3A_353 = arith.constant 0 : i32
    %dma_wait3A_354 = tpu.memref_slice %arg8[%dma_wait3A_333, %dma_wait3A_334, %dma_wait3A_352, %dma_wait3A_353] : memref<2x8x8x128xf32, #tpu.memory_space<vmem>> -> memref<1x1x8x128xf32, #tpu.memory_space<vmem>>
    %dma_wait3A_355 = tpu.memref_squeeze %dma_wait3A_354 : memref<1x1x8x128xf32, #tpu.memory_space<vmem>> -> memref<8x128xf32, #tpu.memory_space<vmem>>
    tpu.wait_dma2 semaphore(%dma_wait3A_347 : memref<!tpu.dma_semaphore, #tpu.memory_space<semaphore_mem>>) src(%dma_wait3A_355 : memref<8x128xf32, #tpu.memory_space<vmem>>) dst(%dma_wait3A_351 : memref<8x128xf32, #tpu.memory_space<hbm>>)
    %dma_wait3A_356 = arith.constant 1 : i32
    %dma_wait3A_357 = arith.constant 7 : i32
    %dma_wait3A_358 = arith.constant 0 : i32
    %dma_wait3A_359 = arith.constant 7 : i32
    %dma_wait3A_360 = arith.constant 1 : i32
    %dma_wait3A_361 = arith.constant 0 : i32
    %dma_wait3A_362 = arith.constant 0 : i32
    %dma_wait3A_363 = tpu.memref_slice %arg8[%dma_wait3A_356, %dma_wait3A_357, %dma_wait3A_361, %dma_wait3A_362] : memref<2x8x8x128xf32, #tpu.memory_space<vmem>> -> memref<1x1x8x128xf32, #tpu.memory_space<vmem>>
    %dma_wait3A_364 = tpu.memref_squeeze %dma_wait3A_363 : memref<1x1x8x128xf32, #tpu.memory_space<vmem>> -> memref<8x128xf32, #tpu.memory_space<vmem>>
    %dma_wait3A_365 = arith.constant 0 : i32
    %dma_wait3A_366 = arith.constant 0 : i32
    %dma_wait3A_367 = tpu.memref_slice %arg4[%dma_wait3A_358, %dma_wait3A_359, %add3A, %dma_wait3A_365, %dma_wait3A_366] : memref<200x8x32x8x128xf32, #tpu.memory_space<hbm>> -> memref<1x1x1x8x128xf32, #tpu.memory_space<hbm>>
    %dma_wait3A_368 = tpu.memref_squeeze %dma_wait3A_367 : memref<1x1x1x8x128xf32, #tpu.memory_space<hbm>> -> memref<8x128xf32, #tpu.memory_space<hbm>>
    %dma_wait3A_369 = tpu.memref_slice %arg9[%dma_wait3A_360] : memref<2x!tpu.dma_semaphore, #tpu.memory_space<semaphore_mem>> -> memref<1x!tpu.dma_semaphore, #tpu.memory_space<semaphore_mem>>
    %dma_wait3A_370 = tpu.memref_squeeze %dma_wait3A_369 : memref<1x!tpu.dma_semaphore, #tpu.memory_space<semaphore_mem>> -> memref<!tpu.dma_semaphore, #tpu.memory_space<semaphore_mem>>
    %dma_wait3A_371 = arith.constant 0 : i32
    %dma_wait3A_372 = arith.constant 0 : i32
    %dma_wait3A_373 = tpu.memref_slice %arg4[%dma_wait3A_358, %dma_wait3A_359, %add3A, %dma_wait3A_371, %dma_wait3A_372] : memref<200x8x32x8x128xf32, #tpu.memory_space<hbm>> -> memref<1x1x1x8x128xf32, #tpu.memory_space<hbm>>
    %dma_wait3A_374 = tpu.memref_squeeze %dma_wait3A_373 : memref<1x1x1x8x128xf32, #tpu.memory_space<hbm>> -> memref<8x128xf32, #tpu.memory_space<hbm>>
    %dma_wait3A_375 = arith.constant 0 : i32
    %dma_wait3A_376 = arith.constant 0 : i32
    %dma_wait3A_377 = tpu.memref_slice %arg8[%dma_wait3A_356, %dma_wait3A_357, %dma_wait3A_375, %dma_wait3A_376] : memref<2x8x8x128xf32, #tpu.memory_space<vmem>> -> memref<1x1x8x128xf32, #tpu.memory_space<vmem>>
    %dma_wait3A_378 = tpu.memref_squeeze %dma_wait3A_377 : memref<1x1x8x128xf32, #tpu.memory_space<vmem>> -> memref<8x128xf32, #tpu.memory_space<vmem>>
    tpu.wait_dma2 semaphore(%dma_wait3A_370 : memref<!tpu.dma_semaphore, #tpu.memory_space<semaphore_mem>>) src(%dma_wait3A_378 : memref<8x128xf32, #tpu.memory_space<vmem>>) dst(%dma_wait3A_374 : memref<8x128xf32, #tpu.memory_space<hbm>>)
    return
  }
}

</mosaic_0001>

<sc_bundles>
// kernel: _sc_lookup.3.cloned.1.call-start
scs
__scs_entry_jumppad:
0x0: {  	(pc) =	sbr.rel $0x88, $3  }
0x1: {  	(tag) =	ssettag $0x0;
	lr =	simm.s32 $0x1  }
0x2: {  	[smem:$0x3F9F] =	sst lr;
	_ =	strace $0xD0000000  }
0x3: {  	_ = 	snop  }
0x4: {  	_ = 	snop  }
0x5: {  	_ = 	snop  }
0x6: {  	_ = 	snop  }
0x7: {  	_ = 	snop  }
__scs_overlays_trampoline_lowered:
0x8: {  	[smem:$0x3FAE] =	sst s0  }
0x9: {  	[smem:$0x3FAF] =	sst s1  }
0xa: {  	[smem:$0x3FB0] =	sst s2  }
0xb: {  	[smem:$0x3FB1] =	sst s3  }
0xc: {  	[smem:$0x3FB2] =	sst s4  }
0xd: {  	[smem:$0x3FB3] =	sst s5  }
0xe: {  	[smem:$0x3FB4] =	sst s6  }
0xf: {  	[smem:$0x3FB5] =	sst s7  }
0x10: {  	[smem:$0x3FB6] =	sst s8  }
0x11: {  	[smem:$0x3FB7] =	sst s9;
	s0 =	simm.s32 @!p0 $0x0  }
0x12: {  	s1 =	sld [smem:$0x3F9D];
	s0 =	simm.s32 @p0 $0x1  }
0x13: {  	[smem:$0x3FB8] =	sst s0;
	s0 =	simm.s32 @!p1 $0x0  }
0x14: {  	s2 =	sld [smem:$0x3F9C];
	s0 =	simm.s32 @p1 $0x1  }
0x15: {  	[smem:$0x3FB9] =	sst s0;
	s0 =	simm.s32 @!p2 $0x0  }
0x16: {  	s3 =	sld [smem:$0x3FDB];
	s0 =	simm.s32 @p2 $0x1  }
0x17: {  	s4 =	simm.s32 $0x1BF5;
	[smem:$0x3FBB] =	sst s0  }
0x18: {  	s0 =	sld [smem:$0x3F9E];
	_ =	swait.ge [sflag:s4], $0x0  }
0x19: {  	s7 =	sld [smem:$0x3F9F]  }
0x1a: {  	s8 =	sadd.s32 $0xFFFFE003, lr  }
0x1b: {  	s9 =	sadd.s32 $0xFFFFFEF7, lr;
	s5 =	simm.s32 $0xFFFFFFFF;
	p2 =	slt.u32 s8, $0xFFFFF086  }
0x1c: {  	p1 =	slt.u32 s9, $0xF7A;
	s5 =	simm.s32 @!p2 $0x0  }
0x1d: {  	s5 =	simm.s32 @p1 $0x1;
	p0 =	seq.s32 s7, s2  }
0x1e: {  	s7 =	smul.u32 @!p0 $0xF7A, s2;
	p2 =	seq.s32 @!p0 s5, $0x0  }
0x1f: {  	s9 =	smul.u32 $0xF7A, s1;
	s8 =	simm.s32 @!p0 $0x1BF5;
	p2 =	por !p2, p0  }
0x20: {  	[sflag:s8] =	ssyncset.s32 @!p0 $0xFFFFF086;
	s6 =	sadd.s32 @!p0 s3, s7;
	s7 =	simm.s32 @!p0 $0x108  }
0x21: {  	s3 =	sadd.s32 s3, s9;
	s6 =	sadd.s32 @!p0 $0x88, s6;
	s7 =	simm.s32 @p2 $0x1082  }
0x22: {  	[simem:s7], [sflag:s8] =	dma.local @!p0 [hbm:s6], $0xF7A  }
0x23: {  	s9 =	sor.u32 $0xD0000000, s2;
	s6 =	simm.s32 $0x108;
	_ =	swait.ge @!p0 [sflag:s8], $0x0  }
0x24: {  	s3 =	sadd.s32 $0x88, s3;
	s6 =	simm.s32 @!p1 $0x1082;
	[sflag:s4] =	ssyncset.s32 $0xFFFFF086  }
0x25: {  	[simem:s6], [sflag:s4] =	dma.local [hbm:s3], $0xF7A  }
0x26: {  	[smem:$0x3F9F] =	sst s1;
	(tag) =	ssettag s2;
	_ =	strace s9  }
0x27: {  	s1 =	sld [smem:$0x3FAF]  }
0x28: {  	s2 =	sld [smem:$0x3FB0]  }
0x29: {  	s4 =	sld [smem:$0x3FB2]  }
0x2a: {  	p0 =	seq.s32 s5, $0x0;
	s5 =	sld [smem:$0x3FB3]  }
0x2b: {  	s6 =	sld [smem:$0x3FB4]  }
0x2c: {  	s7 =	sld [smem:$0x3FB5]  }
0x2d: {  	s3 =	simm.s32 $0x108;
	s8 =	sld [smem:$0x3FB6]  }
0x2e: {  	s3 =	simm.s32 @!p0 $0x1082;
	s9 =	sld [smem:$0x3FB7]  }
0x2f: {  	lr =	sadd.s32 s0, s3;
	s0 =	sld [smem:$0x3FAE]  }
0x30: {  	s3 =	sld [smem:$0x3FB1]  }
0x31: {  	[smem:$0x3FBA] =	sst s10  }
0x32: {  	s10 =	sld [smem:$0x3FB8];
	_ =	sdelay $0x3  }
0x33: {  	p0 =	seq.s32 s10, $0x1;
	s10 =	sld [smem:$0x3FBA];
	_ =	sdelay $0x3  }
0x34: {  	[smem:$0x3FBA] =	sst s10  }
0x35: {  	s10 =	sld [smem:$0x3FB9];
	_ =	sdelay $0x3  }
0x36: {  	p1 =	seq.s32 s10, $0x1;
	s10 =	sld [smem:$0x3FBA];
	_ =	sdelay $0x3  }
0x37: {  	[smem:$0x3FBA] =	sst s10  }
0x38: {  	s10 =	sld [smem:$0x3FBB]  }
0x39: {  	_ = 	snop;
	(pc) =	sbr.ind lr, $3  }
0x3a: {  	_ = 	snop  }
0x3b: {  	_ = 	snop  }
0x3c: {  	p2 =	seq.s32 s10, $0x1;
	s10 =	sld [smem:$0x3FBA]  }
0x3d: {  	_ =	shalt  }
0x3e: {  	_ =	shalt  }
0x3f: {  	_ =	shalt  }
0x40: {  	_ =	shalt  }
0x41: {  	_ =	shalt  }
0x42: {  	_ =	shalt  }
0x43: {  	_ =	shalt  }
0x44: {  	_ =	shalt  }
0x45: {  	_ =	shalt  }
0x46: {  	_ =	shalt  }
0x47: {  	_ =	shalt  }
0x48: {  	_ =	shalt  }
0x49: {  	_ =	shalt  }
0x4a: {  	_ =	shalt  }
0x4b: {  	_ =	shalt  }
0x4c: {  	_ =	shalt  }
0x4d: {  	_ =	shalt  }
0x4e: {  	_ =	shalt  }
0x4f: {  	_ =	shalt  }
0x50: {  	_ =	shalt  }
0x51: {  	_ =	shalt  }
0x52: {  	_ =	shalt  }
0x53: {  	_ =	shalt  }
0x54: {  	_ =	shalt  }
0x55: {  	_ =	shalt  }
0x56: {  	_ =	shalt  }
0x57: {  	_ =	shalt  }
0x58: {  	_ =	shalt  }
0x59: {  	_ =	shalt  }
0x5a: {  	_ =	shalt  }
0x5b: {  	_ =	shalt  }
0x5c: {  	_ =	shalt  }
0x5d: {  	_ =	shalt  }
0x5e: {  	_ =	shalt  }
0x5f: {  	_ =	shalt  }
0x60: {  	_ =	shalt  }
0x61: {  	_ =	shalt  }
0x62: {  	_ =	shalt  }
0x63: {  	_ =	shalt  }
0x64: {  	_ =	shalt  }
0x65: {  	_ =	shalt  }
0x66: {  	_ =	shalt  }
0x67: {  	_ =	shalt  }
0x68: {  	_ =	shalt  }
0x69: {  	_ =	shalt  }
0x6a: {  	_ =	shalt  }
0x6b: {  	_ =	shalt  }
0x6c: {  	_ =	shalt  }
0x6d: {  	_ =	shalt  }
0x6e: {  	_ =	shalt  }
0x6f: {  	_ =	shalt  }
0x70: {  	_ =	shalt  }
0x71: {  	_ =	shalt  }
0x72: {  	_ =	shalt  }
0x73: {  	_ =	shalt  }
0x74: {  	_ =	shalt  }
0x75: {  	_ =	shalt  }
0x76: {  	_ =	shalt  }
0x77: {  	_ =	shalt  }
0x78: {  	_ =	shalt  }
0x79: {  	_ =	shalt  }
0x7a: {  	_ =	shalt  }
0x7b: {  	_ =	shalt  }
0x7c: {  	_ =	shalt  }
0x7d: {  	_ =	shalt  }
0x7e: {  	_ =	shalt  }
0x7f: {  	_ =	shalt  }
0x80: {  	_ =	shalt  }
0x81: {  	_ =	shalt  }
0x82: {  	_ =	shalt  }
0x83: {  	_ =	shalt  }
0x84: {  	_ =	shalt  }
0x85: {  	_ =	shalt  }
0x86: {  	_ =	shalt  }
0x87: {  	_ =	shalt  }
.Lfunc_end0:
.L_simem_size_0:
called_computation_lowered:
.L_overlay_start_0:
0x88: {  	s2 =	sld [smem:$0x3FD9]  }
0x89: {  	s3 =	sld [smem:$0x3FFE];
	_ =	sdelay $0x1  }
0x8a: {  	s1 =	srdreg.scid  }
0x8b: {  	s0 =	sand.u32 $0x1, s1  }
0x8c: {  	s18 =	sshll.u32 s0, $0xA;
	s2 =	sadd.s32 s3, s2  }
0x8d: {  	s2 =	sadd.s32 s2, s18  }
0x8e: {  	[smem:$0x3FC6] =	sst s2  }
0x8f: {  	_ = 	snop  }
0x90: {  	s2 =	sld [smem:$0x3FC9]  }
0x91: {  	s19 =	sld [smem:$0x3FC8]  }
0x92: {  	s4 =	sld [smem:$0x3FD0];
	(tm) =	ssettm $0x1  }
0x93: {  	s5 =	sld [smem:$0x3FFB];
	_ =	sdelay $0x3  }
0x94: {  	_ =	strace s5  }
0x95: {  	s5 =	sld [smem:$0x3FFC];
	_ =	sdelay $0x3  }
0x96: {  	_ =	strace s5  }
0x97: {  	s5 =	sld [smem:$0x3FFD];
	_ =	sdelay $0x3  }
0x98: {  	_ =	strace s5  }
0x99: {  	_ =	strace $0x8FFFFFFF  }
0x9a: {  	s20 =	sld [smem:$0x3FDB];
	_ =	sdelay $0x1  }
0x9b: {  	s6 =	simm.s32 $_scs_section_size  }
0x9c: {  	s7 =	simm.s32 $_size__tile_overlayer_lowered;
	s8 =	simm.s32 $_tile_overlayer_lowered  }
0x9d: {  	s23 =	simm.s32 $0x1BFF;
	s22 =	sshll.u32 s8, $0x1;
	s5 =	sadd.s32 s6, s20  }
0x9e: {  	s9 =	simm.s32 $0x0;
	s21 =	sshll.u32 s7, $0x1;
	s7 =	sadd.s32 s22, s5  }
0x9f: {  	[timem:s9], [sflag:s23] =	dma.local [hbm:s7], s21  }
0xa0: {  	_ =	swait.ge [sflag:s23], s21  }
0xa1: {  	s6 =	ssub.s32 $0x0, s21;
	[sflag:s23] =	ssyncset.done $0x0  }
0xa2: {  	[sflag:s23] =	ssyncadd.s32 s6;
	_ =	sdelay $0x1  }
0xa3: {  	s24 =	simm.s32 $0x1B8B  }
0xa4: {  	_ =	swait.ge [sflag:s24], $0x1  }
0xa5: {  	[sflag:s24] =	ssyncset.done $0x0  }
0xa6: {  	s25 =	simm.s32 $0x1B8E;
	[sflag:s24] =	ssyncadd.s32 $0xFFFFFFFF  }
0xa7: {  	s26 =	simm.s32 $execute0_lowered;
	[smem:$0x3FD2] =	sst s25  }
0xa8: {  	s6 =	sshll.u32 s26, $0x1;
	_ =	strace $0x80000046;
	[dreg:$0x1] =	wrdreg $0xFFFFFFFF  }
0xa9: {  	s28 =	simm.s32 $_size_execute0_lowered;
	s5 =	sadd.s32 s5, s6;
	[dreg:$0x0] =	wrdreg $0x0  }
0xaa: {  	s6 =	sshll.u32 s28, $0x1;
	[dreg:$0x2] =	wrdreg s5  }
0xab: {  	[dreg:$0x3] =	wrdreg s6  }
0xac: {  	[dreg:$0x4] =	wrdreg $0xC0  }
0xad: {  	_ =	task [dreg:s9], $0x5FFFF  }
0xae: {  	[dreg:$0x1] =	wrdreg $0xFFFFFFFF  }
0xaf: {  	[dreg:$0x0] =	wrdreg $0x60  }
0xb0: {  	[dreg:$0x2] =	wrdreg s2  }
0xb1: {  	[dreg:$0x3] =	wrdreg s19  }
0xb2: {  	[dreg:$0x4] =	wrdreg s4  }
0xb3: {  	[dreg:$0x5] =	wrdreg $0x9  }
0xb4: {  	_ =	task.clear_ibuf [dreg:s9], $0x6FFFF;
	_ =	strace $0x90000046  }
0xb5: {  	s29 =	simm.s32 $0x9;
	_ =	strace $0x80000048  }
0xb6: {  	_ =	swait.ge [sflag:s29], $0x1  }
0xb7: {  	[sflag:s29] =	ssyncadd.s32 $0xFFFFFFFF  }
0xb8: {  	_ =	strace $0x90000048  }
0xb9: {  	_ =	sfence  }
0xba: {  	s30 =	sld [smem:$0x0];
	_ =	sdelay $0x2  }
0xbb: {  	s31 =	sshll.u32 s1, $0xD;
	s1 =	sshrl.u32 s1, $0x2  }
0xbc: {  	s3 =	sand.u32 $0x4000, s31;
	s1 =	sadd.s32 s1, s30  }
0xbd: {  	s0 =	sor.u32 s3, s0;
	s1 =	sshll.u32 s1, $0x11  }
0xbe: {  	s0 =	sor.u32 s1, s0  }
0xbf: {  	s0 =	sadd.s32 $0x8F2B, s0  }
0xc0: {  	[sflag:s0] =	ssyncadd.remote.s32 $0x1  }
0xc1: {  	_ =	sfence.sel $0xFFFF  }
0xc2: {  	[dreg:$0x0] =	wrdreg $0xFFFFFFFF;
	(pc) =	sbr.abs _section_cstart, $3  }
0xc3: {  	[dreg:$0x1] =	wrdreg $0xFFFFFFFF  }
0xc4: {  	_ =	task.clear_ibuf [dreg:s9], $0x2FFFF;
	_ =	strace $0x9FFFFFFF  }
0xc5: {  	(tm) =	ssettm $0x7FFFFFFF  }
tec
execute0_lowered:
.L_overlay_start_1:
0x0: {  	(tag) =	ssettag $0x1  }
0x1: {  	s1 =	rddreg [dreg:$0x0]  }
0x2: {  	s4 =	rddreg [dreg:$0x1]  }
0x3: {  	s5 =	rddreg [dreg:$0x2];
	s2 =	simm.s32 $0x0  }
0x4: {  	[smem:$0x7FF] =	sst s2  }
0x5: {  	s0 =	rddreg [dreg:$0x3];
	v0 =	vimm.f32 $8.640000000e+04;
	_ =	strace $0x80000047  }
0x6: {  	(erf) = vrcp.f32 v0;
	v0 =	vimm.f32 $2.000000000e+02  }
0x7: {  	(erf) = vrcp.f32 v0;
	_ =	sdelay $0x1  }
0x8: {  	s6 =	srdreg.scid;
	s3 =	stileid.u32  }
0x9: {  	s11 =	simm.s32 $0x12E10;
	s12 =	simm.s32 $0x1;
	s13 =	simm.s32 $0x2  }
0xa: {  	s14 =	simm.s32 $0x0;
	s6 =	sand.u32 $0x1, s6;
	s7 =	sshll.u32 s3, $0x1  }
0xb: {  	s9 =	sshll.u32 s3, $0x8;
	s7 =	sor.u32 s6, s7;
	s8 =	ssub.s32 $0x2, s6  }
0xc: {  	s5 =	sadd.s32 s9, s5;
	s6 =	sshll.u32 s6, $0x7;
	s7 =	smul.u32 $0xC80, s7  }
0xd: {  	s9 =	simm.s32 $0x3;
	s10 =	sshrl.u32 s8, $0x1;
	s5 =	sadd.s32 s6, s5  }
0xe: {  	v1 =	vlaneseq.u32;
	s8 =	ssub.s32 s8, s10;
	s10 =	simm.s32 $0x8;
	s4 =	sadd.s32 s4, s7;
	v0 =	vpop (erf)  }
0xf: {  	v3 =	vand.u32 $0x7, v1;
	s6 =	smax.u32 s8, $0x1;
	s7 =	sadd.s32 $0x8000, s5;
	s8 =	simm.s32 $0x6410;
	v2 =	vpop (erf)  }
.LBB2_1:
0x10: {  	[tilespmem:s8], [sflag:$0x3] =	stream.linear.gather [hbm4b:s1+s2], $0xCA00, $0x38;
	[tilespmem:$0x1D2E0] =	vst v63  }
0x11: {  	_ =	swait.ge [sflag:s9], $0xCA00  }
0x12: {  	[sflag:s9] =	ssyncset.done $0x0  }
0x13: {  	[sflag:s9] =	ssyncadd.s32 $0xFFFF3600  }
0x14: {  	[tilespmem:s10], [sflag:$0x3] =	stream.linear.gather [hbm4b:s4+s2], $0x6400, $0x38;
	[tilespmem:$0x1D2E0] =	vst v63  }
0x15: {  	_ =	swait.ge [sflag:s9], $0x6400  }
0x16: {  	[sflag:s9] =	ssyncset.done $0x0  }
0x17: {  	s16 =	simm.s32 $0x17;
	[sflag:s9] =	ssyncadd.s32 $0xFFFF9C00  }
0x18: {  	v4 =	vld [tilespmem:s16+$0x1]  }
0x19: {  	s15 =	simm.s32 $0x10;
	v5 =	vld [tilespmem:s16+$0x0]  }
0x1a: {  	v8 =	vor.u32 s15, v1;
	v6 =	vld [tilespmem:s16+$0xFFFFFFF1]  }
0x1b: {  	s17 =	simm.s32 $0x0;
	v9 =	vmulhi.u32 $0x51EB851F, v8;
	v7 =	vld [tilespmem:s16+$0xFFFFFFF0]  }
0x1c: {  	v10 =	vor.u32 s17, v1  }
0x1d: {  	v11 =	vmulhi.u32 $0x51EB851F, v10;
	v9 =	vshrl.u32 v9, $0x6  }
0x1e: {  	v4 =	vsub.s32 v4, v5;
	v5 =	vmul.u32 $0xC8, v9  }
0x1f: {  	v9 =	vshrl.u32 v11, $0x6;
	v4 =	vcvt.s32.f32 v4  }
0x20: {  	v6 =	vsub.s32 v6, v7;
	v7 =	vmul.u32 $0xC8, v9;
	v9 =	vcvt.s32.f32 v5  }
0x21: {  	v6 =	vcvt.s32.f32 v6;
	v11 =	vmul.f32 v4, v0  }
0x22: {  	v12 =	vsub.s32 v10, v7;
	v7 =	vcvt.s32.f32 v7;
	v9 =	vmul.f32 v9, v2  }
0x23: {  	v5 =	vsub.s32 v8, v5;
	v6 =	vmul.f32 v6, v0;
	v10 =	vmul.f32 $1.000000000e+02, v11  }
0x24: {  	v4 =	vmul.u32 $0x81, v12;
	v7 =	vmul.f32 v7, v2;
	v8 =	vtrunc.f32 v9  }
0x25: {  	v9 =	vmul.u32 $0x81, v5;
	v11 =	vtrunc.f32 v10;
	v8 =	vcvt.f32.s32 v8  }
0x26: {  	s17 =	simm.s32 $0x37;
	s16 =	simm.s32 $0x0;
	vm0 =	veq.s32 v12, $0x0;
	v10 =	vmul.f32 $1.000000000e+02, v6;
	v6 =	vcvt.f32.s32 v11  }
.LBB2_2:
0x27: {  	v11 =	vld [tilespmem:s17+$0x1];
	v7 =	vtrunc.f32 v7;
	v8 =	vadd.s32 v8, v9  }
0x28: {  	s16 =	sadd.s32 $0x2, s16;
	s15 =	sadd.s32 $0x20, s15;
	v9 =	vld [tilespmem:s17+$0x0];
	v10 =	vtrunc.f32 v10;
	v7 =	vcvt.f32.s32 v7;
	vm1 =	vgt.s32 v6, $0x0  }
0x29: {  	s18 =	sadd.s32 $0xFFFFFFF0, s15;
	v13 =	vor.u32 s15, v1;
	p0 =	slt.u32 s16, $0x63E;
	v12 =	vld [tilespmem:s17+$0xFFFFFFF1];
	v10 =	vcvt.f32.s32 v10;
	v6 =	vnsel vm1, $0x0, v6  }
0x2a: {  	v15 =	vmulhi.u32 $0x51EB851F, v13;
	vm1 =	veq.s32 v5, $0x0;
	v14 =	vld [tilespmem:s17+$0xFFFFFFF0];
	v6 =	vmin.u32 v6, $0x64  }
0x2b: {  	v5 =	vor.u32 s18, v1;
	vm2 =	vgt.s32 v10, $0x0;
	v6 =	vsel vm1, $0x0, v6  }
0x2c: {  	v16 =	vmulhi.u32 $0x51EB851F, v5;
	v15 =	vshrl.u32 v15, $0x6;
	v10 =	vnsel vm2, $0x0, v10;
	[tilespmem:v8+s11+$0x0] =	vst.idx.msk $0xffff, v6  }
0x2d: {  	v8 =	vmul.u32 $0xC8, v15;
	v6 =	vsub.s32 v11, v9;
	v9 =	vmin.u32 v10, $0x64  }
0x2e: {  	v10 =	vshrl.u32 v16, $0x6;
	v6 =	vcvt.s32.f32 v6;
	v11 =	vsel vm0, $0x0, v9  }
0x2f: {  	v10 =	vmul.u32 $0xC8, v10;
	v9 =	vsub.s32 v12, v14;
	v12 =	vcvt.s32.f32 v8  }
0x30: {  	v14 =	vadd.s32 v7, v4;
	v9 =	vcvt.s32.f32 v9;
	v6 =	vmul.f32 v6, v0  }
.Ltmp0:
0x31: {  	v15 =	vsub.s32 v5, v10;
	v5 =	vcvt.s32.f32 v10;
	v10 =	vmul.f32 v12, v2;
	(pc) =	sbr.rel @p0 .LBB2_2-.Ltmp0, $4  }
0x32: {  	v4 =	vmul.u32 $0x81, v15;
	v12 =	vmul.f32 v9, v0;
	v6 =	vmul.f32 $1.000000000e+02, v6  }
0x33: {  	v7 =	vmul.f32 v5, v2;
	v5 =	vsub.s32 v13, v8;
	v8 =	vtrunc.f32 v10  }
0x34: {  	v9 =	vmul.u32 $0x81, v5;
	v6 =	vtrunc.f32 v6;
	v8 =	vcvt.f32.s32 v8  }
0x35: {  	s17 =	sadd.s32 $0x20, s17;
	vm0 =	veq.s32 v15, $0x0;
	v10 =	vmul.f32 $1.000000000e+02, v12;
	v6 =	vcvt.f32.s32 v6;
	[tilespmem:v14+s11+$0x0] =	vst.idx.msk $0xffff, v11  }
0x36: {  	v7 =	vtrunc.f32 v7  }
0x37: {  	v10 =	vtrunc.f32 v10;
	v7 =	vcvt.f32.s32 v7  }
0x38: {  	v8 =	vadd.s32 v8, v9;
	v63 =	vcvt.f32.s32 v10  }
0x39: {  	vm1 =	vgt.s32 v6, $0x0;
	v4 =	vadd.s32 v7, v4  }
0x3a: {  	v6 =	vnsel vm1, $0x0, v6;
	vm15 =	vgt.s32 v63, $0x0  }
0x3b: {  	vm2 =	veq.s32 v5, $0x0;
	v6 =	vmin.u32 v6, $0x64;
	v5 =	vnsel vm15, $0x0, v63  }
0x3c: {  	v6 =	vsel vm2, $0x0, v6;
	v5 =	vmin.u32 v5, $0x64  }
0x3d: {  	[tilespmem:v8+s11+$0x0] =	vst.idx.msk $0xffff, v6;
	v5 =	vsel vm0, $0x0, v5  }
0x3e: {  	s15 =	simm.s32 $0x0;
	s16 =	smov.u32 s7;
	s17 =	smov.u32 s5;
	[tilespmem:v4+s11+$0x0] =	vst.idx.msk $0xffff, v5  }
.LBB2_4:
0x3f: {  	p0 =	seq.s32 s15, $0x0  }
0x40: {  	s18 =	simm.s32 @!p0 $0x1  }
0x41: {  	_ =	swait.ge @!p0 [sflag:s18], $0x400  }
0x42: {  	[sflag:s18] =	ssyncset.done @!p0 $0x0  }
0x43: {  	[sflag:s18] =	ssyncadd.s32 @!p0 $0xFFFFFC00  }
0x44: {  	_ =	swait.ge @!p0 [sflag:s18], $0x400  }
0x45: {  	[sflag:s18] =	ssyncset.done @!p0 $0x0  }
0x46: {  	[sflag:s18] =	ssyncadd.s32 @!p0 $0xFFFFFC00  }
0x47: {  	_ =	swait.ge @!p0 [sflag:s18], $0x400  }
0x48: {  	[sflag:s18] =	ssyncset.done @!p0 $0x0  }
0x49: {  	[sflag:s18] =	ssyncadd.s32 @!p0 $0xFFFFFC00  }
0x4a: {  	_ =	swait.ge @!p0 [sflag:s18], $0x400  }
0x4b: {  	[sflag:s18] =	ssyncset.done @!p0 $0x0  }
0x4c: {  	[sflag:s18] =	ssyncadd.s32 @!p0 $0xFFFFFC00  }
0x4d: {  	_ =	swait.ge @!p0 [sflag:s18], $0x400  }
0x4e: {  	[sflag:s18] =	ssyncset.done @!p0 $0x0  }
0x4f: {  	[sflag:s18] =	ssyncadd.s32 @!p0 $0xFFFFFC00  }
0x50: {  	_ =	swait.ge @!p0 [sflag:s18], $0x400  }
0x51: {  	[sflag:s18] =	ssyncset.done @!p0 $0x0  }
0x52: {  	[sflag:s18] =	ssyncadd.s32 @!p0 $0xFFFFFC00  }
0x53: {  	_ =	swait.ge @!p0 [sflag:s18], $0x400  }
0x54: {  	[sflag:s18] =	ssyncset.done @!p0 $0x0  }
0x55: {  	[sflag:s18] =	ssyncadd.s32 @!p0 $0xFFFFFC00  }
0x56: {  	_ =	swait.ge @!p0 [sflag:s18], $0x400  }
0x57: {  	s19 =	smul.u32 $0x102, s15;
	[sflag:s18] =	ssyncset.done @!p0 $0x0  }
0x58: {  	[sflag:s18] =	ssyncadd.s32 @!p0 $0xFFFFFC00  }
0x59: {  	s31 =	sand.u32 $0x7FFE, s19;
	v4 =	vld [tilespmem:s19+$0x12E10]  }
0x5a: {  	v5 =	vld [tilespmem:s31+$0x12E20]  }
0x5b: {  	v6 =	vld [tilespmem:s31+$0x12E30]  }
0x5c: {  	v7 =	vld [tilespmem:s31+$0x12E40]  }
0x5d: {  	v8 =	vld [tilespmem:s31+$0x12E50]  }
0x5e: {  	v9 =	vld [tilespmem:s31+$0x12E60]  }
0x5f: {  	v10 =	vld [tilespmem:s31+$0x12E70]  }
0x60: {  	v11 =	vld [tilespmem:s31+$0x12E80];
	_ =	sdelay $0x1  }
0x61: {  	v4 =	vshll.u32 v4, $0x3  }
0x62: {  	v5 =	vshll.u32 v5, $0x3;
	v6 =	vshll.u32 v6, $0x3;
	v7 =	vshll.u32 v7, $0x3  }
0x63: {  	v8 =	vshll.u32 v8, $0x3;
	v9 =	vshll.u32 v9, $0x3;
	v10 =	vshll.u32 v10, $0x3  }
0x64: {  	v11 =	vshll.u32 v11, $0x3;
	v4 =	vor.u32 v3, v4;
	v5 =	vor.u32 v3, v5  }
0x65: {  	s20 =	simm.s32 $0x192E0;
	v6 =	vor.u32 v3, v6;
	v7 =	vor.u32 v3, v7;
	v8 =	vor.u32 v3, v8  }
0x66: {  	s21 =	smov.u32 s17;
	s18 =	sshll.u32 s15, $0x1;
	s19 =	simm.s32 $0x1618;
	v9 =	vor.u32 v3, v9;
	v10 =	vor.u32 v3, v10;
	v11 =	vor.u32 v3, v11  }
.LBB2_5:
0x67: {  	s22 =	sadd.s32 $0xFFFFE9E8, s19  }
0x68: {  	v12 =	vadd.s32 s22, v4  }
0x69: {  	v13 =	vadd.s32 s22, v5  }
0x6a: {  	v14 =	vadd.s32 s22, v6  }
0x6b: {  	v15 =	vadd.s32 s22, v7  }
0x6c: {  	v16 =	vadd.s32 s22, v8  }
0x6d: {  	v17 =	vadd.s32 s22, v9;
	v12 =	vld.idx.msk [tilespmem:v12+s8+$0x0], $0xffff  }
0x6e: {  	v18 =	vadd.s32 s22, v10;
	v13 =	vld.idx.msk [tilespmem:v13+s8+$0x0], $0xffff  }
0x6f: {  	v19 =	vadd.s32 s22, v11;
	v14 =	vld.idx.msk [tilespmem:v14+s8+$0x0], $0xffff  }
0x70: {  	v15 =	vld.idx.msk [tilespmem:v15+s8+$0x0], $0xffff  }
0x71: {  	v16 =	vld.idx.msk [tilespmem:v16+s8+$0x0], $0xffff  }
0x72: {  	v17 =	vld.idx.msk [tilespmem:v17+s8+$0x0], $0xffff  }
0x73: {  	v18 =	vld.idx.msk [tilespmem:v18+s8+$0x0], $0xffff  }
0x74: {  	v19 =	vld.idx.msk [tilespmem:v19+s8+$0x0], $0xffff;
	[tilespmem:s20+$0x0] =	vst v12  }
0x75: {  	[tilespmem:s20+$0x10] =	vst v13  }
0x76: {  	s25 =	sadd.s32 $0xFFFFED10, s19;
	[tilespmem:s20+$0x20] =	vst v14  }
0x77: {  	v51 =	vadd.s32 s25, v4;
	[tilespmem:s20+$0x30] =	vst v15  }
0x78: {  	v52 =	vadd.s32 s25, v5;
	[tilespmem:s20+$0x40] =	vst v16  }
0x79: {  	v53 =	vadd.s32 s25, v6;
	[tilespmem:s20+$0x50] =	vst v17  }
0x7a: {  	v54 =	vadd.s32 s25, v7;
	[tilespmem:s20+$0x60] =	vst v18  }
0x7b: {  	v55 =	vadd.s32 s25, v8;
	[tilespmem:s20+$0x70] =	vst v19  }
0x7c: {  	v56 =	vadd.s32 s25, v9;
	v12 =	vld.idx.msk [tilespmem:v51+s8+$0x0], $0xffff  }
0x7d: {  	v57 =	vadd.s32 s25, v10;
	v13 =	vld.idx.msk [tilespmem:v52+s8+$0x0], $0xffff  }
0x7e: {  	v58 =	vadd.s32 s25, v11;
	v14 =	vld.idx.msk [tilespmem:v53+s8+$0x0], $0xffff  }
0x7f: {  	v15 =	vld.idx.msk [tilespmem:v54+s8+$0x0], $0xffff  }
0x80: {  	v16 =	vld.idx.msk [tilespmem:v55+s8+$0x0], $0xffff  }
0x81: {  	v17 =	vld.idx.msk [tilespmem:v56+s8+$0x0], $0xffff  }
0x82: {  	v18 =	vld.idx.msk [tilespmem:v57+s8+$0x0], $0xffff  }
0x83: {  	v19 =	vld.idx.msk [tilespmem:v58+s8+$0x0], $0xffff;
	[tilespmem:s20+$0x80] =	vst v12  }
0x84: {  	[tilespmem:s20+$0x90] =	vst v13  }
0x85: {  	s26 =	sadd.s32 $0xFFFFF038, s19;
	[tilespmem:s20+$0xA0] =	vst v14  }
0x86: {  	v59 =	vadd.s32 s26, v4;
	[tilespmem:s20+$0xB0] =	vst v15  }
0x87: {  	v60 =	vadd.s32 s26, v5;
	[tilespmem:s20+$0xC0] =	vst v16  }
0x88: {  	v61 =	vadd.s32 s26, v6;
	[tilespmem:s20+$0xD0] =	vst v17  }
0x89: {  	v62 =	vadd.s32 s26, v7;
	[tilespmem:s20+$0xE0] =	vst v18  }
0x8a: {  	v63 =	vadd.s32 s26, v8;
	[tilespmem:s20+$0xF0] =	vst v19  }
0x8b: {  	v21 =	vadd.s32 s26, v9;
	v12 =	vld.idx.msk [tilespmem:v59+s8+$0x0], $0xffff  }
0x8c: {  	v22 =	vadd.s32 s26, v10;
	v13 =	vld.idx.msk [tilespmem:v60+s8+$0x0], $0xffff  }
0x8d: {  	v23 =	vadd.s32 s26, v11;
	v14 =	vld.idx.msk [tilespmem:v61+s8+$0x0], $0xffff  }
0x8e: {  	v15 =	vld.idx.msk [tilespmem:v62+s8+$0x0], $0xffff  }
0x8f: {  	v16 =	vld.idx.msk [tilespmem:v63+s8+$0x0], $0xffff  }
0x90: {  	v17 =	vld.idx.msk [tilespmem:v21+s8+$0x0], $0xffff  }
0x91: {  	v18 =	vld.idx.msk [tilespmem:v22+s8+$0x0], $0xffff  }
0x92: {  	v19 =	vld.idx.msk [tilespmem:v23+s8+$0x0], $0xffff;
	[tilespmem:s20+$0x100] =	vst v12  }
0x93: {  	[tilespmem:s20+$0x110] =	vst v13  }
0x94: {  	s28 =	sadd.s32 $0xFFFFF360, s19;
	[tilespmem:s20+$0x120] =	vst v14  }
0x95: {  	v24 =	vadd.s32 s28, v4;
	[tilespmem:s20+$0x130] =	vst v15  }
0x96: {  	v25 =	vadd.s32 s28, v5;
	[tilespmem:s20+$0x140] =	vst v16  }
0x97: {  	v26 =	vadd.s32 s28, v6;
	[tilespmem:s20+$0x150] =	vst v17  }
0x98: {  	v27 =	vadd.s32 s28, v7;
	[tilespmem:s20+$0x160] =	vst v18  }
0x99: {  	v28 =	vadd.s32 s28, v8;
	[tilespmem:s20+$0x170] =	vst v19  }
0x9a: {  	v29 =	vadd.s32 s28, v9;
	v12 =	vld.idx.msk [tilespmem:v24+s8+$0x0], $0xffff  }
0x9b: {  	v30 =	vadd.s32 s28, v10;
	v13 =	vld.idx.msk [tilespmem:v25+s8+$0x0], $0xffff  }
0x9c: {  	v31 =	vadd.s32 s28, v11;
	v14 =	vld.idx.msk [tilespmem:v26+s8+$0x0], $0xffff  }
0x9d: {  	v15 =	vld.idx.msk [tilespmem:v27+s8+$0x0], $0xffff  }
0x9e: {  	v16 =	vld.idx.msk [tilespmem:v28+s8+$0x0], $0xffff  }
0x9f: {  	v17 =	vld.idx.msk [tilespmem:v29+s8+$0x0], $0xffff  }
0xa0: {  	v18 =	vld.idx.msk [tilespmem:v30+s8+$0x0], $0xffff  }
0xa1: {  	v19 =	vld.idx.msk [tilespmem:v31+s8+$0x0], $0xffff;
	[tilespmem:s20+$0x180] =	vst v12  }
0xa2: {  	[tilespmem:s20+$0x190] =	vst v13  }
0xa3: {  	s29 =	sadd.s32 $0xFFFFF688, s19;
	[tilespmem:s20+$0x1A0] =	vst v14  }
0xa4: {  	v32 =	vadd.s32 s29, v4;
	[tilespmem:s20+$0x1B0] =	vst v15  }
0xa5: {  	v33 =	vadd.s32 s29, v5;
	[tilespmem:s20+$0x1C0] =	vst v16  }
0xa6: {  	v34 =	vadd.s32 s29, v6;
	[tilespmem:s20+$0x1D0] =	vst v17  }
0xa7: {  	v35 =	vadd.s32 s29, v7;
	[tilespmem:s20+$0x1E0] =	vst v18  }
0xa8: {  	v36 =	vadd.s32 s29, v8;
	[tilespmem:s20+$0x1F0] =	vst v19  }
0xa9: {  	v37 =	vadd.s32 s29, v9;
	v12 =	vld.idx.msk [tilespmem:v32+s8+$0x0], $0xffff  }
0xaa: {  	v38 =	vadd.s32 s29, v10;
	v13 =	vld.idx.msk [tilespmem:v33+s8+$0x0], $0xffff  }
0xab: {  	v39 =	vadd.s32 s29, v11;
	v14 =	vld.idx.msk [tilespmem:v34+s8+$0x0], $0xffff  }
0xac: {  	v15 =	vld.idx.msk [tilespmem:v35+s8+$0x0], $0xffff  }
0xad: {  	v16 =	vld.idx.msk [tilespmem:v36+s8+$0x0], $0xffff  }
0xae: {  	v17 =	vld.idx.msk [tilespmem:v37+s8+$0x0], $0xffff  }
0xaf: {  	v18 =	vld.idx.msk [tilespmem:v38+s8+$0x0], $0xffff  }
0xb0: {  	v19 =	vld.idx.msk [tilespmem:v39+s8+$0x0], $0xffff;
	[tilespmem:s20+$0x200] =	vst v12  }
0xb1: {  	[tilespmem:s20+$0x210] =	vst v13  }
0xb2: {  	s30 =	sadd.s32 $0xFFFFF9B0, s19;
	[tilespmem:s20+$0x220] =	vst v14  }
0xb3: {  	v40 =	vadd.s32 s30, v4;
	[tilespmem:s20+$0x230] =	vst v15  }
0xb4: {  	v41 =	vadd.s32 s30, v5;
	[tilespmem:s20+$0x240] =	vst v16  }
0xb5: {  	v42 =	vadd.s32 s30, v6;
	[tilespmem:s20+$0x250] =	vst v17  }
0xb6: {  	v43 =	vadd.s32 s30, v7;
	[tilespmem:s20+$0x260] =	vst v18  }
0xb7: {  	v44 =	vadd.s32 s30, v8;
	[tilespmem:s20+$0x270] =	vst v19  }
0xb8: {  	v45 =	vadd.s32 s30, v9;
	v12 =	vld.idx.msk [tilespmem:v40+s8+$0x0], $0xffff  }
0xb9: {  	v46 =	vadd.s32 s30, v10;
	v13 =	vld.idx.msk [tilespmem:v41+s8+$0x0], $0xffff  }
0xba: {  	v47 =	vadd.s32 s30, v11;
	v14 =	vld.idx.msk [tilespmem:v42+s8+$0x0], $0xffff  }
0xbb: {  	v15 =	vld.idx.msk [tilespmem:v43+s8+$0x0], $0xffff  }
0xbc: {  	v16 =	vld.idx.msk [tilespmem:v44+s8+$0x0], $0xffff  }
0xbd: {  	v17 =	vld.idx.msk [tilespmem:v45+s8+$0x0], $0xffff  }
0xbe: {  	v18 =	vld.idx.msk [tilespmem:v46+s8+$0x0], $0xffff  }
0xbf: {  	v19 =	vld.idx.msk [tilespmem:v47+s8+$0x0], $0xffff;
	[tilespmem:s20+$0x280] =	vst v12  }
0xc0: {  	[tilespmem:s20+$0x290] =	vst v13  }
0xc1: {  	s31 =	sadd.s32 $0xFFFFFCD8, s19;
	[tilespmem:s20+$0x2A0] =	vst v14  }
0xc2: {  	v48 =	vadd.s32 s31, v4;
	[tilespmem:s20+$0x2B0] =	vst v15  }
0xc3: {  	v49 =	vadd.s32 s31, v5;
	[tilespmem:s20+$0x2C0] =	vst v16  }
0xc4: {  	v50 =	vadd.s32 s31, v6;
	[tilespmem:s20+$0x2D0] =	vst v17  }
0xc5: {  	v51 =	vadd.s32 s31, v7;
	[tilespmem:s20+$0x2E0] =	vst v18  }
0xc6: {  	v52 =	vadd.s32 s31, v8;
	[tilespmem:s20+$0x2F0] =	vst v19  }
0xc7: {  	v53 =	vadd.s32 s31, v9;
	v12 =	vld.idx.msk [tilespmem:v48+s8+$0x0], $0xffff  }
0xc8: {  	v54 =	vadd.s32 s31, v10;
	v13 =	vld.idx.msk [tilespmem:v49+s8+$0x0], $0xffff  }
0xc9: {  	v55 =	vadd.s32 s31, v11;
	v14 =	vld.idx.msk [tilespmem:v50+s8+$0x0], $0xffff  }
0xca: {  	v15 =	vld.idx.msk [tilespmem:v51+s8+$0x0], $0xffff  }
0xcb: {  	v16 =	vld.idx.msk [tilespmem:v52+s8+$0x0], $0xffff  }
0xcc: {  	v17 =	vld.idx.msk [tilespmem:v53+s8+$0x0], $0xffff  }
0xcd: {  	v18 =	vld.idx.msk [tilespmem:v54+s8+$0x0], $0xffff  }
0xce: {  	v19 =	vld.idx.msk [tilespmem:v55+s8+$0x0], $0xffff;
	[tilespmem:s20+$0x300] =	vst v12  }
0xcf: {  	[tilespmem:s20+$0x310] =	vst v13  }
0xd0: {  	[tilespmem:s20+$0x320] =	vst v14  }
0xd1: {  	v56 =	vadd.s32 s19, v4;
	[tilespmem:s20+$0x330] =	vst v15  }
0xd2: {  	v57 =	vadd.s32 s19, v5;
	[tilespmem:s20+$0x340] =	vst v16  }
0xd3: {  	v58 =	vadd.s32 s19, v6;
	[tilespmem:s20+$0x350] =	vst v17  }
0xd4: {  	v59 =	vadd.s32 s19, v7;
	[tilespmem:s20+$0x360] =	vst v18  }
0xd5: {  	v60 =	vadd.s32 s19, v8;
	[tilespmem:s20+$0x370] =	vst v19  }
0xd6: {  	v61 =	vadd.s32 s19, v9;
	v12 =	vld.idx.msk [tilespmem:v56+s8+$0x0], $0xffff  }
0xd7: {  	v62 =	vadd.s32 s19, v10;
	v13 =	vld.idx.msk [tilespmem:v57+s8+$0x0], $0xffff  }
0xd8: {  	v63 =	vadd.s32 s19, v11;
	v14 =	vld.idx.msk [tilespmem:v58+s8+$0x0], $0xffff  }
0xd9: {  	v15 =	vld.idx.msk [tilespmem:v59+s8+$0x0], $0xffff  }
0xda: {  	v16 =	vld.idx.msk [tilespmem:v60+s8+$0x0], $0xffff  }
0xdb: {  	v17 =	vld.idx.msk [tilespmem:v61+s8+$0x0], $0xffff  }
0xdc: {  	v18 =	vld.idx.msk [tilespmem:v62+s8+$0x0], $0xffff  }
0xdd: {  	v19 =	vld.idx.msk [tilespmem:v63+s8+$0x0], $0xffff;
	[tilespmem:s20+$0x380] =	vst v12  }
0xde: {  	[tilespmem:s20+$0x390] =	vst v13  }
0xdf: {  	[tilespmem:s20+$0x3A0] =	vst v14  }
0xe0: {  	[tilespmem:s20+$0x3B0] =	vst v15  }
0xe1: {  	p1 =	sne.s32 s19, $0xC6D8;
	[tilespmem:s20+$0x3C0] =	vst v16  }
.Ltmp1:
0xe2: {  	[tilespmem:s20+$0x3D0] =	vst v17;
	(pc) =	sbr.rel @p1 .LBB2_5-.Ltmp1, $4  }
0xe3: {  	[tilespmem:s20+$0x3E0] =	vst v18  }
0xe4: {  	[tilespmem:s20+$0x3F0] =	vst v19  }
0xe5: {  	[hbm4b:s21+s2] =	stream.linear.scatter [tilespmem:s20], [sflag:$0x1], $0x400, $0x38;
	[tilespmem:$0x1D2E0] =	vst v63  }
0xe6: {  	s19 =	sadd.s32 $0x1940, s19;
	s21 =	sadd.s32 $0x1000, s21;
	s20 =	sadd.s32 $0x400, s20  }
0xe7: {  	s19 =	simm.s32 @!p0 $0x2  }
0xe8: {  	_ =	swait.ge @!p0 [sflag:s19], $0x400  }
0xe9: {  	[sflag:s19] =	ssyncset.done @!p0 $0x0  }
0xea: {  	[sflag:s19] =	ssyncadd.s32 @!p0 $0xFFFFFC00  }
0xeb: {  	_ =	swait.ge @!p0 [sflag:s19], $0x400  }
0xec: {  	[sflag:s19] =	ssyncset.done @!p0 $0x0  }
0xed: {  	[sflag:s19] =	ssyncadd.s32 @!p0 $0xFFFFFC00  }
0xee: {  	_ =	swait.ge @!p0 [sflag:s19], $0x400  }
0xef: {  	[sflag:s19] =	ssyncset.done @!p0 $0x0  }
0xf0: {  	[sflag:s19] =	ssyncadd.s32 @!p0 $0xFFFFFC00  }
0xf1: {  	_ =	swait.ge @!p0 [sflag:s19], $0x400  }
0xf2: {  	[sflag:s19] =	ssyncset.done @!p0 $0x0  }
0xf3: {  	[sflag:s19] =	ssyncadd.s32 @!p0 $0xFFFFFC00  }
0xf4: {  	_ =	swait.ge @!p0 [sflag:s19], $0x400  }
0xf5: {  	[sflag:s19] =	ssyncset.done @!p0 $0x0  }
0xf6: {  	[sflag:s19] =	ssyncadd.s32 @!p0 $0xFFFFFC00  }
0xf7: {  	_ =	swait.ge @!p0 [sflag:s19], $0x400  }
0xf8: {  	[sflag:s19] =	ssyncset.done @!p0 $0x0  }
0xf9: {  	[sflag:s19] =	ssyncadd.s32 @!p0 $0xFFFFFC00  }
0xfa: {  	_ =	swait.ge @!p0 [sflag:s19], $0x400  }
0xfb: {  	[sflag:s19] =	ssyncset.done @!p0 $0x0  }
0xfc: {  	[sflag:s19] =	ssyncadd.s32 @!p0 $0xFFFFFC00  }
0xfd: {  	s18 =	sor.u32 $0x1, s18;
	_ =	swait.ge @!p0 [sflag:s19], $0x400  }
0xfe: {  	s18 =	smul.u32 $0x81, s18;
	[sflag:s19] =	ssyncset.done @!p0 $0x0  }
0xff: {  	[sflag:s19] =	ssyncadd.s32 @!p0 $0xFFFFFC00  }
0x100: {  	v4 =	vld [tilespmem:s18+$0x12E10];
	s18 =	sand.u32 $0xFFFF, s18  }
0x101: {  	v5 =	vld [tilespmem:s18+$0x12E20]  }
0x102: {  	v6 =	vld [tilespmem:s18+$0x12E30]  }
0x103: {  	v7 =	vld [tilespmem:s18+$0x12E40]  }
0x104: {  	v8 =	vld [tilespmem:s18+$0x12E50]  }
0x105: {  	v9 =	vld [tilespmem:s18+$0x12E60]  }
0x106: {  	v10 =	vld [tilespmem:s18+$0x12E70]  }
0x107: {  	v11 =	vld [tilespmem:s18+$0x12E80];
	_ =	sdelay $0x1  }
0x108: {  	v4 =	vshll.u32 v4, $0x3  }
0x109: {  	v5 =	vshll.u32 v5, $0x3;
	v6 =	vshll.u32 v6, $0x3;
	v7 =	vshll.u32 v7, $0x3  }
0x10a: {  	v8 =	vshll.u32 v8, $0x3;
	v9 =	vshll.u32 v9, $0x3;
	v10 =	vshll.u32 v10, $0x3  }
0x10b: {  	v11 =	vshll.u32 v11, $0x3;
	v4 =	vor.u32 v3, v4;
	v5 =	vor.u32 v3, v5  }
0x10c: {  	v6 =	vor.u32 v3, v6;
	v7 =	vor.u32 v3, v7;
	v8 =	vor.u32 v3, v8  }
0x10d: {  	s20 =	smov.u32 s16;
	s19 =	simm.s32 $0x1B2E0;
	s18 =	simm.s32 $0x1618;
	v9 =	vor.u32 v3, v9;
	v10 =	vor.u32 v3, v10;
	v11 =	vor.u32 v3, v11  }
.LBB2_7:
0x10e: {  	s21 =	sadd.s32 $0xFFFFE9E8, s18  }
0x10f: {  	v12 =	vadd.s32 s21, v4  }
0x110: {  	v13 =	vadd.s32 s21, v5  }
0x111: {  	v14 =	vadd.s32 s21, v6  }
0x112: {  	v15 =	vadd.s32 s21, v7  }
0x113: {  	v16 =	vadd.s32 s21, v8  }
0x114: {  	v17 =	vadd.s32 s21, v9;
	v12 =	vld.idx.msk [tilespmem:v12+s8+$0x0], $0xffff  }
0x115: {  	v18 =	vadd.s32 s21, v10;
	v13 =	vld.idx.msk [tilespmem:v13+s8+$0x0], $0xffff  }
0x116: {  	v19 =	vadd.s32 s21, v11;
	v14 =	vld.idx.msk [tilespmem:v14+s8+$0x0], $0xffff  }
0x117: {  	v15 =	vld.idx.msk [tilespmem:v15+s8+$0x0], $0xffff  }
0x118: {  	v16 =	vld.idx.msk [tilespmem:v16+s8+$0x0], $0xffff  }
0x119: {  	v17 =	vld.idx.msk [tilespmem:v17+s8+$0x0], $0xffff  }
0x11a: {  	v18 =	vld.idx.msk [tilespmem:v18+s8+$0x0], $0xffff  }
0x11b: {  	v19 =	vld.idx.msk [tilespmem:v19+s8+$0x0], $0xffff;
	[tilespmem:s19+$0x0] =	vst v12  }
0x11c: {  	[tilespmem:s19+$0x10] =	vst v13  }
0x11d: {  	s25 =	sadd.s32 $0xFFFFED10, s18;
	[tilespmem:s19+$0x20] =	vst v14  }
0x11e: {  	v51 =	vadd.s32 s25, v4;
	[tilespmem:s19+$0x30] =	vst v15  }
0x11f: {  	v52 =	vadd.s32 s25, v5;
	[tilespmem:s19+$0x40] =	vst v16  }
0x120: {  	v53 =	vadd.s32 s25, v6;
	[tilespmem:s19+$0x50] =	vst v17  }
0x121: {  	v54 =	vadd.s32 s25, v7;
	[tilespmem:s19+$0x60] =	vst v18  }
0x122: {  	v55 =	vadd.s32 s25, v8;
	[tilespmem:s19+$0x70] =	vst v19  }
0x123: {  	v56 =	vadd.s32 s25, v9;
	v12 =	vld.idx.msk [tilespmem:v51+s8+$0x0], $0xffff  }
0x124: {  	v57 =	vadd.s32 s25, v10;
	v13 =	vld.idx.msk [tilespmem:v52+s8+$0x0], $0xffff  }
0x125: {  	v58 =	vadd.s32 s25, v11;
	v14 =	vld.idx.msk [tilespmem:v53+s8+$0x0], $0xffff  }
0x126: {  	v15 =	vld.idx.msk [tilespmem:v54+s8+$0x0], $0xffff  }
0x127: {  	v16 =	vld.idx.msk [tilespmem:v55+s8+$0x0], $0xffff  }
0x128: {  	v17 =	vld.idx.msk [tilespmem:v56+s8+$0x0], $0xffff  }
0x129: {  	v18 =	vld.idx.msk [tilespmem:v57+s8+$0x0], $0xffff  }
0x12a: {  	v19 =	vld.idx.msk [tilespmem:v58+s8+$0x0], $0xffff;
	[tilespmem:s19+$0x80] =	vst v12  }
0x12b: {  	[tilespmem:s19+$0x90] =	vst v13  }
0x12c: {  	s26 =	sadd.s32 $0xFFFFF038, s18;
	[tilespmem:s19+$0xA0] =	vst v14  }
0x12d: {  	v59 =	vadd.s32 s26, v4;
	[tilespmem:s19+$0xB0] =	vst v15  }
0x12e: {  	v60 =	vadd.s32 s26, v5;
	[tilespmem:s19+$0xC0] =	vst v16  }
0x12f: {  	v61 =	vadd.s32 s26, v6;
	[tilespmem:s19+$0xD0] =	vst v17  }
0x130: {  	v62 =	vadd.s32 s26, v7;
	[tilespmem:s19+$0xE0] =	vst v18  }
0x131: {  	v63 =	vadd.s32 s26, v8;
	[tilespmem:s19+$0xF0] =	vst v19  }
0x132: {  	v21 =	vadd.s32 s26, v9;
	v12 =	vld.idx.msk [tilespmem:v59+s8+$0x0], $0xffff  }
0x133: {  	v22 =	vadd.s32 s26, v10;
	v13 =	vld.idx.msk [tilespmem:v60+s8+$0x0], $0xffff  }
0x134: {  	v23 =	vadd.s32 s26, v11;
	v14 =	vld.idx.msk [tilespmem:v61+s8+$0x0], $0xffff  }
0x135: {  	v15 =	vld.idx.msk [tilespmem:v62+s8+$0x0], $0xffff  }
0x136: {  	v16 =	vld.idx.msk [tilespmem:v63+s8+$0x0], $0xffff  }
0x137: {  	v17 =	vld.idx.msk [tilespmem:v21+s8+$0x0], $0xffff  }
0x138: {  	v18 =	vld.idx.msk [tilespmem:v22+s8+$0x0], $0xffff  }
0x139: {  	v19 =	vld.idx.msk [tilespmem:v23+s8+$0x0], $0xffff;
	[tilespmem:s19+$0x100] =	vst v12  }
0x13a: {  	[tilespmem:s19+$0x110] =	vst v13  }
0x13b: {  	s28 =	sadd.s32 $0xFFFFF360, s18;
	[tilespmem:s19+$0x120] =	vst v14  }
0x13c: {  	v24 =	vadd.s32 s28, v4;
	[tilespmem:s19+$0x130] =	vst v15  }
0x13d: {  	v25 =	vadd.s32 s28, v5;
	[tilespmem:s19+$0x140] =	vst v16  }
0x13e: {  	v26 =	vadd.s32 s28, v6;
	[tilespmem:s19+$0x150] =	vst v17  }
0x13f: {  	v27 =	vadd.s32 s28, v7;
	[tilespmem:s19+$0x160] =	vst v18  }
0x140: {  	v28 =	vadd.s32 s28, v8;
	[tilespmem:s19+$0x170] =	vst v19  }
0x141: {  	v29 =	vadd.s32 s28, v9;
	v12 =	vld.idx.msk [tilespmem:v24+s8+$0x0], $0xffff  }
0x142: {  	v30 =	vadd.s32 s28, v10;
	v13 =	vld.idx.msk [tilespmem:v25+s8+$0x0], $0xffff  }
0x143: {  	v31 =	vadd.s32 s28, v11;
	v14 =	vld.idx.msk [tilespmem:v26+s8+$0x0], $0xffff  }
0x144: {  	v15 =	vld.idx.msk [tilespmem:v27+s8+$0x0], $0xffff  }
0x145: {  	v16 =	vld.idx.msk [tilespmem:v28+s8+$0x0], $0xffff  }
0x146: {  	v17 =	vld.idx.msk [tilespmem:v29+s8+$0x0], $0xffff  }
0x147: {  	v18 =	vld.idx.msk [tilespmem:v30+s8+$0x0], $0xffff  }
0x148: {  	v19 =	vld.idx.msk [tilespmem:v31+s8+$0x0], $0xffff;
	[tilespmem:s19+$0x180] =	vst v12  }
0x149: {  	[tilespmem:s19+$0x190] =	vst v13  }
0x14a: {  	s29 =	sadd.s32 $0xFFFFF688, s18;
	[tilespmem:s19+$0x1A0] =	vst v14  }
0x14b: {  	v32 =	vadd.s32 s29, v4;
	[tilespmem:s19+$0x1B0] =	vst v15  }
0x14c: {  	v33 =	vadd.s32 s29, v5;
	[tilespmem:s19+$0x1C0] =	vst v16  }
0x14d: {  	v34 =	vadd.s32 s29, v6;
	[tilespmem:s19+$0x1D0] =	vst v17  }
0x14e: {  	v35 =	vadd.s32 s29, v7;
	[tilespmem:s19+$0x1E0] =	vst v18  }
0x14f: {  	v36 =	vadd.s32 s29, v8;
	[tilespmem:s19+$0x1F0] =	vst v19  }
0x150: {  	v37 =	vadd.s32 s29, v9;
	v12 =	vld.idx.msk [tilespmem:v32+s8+$0x0], $0xffff  }
0x151: {  	v38 =	vadd.s32 s29, v10;
	v13 =	vld.idx.msk [tilespmem:v33+s8+$0x0], $0xffff  }
0x152: {  	v39 =	vadd.s32 s29, v11;
	v14 =	vld.idx.msk [tilespmem:v34+s8+$0x0], $0xffff  }
0x153: {  	v15 =	vld.idx.msk [tilespmem:v35+s8+$0x0], $0xffff  }
0x154: {  	v16 =	vld.idx.msk [tilespmem:v36+s8+$0x0], $0xffff  }
0x155: {  	v17 =	vld.idx.msk [tilespmem:v37+s8+$0x0], $0xffff  }
0x156: {  	v18 =	vld.idx.msk [tilespmem:v38+s8+$0x0], $0xffff  }
0x157: {  	v19 =	vld.idx.msk [tilespmem:v39+s8+$0x0], $0xffff;
	[tilespmem:s19+$0x200] =	vst v12  }
0x158: {  	[tilespmem:s19+$0x210] =	vst v13  }
0x159: {  	s30 =	sadd.s32 $0xFFFFF9B0, s18;
	[tilespmem:s19+$0x220] =	vst v14  }
0x15a: {  	v40 =	vadd.s32 s30, v4;
	[tilespmem:s19+$0x230] =	vst v15  }
0x15b: {  	v41 =	vadd.s32 s30, v5;
	[tilespmem:s19+$0x240] =	vst v16  }
0x15c: {  	v42 =	vadd.s32 s30, v6;
	[tilespmem:s19+$0x250] =	vst v17  }
0x15d: {  	v43 =	vadd.s32 s30, v7;
	[tilespmem:s19+$0x260] =	vst v18  }
0x15e: {  	v44 =	vadd.s32 s30, v8;
	[tilespmem:s19+$0x270] =	vst v19  }
0x15f: {  	v45 =	vadd.s32 s30, v9;
	v12 =	vld.idx.msk [tilespmem:v40+s8+$0x0], $0xffff  }
0x160: {  	v46 =	vadd.s32 s30, v10;
	v13 =	vld.idx.msk [tilespmem:v41+s8+$0x0], $0xffff  }
0x161: {  	v47 =	vadd.s32 s30, v11;
	v14 =	vld.idx.msk [tilespmem:v42+s8+$0x0], $0xffff  }
0x162: {  	v15 =	vld.idx.msk [tilespmem:v43+s8+$0x0], $0xffff  }
0x163: {  	v16 =	vld.idx.msk [tilespmem:v44+s8+$0x0], $0xffff  }
0x164: {  	v17 =	vld.idx.msk [tilespmem:v45+s8+$0x0], $0xffff  }
0x165: {  	v18 =	vld.idx.msk [tilespmem:v46+s8+$0x0], $0xffff  }
0x166: {  	v19 =	vld.idx.msk [tilespmem:v47+s8+$0x0], $0xffff;
	[tilespmem:s19+$0x280] =	vst v12  }
0x167: {  	[tilespmem:s19+$0x290] =	vst v13  }
0x168: {  	s31 =	sadd.s32 $0xFFFFFCD8, s18;
	[tilespmem:s19+$0x2A0] =	vst v14  }
0x169: {  	v48 =	vadd.s32 s31, v4;
	[tilespmem:s19+$0x2B0] =	vst v15  }
0x16a: {  	v49 =	vadd.s32 s31, v5;
	[tilespmem:s19+$0x2C0] =	vst v16  }
0x16b: {  	v50 =	vadd.s32 s31, v6;
	[tilespmem:s19+$0x2D0] =	vst v17  }
0x16c: {  	v51 =	vadd.s32 s31, v7;
	[tilespmem:s19+$0x2E0] =	vst v18  }
0x16d: {  	v52 =	vadd.s32 s31, v8;
	[tilespmem:s19+$0x2F0] =	vst v19  }
0x16e: {  	v53 =	vadd.s32 s31, v9;
	v12 =	vld.idx.msk [tilespmem:v48+s8+$0x0], $0xffff  }
0x16f: {  	v54 =	vadd.s32 s31, v10;
	v13 =	vld.idx.msk [tilespmem:v49+s8+$0x0], $0xffff  }
0x170: {  	v55 =	vadd.s32 s31, v11;
	v14 =	vld.idx.msk [tilespmem:v50+s8+$0x0], $0xffff  }
0x171: {  	v15 =	vld.idx.msk [tilespmem:v51+s8+$0x0], $0xffff  }
0x172: {  	v16 =	vld.idx.msk [tilespmem:v52+s8+$0x0], $0xffff  }
0x173: {  	v17 =	vld.idx.msk [tilespmem:v53+s8+$0x0], $0xffff  }
0x174: {  	v18 =	vld.idx.msk [tilespmem:v54+s8+$0x0], $0xffff  }
0x175: {  	v19 =	vld.idx.msk [tilespmem:v55+s8+$0x0], $0xffff;
	[tilespmem:s19+$0x300] =	vst v12  }
0x176: {  	[tilespmem:s19+$0x310] =	vst v13  }
0x177: {  	[tilespmem:s19+$0x320] =	vst v14  }
0x178: {  	v56 =	vadd.s32 s18, v4;
	[tilespmem:s19+$0x330] =	vst v15  }
0x179: {  	v57 =	vadd.s32 s18, v5;
	[tilespmem:s19+$0x340] =	vst v16  }
0x17a: {  	v58 =	vadd.s32 s18, v6;
	[tilespmem:s19+$0x350] =	vst v17  }
0x17b: {  	v59 =	vadd.s32 s18, v7;
	[tilespmem:s19+$0x360] =	vst v18  }
0x17c: {  	v60 =	vadd.s32 s18, v8;
	[tilespmem:s19+$0x370] =	vst v19  }
0x17d: {  	v61 =	vadd.s32 s18, v9;
	v12 =	vld.idx.msk [tilespmem:v56+s8+$0x0], $0xffff  }
0x17e: {  	v62 =	vadd.s32 s18, v10;
	v13 =	vld.idx.msk [tilespmem:v57+s8+$0x0], $0xffff  }
0x17f: {  	v63 =	vadd.s32 s18, v11;
	v14 =	vld.idx.msk [tilespmem:v58+s8+$0x0], $0xffff  }
0x180: {  	v15 =	vld.idx.msk [tilespmem:v59+s8+$0x0], $0xffff  }
0x181: {  	v16 =	vld.idx.msk [tilespmem:v60+s8+$0x0], $0xffff  }
0x182: {  	v17 =	vld.idx.msk [tilespmem:v61+s8+$0x0], $0xffff  }
0x183: {  	v18 =	vld.idx.msk [tilespmem:v62+s8+$0x0], $0xffff  }
0x184: {  	v19 =	vld.idx.msk [tilespmem:v63+s8+$0x0], $0xffff;
	[tilespmem:s19+$0x380] =	vst v12  }
0x185: {  	[tilespmem:s19+$0x390] =	vst v13  }
0x186: {  	[tilespmem:s19+$0x3A0] =	vst v14  }
0x187: {  	[tilespmem:s19+$0x3B0] =	vst v15  }
0x188: {  	p0 =	sne.s32 s18, $0xC6D8;
	[tilespmem:s19+$0x3C0] =	vst v16  }
.Ltmp2:
0x189: {  	[tilespmem:s19+$0x3D0] =	vst v17;
	(pc) =	sbr.rel @p0 .LBB2_7-.Ltmp2, $4  }
0x18a: {  	[tilespmem:s19+$0x3E0] =	vst v18  }
0x18b: {  	[tilespmem:s19+$0x3F0] =	vst v19  }
0x18c: {  	[hbm4b:s20+s2] =	stream.linear.scatter [tilespmem:s19], [sflag:$0x2], $0x400, $0x38;
	[tilespmem:$0x1D2E0] =	vst v63  }
0x18d: {  	s18 =	sadd.s32 $0x1940, s18;
	s20 =	sadd.s32 $0x1000, s20;
	s19 =	sadd.s32 $0x400, s19  }
0x18e: {  	s15 =	sadd.s32 $0x1, s15  }
0x18f: {  	p0 =	sne.s32 s15, $0x64  }
.Ltmp3:
0x190: {  	_ = 	snop;
	(pc) =	sbr.rel @p0 .LBB2_4-.Ltmp3, $2  }
0x191: {  	_ =	sdelay $0x2  }
0x192: {  	s17 =	sadd.s32 $0x10000, s17;
	s16 =	sadd.s32 $0x10000, s16  }
0x193: {  	_ =	swait.ge [sflag:s12], $0x400  }
0x194: {  	[sflag:s12] =	ssyncset.done $0x0  }
0x195: {  	[sflag:s12] =	ssyncadd.s32 $0xFFFFFC00  }
0x196: {  	_ =	swait.ge [sflag:s12], $0x400  }
0x197: {  	[sflag:s12] =	ssyncset.done $0x0  }
0x198: {  	[sflag:s12] =	ssyncadd.s32 $0xFFFFFC00  }
0x199: {  	_ =	swait.ge [sflag:s12], $0x400  }
0x19a: {  	[sflag:s12] =	ssyncset.done $0x0  }
0x19b: {  	[sflag:s12] =	ssyncadd.s32 $0xFFFFFC00  }
0x19c: {  	_ =	swait.ge [sflag:s12], $0x400  }
0x19d: {  	[sflag:s12] =	ssyncset.done $0x0  }
0x19e: {  	[sflag:s12] =	ssyncadd.s32 $0xFFFFFC00  }
0x19f: {  	_ =	swait.ge [sflag:s12], $0x400  }
0x1a0: {  	[sflag:s12] =	ssyncset.done $0x0  }
0x1a1: {  	[sflag:s12] =	ssyncadd.s32 $0xFFFFFC00  }
0x1a2: {  	_ =	swait.ge [sflag:s12], $0x400  }
0x1a3: {  	[sflag:s12] =	ssyncset.done $0x0  }
0x1a4: {  	[sflag:s12] =	ssyncadd.s32 $0xFFFFFC00  }
0x1a5: {  	_ =	swait.ge [sflag:s12], $0x400  }
0x1a6: {  	[sflag:s12] =	ssyncset.done $0x0  }
0x1a7: {  	[sflag:s12] =	ssyncadd.s32 $0xFFFFFC00  }
0x1a8: {  	_ =	swait.ge [sflag:s12], $0x400  }
0x1a9: {  	[sflag:s12] =	ssyncset.done $0x0  }
0x1aa: {  	[sflag:s12] =	ssyncadd.s32 $0xFFFFFC00  }
0x1ab: {  	_ =	swait.ge [sflag:s13], $0x400  }
0x1ac: {  	[sflag:s13] =	ssyncset.done $0x0  }
0x1ad: {  	[sflag:s13] =	ssyncadd.s32 $0xFFFFFC00  }
0x1ae: {  	_ =	swait.ge [sflag:s13], $0x400  }
0x1af: {  	[sflag:s13] =	ssyncset.done $0x0  }
0x1b0: {  	[sflag:s13] =	ssyncadd.s32 $0xFFFFFC00  }
0x1b1: {  	_ =	swait.ge [sflag:s13], $0x400  }
0x1b2: {  	[sflag:s13] =	ssyncset.done $0x0  }
0x1b3: {  	[sflag:s13] =	ssyncadd.s32 $0xFFFFFC00  }
0x1b4: {  	_ =	swait.ge [sflag:s13], $0x400  }
0x1b5: {  	[sflag:s13] =	ssyncset.done $0x0  }
0x1b6: {  	[sflag:s13] =	ssyncadd.s32 $0xFFFFFC00  }
0x1b7: {  	_ =	swait.ge [sflag:s13], $0x400  }
0x1b8: {  	[sflag:s13] =	ssyncset.done $0x0  }
0x1b9: {  	[sflag:s13] =	ssyncadd.s32 $0xFFFFFC00  }
0x1ba: {  	_ =	swait.ge [sflag:s13], $0x400  }
0x1bb: {  	[sflag:s13] =	ssyncset.done $0x0  }
0x1bc: {  	s14 =	sadd.s32 $0x1, s14;
	[sflag:s13] =	ssyncadd.s32 $0xFFFFFC00  }
0x1bd: {  	p0 =	sne.s32 s14, s6;
	_ =	swait.ge [sflag:s13], $0x400  }
.Ltmp4:
0x1be: {  	[sflag:s13] =	ssyncset.done $0x0;
	(pc) =	sbr.rel @p0 .LBB2_1-.Ltmp4, $4  }
0x1bf: {  	[sflag:s13] =	ssyncadd.s32 $0xFFFFFC00  }
0x1c0: {  	_ =	swait.ge [sflag:s13], $0x400  }
0x1c1: {  	[sflag:s13] =	ssyncset.done $0x0  }
0x1c2: {  	[sflag:s13] =	ssyncadd.s32 $0xFFFFFC00  }
0x1c3: {  	_ =	sfence.sel $0x180000  }
0x1c4: {  	[bflag:$0x0] =	sbarrier.arrive $0xFFFF  }
0x1c5: {  	p0 =	sne.s32 s3, $0x0;
	_ =	strace $0x90000047  }
0x1c6: {  	s0 =	sadd.s32 @!p0 $0x100000, s0;
	[bflag:$0x2] =	sbarrier.arrive $0xFFFF  }
0x1c7: {  	[sflag:s0] =	ssyncadd.tile.s32 @!p0 $0x1;
	_ =	shalt  }
.Lfunc_end2:
_tile_overlayer_lowered:
.L_overlay_start_2:
0x1c8: {  	(tag) =	ssettag $0x2  }
0x1c9: {  	s0 =	rddreg [dreg:$0x0];
	s2 =	stileid.u32  }
0x1ca: {  	s1 =	rddreg [dreg:$0x1];
	p0 =	sne.s32 s2, $0x0  }
0x1cb: {  	s3 =	rddreg [dreg:$0x2];
	[bflag:$0x3] =	sbarrier.arrive $0xFFFF;
	s2 =	simm.s32 @!p0 $0x1C03  }
0x1cc: {  	[timem:s3], [sflag:s2] =	dma.local @!p0 [hbm:s0], s1  }
0x1cd: {  	s0 =	simm.s32 @!p0 $0x3  }
0x1ce: {  	_ =	swait.ge @!p0 [sflag:s0], s1  }
0x1cf: {  	s1 =	ssub.s32 @!p0 $0x0, s1;
	[sflag:s0] =	ssyncset.done @!p0 $0x0  }
0x1d0: {  	[sflag:s0] =	ssyncadd.s32 @!p0 s1  }
0x1d1: {  	[bflag:$0x3] =	sbarrier.arrive $0xFFFF  }
0x1d2: {  	_ =	shalt  }

</sc_bundles>
